<compile_context>
chip_gen: v7x
topology: tpu7x:2x2x1
jax: 0.10.2.dev20260603
libtpu: 0.0.44.dev20260713+nightly
codegen_flags: <defaults>
</compile_context>

<pallas_src>
import jax
import jax.numpy as jnp
from jax import lax
from jax.experimental import pallas as pl
from jax.experimental.pallas import tpu as pltpu
from jax.experimental.pallas import tpu_sc as plsc

NUM_EMBEDDINGS = 1000000
EMBEDDING_DIM = 32
BATCH = 4096
SEQ_LEN = 200

_B = BATCH * SEQ_LEN
_NC = 2
_NS = 16
_NW = _NC * _NS
_PER_W = _B // _NW
_BPW = BATCH // _NW
_BPC = 2
_CHUNK = _BPC * SEQ_LEN
_NCHUNK = _PER_W // _CHUNK
_JT = SEQ_LEN // 8


def _body(xq_hbm, w_hbm, out_hbm, idxr_v, idx_v, rows_v, trans_v, gsems, wsems):
    wid = lax.axis_index("s") * _NC + lax.axis_index("c")
    iot = lax.iota(jnp.int32, 16)
    iot16 = iot + 16
    biot = iot * SEQ_LEN
    zero16 = jnp.full((16,), 0, jnp.int32)

    pltpu.sync_copy(xq_hbm.at[:, wid], idxr_v)

    @plsc.parallel_loop(0, SEQ_LEN, unroll=8)
    def _(q):
        jt = q >> 3
        j8 = q & 7
        for k in range(8):
            v = idxr_v[jt, j8, pl.ds(16 * k, 16)]
            plsc.store_scatter(idx_v, [biot + (16 * k * SEQ_LEN) + q], v)

    def start_gather(k, pb):
        pltpu.make_async_copy(
            w_hbm.at[idx_v.at[pl.ds(k * _CHUNK, _CHUNK)]],
            rows_v.at[pb],
            gsems.at[pb],
        ).start()

    def wait_gather(pb):
        pltpu.make_async_copy(
            w_hbm.at[idx_v.at[pl.ds(0, _CHUNK)]], rows_v.at[pb], gsems.at[pb]
        ).wait()

    def start_write(k, pb):
        b0 = wid * _BPW + k * _BPC
        for bi in range(_BPC):
            pltpu.make_async_copy(
                trans_v.at[pb, bi], out_hbm.at[b0 + bi], wsems.at[pb]
            ).start()

    def wait_write(pb):
        pltpu.make_async_copy(
            trans_v.at[pb], out_hbm.at[pl.ds(0, _BPC)], wsems.at[pb]
        ).wait()

    def transpose(pb):
        @plsc.parallel_loop(0, _CHUNK, unroll=8)
        def _(r):
            bi = jnp.where(r >= SEQ_LEN, 1, 0)
            j = r - bi * SEQ_LEN
            bi_v = zero16 + bi
            j_v = zero16 + j
            v0 = rows_v[pb, r, pl.ds(0, 16)]
            v1 = rows_v[pb, r, pl.ds(16, 16)]
            plsc.store_scatter(trans_v.at[pb], [bi_v, iot, j_v], v0)
            plsc.store_scatter(trans_v.at[pb], [bi_v, iot16, j_v], v1)

    start_gather(0, 0)
    start_gather(1, 1)
    for k in range(2):
        wait_gather(k)
        transpose(k)
        start_gather(k + 2, k)
        start_write(k, k)

    def steady(p, carry):
        for b in range(2):
            k = 2 * p + b
            wait_gather(b)
            wait_write(b)
            transpose(b)
            start_gather(k + 2, b)
            start_write(k, b)
        return carry

    lax.fori_loop(1, _NCHUNK // 2 - 1, steady, 0)

    for b in range(2):
        k = _NCHUNK - 2 + b
        wait_gather(b)
        wait_write(b)
        transpose(b)
        start_write(k, b)
    wait_write(0)
    wait_write(1)


@jax.jit
def _run(xq, weight):
    mesh = plsc.VectorSubcoreMesh(core_axis_name="c", subcore_axis_name="s")
    return pl.kernel(
        _body,
        out_type=jax.ShapeDtypeStruct((BATCH, EMBEDDING_DIM, SEQ_LEN),
                                      jnp.float32),
        mesh=mesh,
        scratch_types=[
            pltpu.VMEM((_JT, 8, 128), jnp.int32),
            pltpu.VMEM((_PER_W,), jnp.int32),
            pltpu.VMEM((2, _CHUNK, EMBEDDING_DIM), jnp.float32),
            pltpu.VMEM((2, _BPC, EMBEDDING_DIM, SEQ_LEN), jnp.float32),
            pltpu.SemaphoreType.DMA((2,)),
            pltpu.SemaphoreType.DMA((2,)),
        ],
        compiler_params=pltpu.CompilerParams(
            use_tc_tiling_on_sc=False, needs_layout_passes=False
        ),
    )(xq, weight)


def kernel(x, weight):
    xq = x.T.reshape(_JT, 8, _NW, _BPW).transpose(0, 2, 1, 3)
    out3 = _run(xq, weight)
    return out3.transpose(0, 2, 1)

# --- scband reference (transcript-rebuilt; emitter-appended) ---
"""Pipeline reference for scband-embedding-5007931867657 (READ-ONLY COPY).

The authoritative reference and input builder live on the scoring server;
editing this copy changes nothing except your own understanding.
"""

import jax, jax.numpy as jnp
import numpy as np

NUM_EMBEDDINGS = 1000000
EMBEDDING_DIM = 32
BATCH = 4096
SEQ_LEN = 200


def setup_inputs(seed: int = 0) -> dict:
    key = jax.random.key(seed)
    k_idx, k_w = jax.random.split(key)
    x = jax.random.randint(k_idx, (BATCH, SEQ_LEN), 0, NUM_EMBEDDINGS, dtype=jnp.int64 if jax.config.jax_enable_x64 else jnp.int32)
    sigma = 1.0 / (EMBEDDING_DIM ** 0.5)
    # trunc_normal_(std=sigma, a=-3*sigma, b=3*sigma)
    weight = jax.random.truncated_normal(k_w, -3.0, 3.0, (NUM_EMBEDDINGS, EMBEDDING_DIM), dtype=jnp.float32) * sigma
    return {"x": x, "weight": weight}


def reference(x, weight):
    # torch.index_select(weight, 0, x.reshape(-1)).view(*x.size(), -1)
    flat = x.reshape(-1)
    out = jnp.take(weight, flat, axis=0)
    return out.reshape(x.shape[0], x.shape[1], EMBEDDING_DIM)

if __name__ == "__main__":
    import jax
    _d = setup_inputs()
    print(jax.jit(kernel)(*tuple(_d.values())))

</pallas_src>

<mosaic_0001>
#map = affine_map<(d0, d1) -> (0, 0, 0, 0)>
#map1 = affine_map<(d0, d1) -> (0, 0)>
#map2 = affine_map<(d0, d1) -> (0, 0, 0)>
module attributes {stable_mosaic.version = 14 : i64} {
  func.func @_body(%arg0: i32, %arg1: i32, %arg2: memref<25x32x8x128xi32, #tpu.memory_space<hbm>>, %arg3: memref<1000000x32xf32, #tpu.memory_space<hbm>>, %arg4: memref<4096x32x200xf32, #tpu.memory_space<hbm>>, %arg5: memref<25x8x128xi32, #tpu.memory_space<vmem>>, %arg6: memref<25600xi32, #tpu.memory_space<vmem>>, %arg7: memref<2x400x32xf32, #tpu.memory_space<vmem>>, %arg8: memref<2x2x32x200xf32, #tpu.memory_space<vmem>>, %arg9: memref<2x!tpu.dma_semaphore, #tpu.memory_space<semaphore_mem>>, %arg10: memref<2x!tpu.dma_semaphore, #tpu.memory_space<semaphore_mem>>) attributes {dimension_semantics = [#tpu.dimension_semantics<core_parallel>, #tpu.dimension_semantics<subcore_parallel>], iteration_bounds = array<i64: 2, 16>, scalar_prefetch = 0 : i64, scratch_operands = 6 : i64, tpu.core_type = #tpu.core_type<sc_vector_subcore>, window_params = [{transform_indices = #map}, {transform_indices = #map1}, {transform_indices = #map2}]} {
    %mul3A = arith.constant 2 : i32
    %mul3A_0 = arith.muli %arg1, %mul3A : i32
    %add3A = arith.addi %mul3A_0, %arg0 : i32
    %iota3A = tpu.iota {dimensions = array<i32: 0>} : vector<16xi32>
    %add3A_1 = arith.constant 16 : i32
    %add3A_2 = vector.broadcast %add3A_1 : i32 to vector<16xi32>
    %add3A_3 = arith.addi %iota3A, %add3A_2 : vector<16xi32>
    %mul3A_4 = arith.constant 200 : i32
    %mul3A_5 = vector.broadcast %mul3A_4 : i32 to vector<16xi32>
    %mul3A_6 = arith.muli %iota3A, %mul3A_5 : vector<16xi32>
    %broadcast_in_dim3A = arith.constant 0 : i32
    %broadcast_in_dim3A_7 = vector.broadcast %broadcast_in_dim3A : i32 to vector<16xi32>
    "tpu.region"() ({
      %run_scoped3A = tpu.sem_alloc : memref<!tpu.dma_semaphore, #tpu.memory_space<semaphore_mem>>
      %dma_start3A_417 = arith.constant 0 : i32
      %dma_start3A_418 = arith.constant 0 : i32
      %dma_start3A_419 = arith.constant 0 : i32
      %dma_start3A_420 = tpu.memref_slice %arg2[%dma_start3A_417, %add3A, %dma_start3A_418, %dma_start3A_419] : memref<25x32x8x128xi32, #tpu.memory_space<hbm>> -> memref<25x1x8x128xi32, #tpu.memory_space<hbm>>
      %dma_start3A_421 = tpu.memref_squeeze %dma_start3A_420 : memref<25x1x8x128xi32, #tpu.memory_space<hbm>> -> memref<25x8x128xi32, #tpu.memory_space<hbm>>
      %dma_start3A_422 = arith.constant 0 : i32
      %dma_start3A_423 = arith.constant 0 : i32
      %dma_start3A_424 = arith.constant 0 : i32
      %dma_start3A_425 = tpu.memref_slice %arg2[%dma_start3A_422, %add3A, %dma_start3A_423, %dma_start3A_424] : memref<25x32x8x128xi32, #tpu.memory_space<hbm>> -> memref<25x1x8x128xi32, #tpu.memory_space<hbm>>
      %dma_start3A_426 = tpu.memref_squeeze %dma_start3A_425 : memref<25x1x8x128xi32, #tpu.memory_space<hbm>> -> memref<25x8x128xi32, #tpu.memory_space<hbm>>
      tpu.enqueue_dma source(%dma_start3A_426 : memref<25x8x128xi32, #tpu.memory_space<hbm>>) target(%arg5 : memref<25x8x128xi32, #tpu.memory_space<vmem>>) target_semaphore(%run_scoped3A : memref<!tpu.dma_semaphore, #tpu.memory_space<semaphore_mem>>)
      %dma_wait3A_427 = arith.constant 0 : i32
      %dma_wait3A_428 = arith.constant 0 : i32
      %dma_wait3A_429 = arith.constant 0 : i32
      %dma_wait3A_430 = tpu.memref_slice %arg2[%dma_wait3A_427, %add3A, %dma_wait3A_428, %dma_wait3A_429] : memref<25x32x8x128xi32, #tpu.memory_space<hbm>> -> memref<25x1x8x128xi32, #tpu.memory_space<hbm>>
      %dma_wait3A_431 = tpu.memref_squeeze %dma_wait3A_430 : memref<25x1x8x128xi32, #tpu.memory_space<hbm>> -> memref<25x8x128xi32, #tpu.memory_space<hbm>>
      %dma_wait3A_432 = arith.constant 0 : i32
      %dma_wait3A_433 = arith.constant 0 : i32
      %dma_wait3A_434 = arith.constant 0 : i32
      %dma_wait3A_435 = tpu.memref_slice %arg2[%dma_wait3A_432, %add3A, %dma_wait3A_433, %dma_wait3A_434] : memref<25x32x8x128xi32, #tpu.memory_space<hbm>> -> memref<25x1x8x128xi32, #tpu.memory_space<hbm>>
      %dma_wait3A_436 = tpu.memref_squeeze %dma_wait3A_435 : memref<25x1x8x128xi32, #tpu.memory_space<hbm>> -> memref<25x8x128xi32, #tpu.memory_space<hbm>>
      tpu.wait_dma2 semaphore(%run_scoped3A : memref<!tpu.dma_semaphore, #tpu.memory_space<semaphore_mem>>) src(%dma_wait3A_436 : memref<25x8x128xi32, #tpu.memory_space<hbm>>) dst(%arg5 : memref<25x8x128xi32, #tpu.memory_space<vmem>>)
      tpu.yield
    }) : () -> ()
    %parallel_loop3A = arith.constant 0 : i32
    %parallel_loop3A_8 = arith.constant 200 : i32
    %parallel_loop3A_9 = arith.constant 1 : i32
    scf.for %parallel_loop3A_417 = %parallel_loop3A to %parallel_loop3A_8 step %parallel_loop3A_9  : i32 {
      %parallel_loop3A_418 = arith.constant 3 : i32
      %parallel_loop3A_419 = arith.shrsi %parallel_loop3A_417, %parallel_loop3A_418 : i32
      %parallel_loop3A_420 = arith.constant 7 : i32
      %parallel_loop3A_421 = arith.andi %parallel_loop3A_417, %parallel_loop3A_420 : i32
      %parallel_loop3A_422 = arith.index_cast %parallel_loop3A_419 : i32 to index
      %parallel_loop3A_423 = arith.index_cast %parallel_loop3A_421 : i32 to index
      %parallel_loop3A_424 = arith.constant 0 : index
      %parallel_loop3A_425 = tpu.vector_load %arg5[%parallel_loop3A_422, %parallel_loop3A_423, %parallel_loop3A_424] {strides = array<i32>} : memref<25x8x128xi32, #tpu.memory_space<vmem>>, vector<16xi32>,
      %parallel_loop3A_426 = arith.constant 0 : i32
      %parallel_loop3A_427 = vector.broadcast %parallel_loop3A_426 : i32 to vector<16xi32>
      %parallel_loop3A_428 = arith.addi %mul3A_6, %parallel_loop3A_427 : vector<16xi32>
      %parallel_loop3A_429 = vector.broadcast %parallel_loop3A_417 : i32 to vector<16xi32>
      %parallel_loop3A_430 = arith.addi %parallel_loop3A_428, %parallel_loop3A_429 : vector<16xi32>
      tpu.vector_store_idx %arg6[%parallel_loop3A_430], %parallel_loop3A_425 : memref<25600xi32, #tpu.memory_space<vmem>>[vector<16xi32>], vector<16xi32>,
      %parallel_loop3A_431 = arith.index_cast %parallel_loop3A_419 : i32 to index
      %parallel_loop3A_432 = arith.index_cast %parallel_loop3A_421 : i32 to index
      %parallel_loop3A_433 = arith.constant 16 : index
      %parallel_loop3A_434 = tpu.vector_load %arg5[%parallel_loop3A_431, %parallel_loop3A_432, %parallel_loop3A_433] {strides = array<i32>} : memref<25x8x128xi32, #tpu.memory_space<vmem>>, vector<16xi32>,
      %parallel_loop3A_435 = arith.constant 3200 : i32
      %parallel_loop3A_436 = vector.broadcast %parallel_loop3A_435 : i32 to vector<16xi32>
      %parallel_loop3A_437 = arith.addi %mul3A_6, %parallel_loop3A_436 : vector<16xi32>
      %parallel_loop3A_438 = vector.broadcast %parallel_loop3A_417 : i32 to vector<16xi32>
      %parallel_loop3A_439 = arith.addi %parallel_loop3A_437, %parallel_loop3A_438 : vector<16xi32>
      tpu.vector_store_idx %arg6[%parallel_loop3A_439], %parallel_loop3A_434 : memref<25600xi32, #tpu.memory_space<vmem>>[vector<16xi32>], vector<16xi32>,
      %parallel_loop3A_440 = arith.index_cast %parallel_loop3A_419 : i32 to index
      %parallel_loop3A_441 = arith.index_cast %parallel_loop3A_421 : i32 to index
      %parallel_loop3A_442 = arith.constant 32 : index
      %parallel_loop3A_443 = tpu.vector_load %arg5[%parallel_loop3A_440, %parallel_loop3A_441, %parallel_loop3A_442] {strides = array<i32>} : memref<25x8x128xi32, #tpu.memory_space<vmem>>, vector<16xi32>,
      %parallel_loop3A_444 = arith.constant 6400 : i32
      %parallel_loop3A_445 = vector.broadcast %parallel_loop3A_444 : i32 to vector<16xi32>
      %parallel_loop3A_446 = arith.addi %mul3A_6, %parallel_loop3A_445 : vector<16xi32>
      %parallel_loop3A_447 = vector.broadcast %parallel_loop3A_417 : i32 to vector<16xi32>
      %parallel_loop3A_448 = arith.addi %parallel_loop3A_446, %parallel_loop3A_447 : vector<16xi32>
      tpu.vector_store_idx %arg6[%parallel_loop3A_448], %parallel_loop3A_443 : memref<25600xi32, #tpu.memory_space<vmem>>[vector<16xi32>], vector<16xi32>,
      %parallel_loop3A_449 = arith.index_cast %parallel_loop3A_419 : i32 to index
      %parallel_loop3A_450 = arith.index_cast %parallel_loop3A_421 : i32 to index
      %parallel_loop3A_451 = arith.constant 48 : index
      %parallel_loop3A_452 = tpu.vector_load %arg5[%parallel_loop3A_449, %parallel_loop3A_450, %parallel_loop3A_451] {strides = array<i32>} : memref<25x8x128xi32, #tpu.memory_space<vmem>>, vector<16xi32>,
      %parallel_loop3A_453 = arith.constant 9600 : i32
      %parallel_loop3A_454 = vector.broadcast %parallel_loop3A_453 : i32 to vector<16xi32>
      %parallel_loop3A_455 = arith.addi %mul3A_6, %parallel_loop3A_454 : vector<16xi32>
      %parallel_loop3A_456 = vector.broadcast %parallel_loop3A_417 : i32 to vector<16xi32>
      %parallel_loop3A_457 = arith.addi %parallel_loop3A_455, %parallel_loop3A_456 : vector<16xi32>
      tpu.vector_store_idx %arg6[%parallel_loop3A_457], %parallel_loop3A_452 : memref<25600xi32, #tpu.memory_space<vmem>>[vector<16xi32>], vector<16xi32>,
      %parallel_loop3A_458 = arith.index_cast %parallel_loop3A_419 : i32 to index
      %parallel_loop3A_459 = arith.index_cast %parallel_loop3A_421 : i32 to index
      %parallel_loop3A_460 = arith.constant 64 : index
      %parallel_loop3A_461 = tpu.vector_load %arg5[%parallel_loop3A_458, %parallel_loop3A_459, %parallel_loop3A_460] {strides = array<i32>} : memref<25x8x128xi32, #tpu.memory_space<vmem>>, vector<16xi32>,
      %parallel_loop3A_462 = arith.constant 12800 : i32
      %parallel_loop3A_463 = vector.broadcast %parallel_loop3A_462 : i32 to vector<16xi32>
      %parallel_loop3A_464 = arith.addi %mul3A_6, %parallel_loop3A_463 : vector<16xi32>
      %parallel_loop3A_465 = vector.broadcast %parallel_loop3A_417 : i32 to vector<16xi32>
      %parallel_loop3A_466 = arith.addi %parallel_loop3A_464, %parallel_loop3A_465 : vector<16xi32>
      tpu.vector_store_idx %arg6[%parallel_loop3A_466], %parallel_loop3A_461 : memref<25600xi32, #tpu.memory_space<vmem>>[vector<16xi32>], vector<16xi32>,
      %parallel_loop3A_467 = arith.index_cast %parallel_loop3A_419 : i32 to index
      %parallel_loop3A_468 = arith.index_cast %parallel_loop3A_421 : i32 to index
      %parallel_loop3A_469 = arith.constant 80 : index
      %parallel_loop3A_470 = tpu.vector_load %arg5[%parallel_loop3A_467, %parallel_loop3A_468, %parallel_loop3A_469] {strides = array<i32>} : memref<25x8x128xi32, #tpu.memory_space<vmem>>, vector<16xi32>,
      %parallel_loop3A_471 = arith.constant 16000 : i32
      %parallel_loop3A_472 = vector.broadcast %parallel_loop3A_471 : i32 to vector<16xi32>
      %parallel_loop3A_473 = arith.addi %mul3A_6, %parallel_loop3A_472 : vector<16xi32>
      %parallel_loop3A_474 = vector.broadcast %parallel_loop3A_417 : i32 to vector<16xi32>
      %parallel_loop3A_475 = arith.addi %parallel_loop3A_473, %parallel_loop3A_474 : vector<16xi32>
      tpu.vector_store_idx %arg6[%parallel_loop3A_475], %parallel_loop3A_470 : memref<25600xi32, #tpu.memory_space<vmem>>[vector<16xi32>], vector<16xi32>,
      %parallel_loop3A_476 = arith.index_cast %parallel_loop3A_419 : i32 to index
      %parallel_loop3A_477 = arith.index_cast %parallel_loop3A_421 : i32 to index
      %parallel_loop3A_478 = arith.constant 96 : index
      %parallel_loop3A_479 = tpu.vector_load %arg5[%parallel_loop3A_476, %parallel_loop3A_477, %parallel_loop3A_478] {strides = array<i32>} : memref<25x8x128xi32, #tpu.memory_space<vmem>>, vector<16xi32>,
      %parallel_loop3A_480 = arith.constant 19200 : i32
      %parallel_loop3A_481 = vector.broadcast %parallel_loop3A_480 : i32 to vector<16xi32>
      %parallel_loop3A_482 = arith.addi %mul3A_6, %parallel_loop3A_481 : vector<16xi32>
      %parallel_loop3A_483 = vector.broadcast %parallel_loop3A_417 : i32 to vector<16xi32>
      %parallel_loop3A_484 = arith.addi %parallel_loop3A_482, %parallel_loop3A_483 : vector<16xi32>
      tpu.vector_store_idx %arg6[%parallel_loop3A_484], %parallel_loop3A_479 : memref<25600xi32, #tpu.memory_space<vmem>>[vector<16xi32>], vector<16xi32>,
      %parallel_loop3A_485 = arith.index_cast %parallel_loop3A_419 : i32 to index
      %parallel_loop3A_486 = arith.index_cast %parallel_loop3A_421 : i32 to index
      %parallel_loop3A_487 = arith.constant 112 : index
      %parallel_loop3A_488 = tpu.vector_load %arg5[%parallel_loop3A_485, %parallel_loop3A_486, %parallel_loop3A_487] {strides = array<i32>} : memref<25x8x128xi32, #tpu.memory_space<vmem>>, vector<16xi32>,
      %parallel_loop3A_489 = arith.constant 22400 : i32
      %parallel_loop3A_490 = vector.broadcast %parallel_loop3A_489 : i32 to vector<16xi32>
      %parallel_loop3A_491 = arith.addi %mul3A_6, %parallel_loop3A_490 : vector<16xi32>
      %parallel_loop3A_492 = vector.broadcast %parallel_loop3A_417 : i32 to vector<16xi32>
      %parallel_loop3A_493 = arith.addi %parallel_loop3A_491, %parallel_loop3A_492 : vector<16xi32>
      tpu.vector_store_idx %arg6[%parallel_loop3A_493], %parallel_loop3A_488 : memref<25600xi32, #tpu.memory_space<vmem>>[vector<16xi32>], vector<16xi32>,
    } {sc.loop_unroll_factor = 8 : i64, sc.parallel_access}
    %dma_start3A = arith.constant 0 : i32
    %dma_start3A_10 = arith.constant 0 : i32
    %dma_start3A_11 = arith.constant 0 : i32
    %dma_start3A_12 = arith.constant 0 : i32
    %dma_start3A_13 = tpu.memref_slice %arg7[%dma_start3A, %dma_start3A_11, %dma_start3A_12] : memref<2x400x32xf32, #tpu.memory_space<vmem>> -> memref<1x400x32xf32, #tpu.memory_space<vmem>>
    %dma_start3A_14 = tpu.memref_squeeze %dma_start3A_13 : memref<1x400x32xf32, #tpu.memory_space<vmem>> -> memref<400x32xf32, #tpu.memory_space<vmem>>
    %dma_start3A_15 = arith.constant 0 : i32
    %dma_start3A_16 = tpu.memref_slice %arg6[%dma_start3A_15] : memref<25600xi32, #tpu.memory_space<vmem>> -> memref<400xi32, #tpu.memory_space<vmem>>
    %dma_start3A_17 = arith.constant 0 : i32
    %dma_start3A_18 = arith.constant 0 : i32
    %dma_start3A_19 = tpu.memref_slice %arg3[%dma_start3A_17, %dma_start3A_18] : memref<1000000x32xf32, #tpu.memory_space<hbm>> -> memref<1000000x32xf32, #tpu.memory_space<hbm>>
    %dma_start3A_20 = tpu.memref_slice %arg9[%dma_start3A_10] : memref<2x!tpu.dma_semaphore, #tpu.memory_space<semaphore_mem>> -> memref<1x!tpu.dma_semaphore, #tpu.memory_space<semaphore_mem>>
    %dma_start3A_21 = tpu.memref_squeeze %dma_start3A_20 : memref<1x!tpu.dma_semaphore, #tpu.memory_space<semaphore_mem>> -> memref<!tpu.dma_semaphore, #tpu.memory_space<semaphore_mem>>
    tpu.enqueue_indirect_dma source(%dma_start3A_19 : memref<1000000x32xf32, #tpu.memory_space<hbm>>) target(%dma_start3A_14 : memref<400x32xf32, #tpu.memory_space<vmem>>) offsets(%dma_start3A_16 : memref<400xi32, #tpu.memory_space<vmem>>) semaphore(%dma_start3A_21 : memref<!tpu.dma_semaphore, #tpu.memory_space<semaphore_mem>>)
    %dma_start3A_22 = arith.constant 1 : i32
    %dma_start3A_23 = arith.constant 1 : i32
    %dma_start3A_24 = arith.constant 0 : i32
    %dma_start3A_25 = arith.constant 0 : i32
    %dma_start3A_26 = tpu.memref_slice %arg7[%dma_start3A_22, %dma_start3A_24, %dma_start3A_25] : memref<2x400x32xf32, #tpu.memory_space<vmem>> -> memref<1x400x32xf32, #tpu.memory_space<vmem>>
    %dma_start3A_27 = tpu.memref_squeeze %dma_start3A_26 : memref<1x400x32xf32, #tpu.memory_space<vmem>> -> memref<400x32xf32, #tpu.memory_space<vmem>>
    %dma_start3A_28 = arith.constant 400 : i32
    %dma_start3A_29 = tpu.memref_slice %arg6[%dma_start3A_28] : memref<25600xi32, #tpu.memory_space<vmem>> -> memref<400xi32, #tpu.memory_space<vmem>>
    %dma_start3A_30 = arith.constant 0 : i32
    %dma_start3A_31 = arith.constant 0 : i32
    %dma_start3A_32 = tpu.memref_slice %arg3[%dma_start3A_30, %dma_start3A_31] : memref<1000000x32xf32, #tpu.memory_space<hbm>> -> memref<1000000x32xf32, #tpu.memory_space<hbm>>
    %dma_start3A_33 = tpu.memref_slice %arg9[%dma_start3A_23] : memref<2x!tpu.dma_semaphore, #tpu.memory_space<semaphore_mem>> -> memref<1x!tpu.dma_semaphore, #tpu.memory_space<semaphore_mem>>
    %dma_start3A_34 = tpu.memref_squeeze %dma_start3A_33 : memref<1x!tpu.dma_semaphore, #tpu.memory_space<semaphore_mem>> -> memref<!tpu.dma_semaphore, #tpu.memory_space<semaphore_mem>>
    tpu.enqueue_indirect_dma source(%dma_start3A_32 : memref<1000000x32xf32, #tpu.memory_space<hbm>>) target(%dma_start3A_27 : memref<400x32xf32, #tpu.memory_space<vmem>>) offsets(%dma_start3A_29 : memref<400xi32, #tpu.memory_space<vmem>>) semaphore(%dma_start3A_34 : memref<!tpu.dma_semaphore, #tpu.memory_space<semaphore_mem>>)
    %dma_wait3A = arith.constant 0 : i32
    %dma_wait3A_35 = arith.constant 0 : i32
    %dma_wait3A_36 = arith.constant 0 : i32
    %dma_wait3A_37 = arith.constant 0 : i32
    %dma_wait3A_38 = tpu.memref_slice %arg7[%dma_wait3A, %dma_wait3A_36, %dma_wait3A_37] : memref<2x400x32xf32, #tpu.memory_space<vmem>> -> memref<1x400x32xf32, #tpu.memory_space<vmem>>
    %dma_wait3A_39 = tpu.memref_squeeze %dma_wait3A_38 : memref<1x400x32xf32, #tpu.memory_space<vmem>> -> memref<400x32xf32, #tpu.memory_space<vmem>>
    %dma_wait3A_40 = arith.constant 0 : i32
    %dma_wait3A_41 = tpu.memref_slice %arg6[%dma_wait3A_40] : memref<25600xi32, #tpu.memory_space<vmem>> -> memref<400xi32, #tpu.memory_space<vmem>>
    %dma_wait3A_42 = arith.constant 0 : i32
    %dma_wait3A_43 = arith.constant 0 : i32
    %dma_wait3A_44 = tpu.memref_slice %arg3[%dma_wait3A_42, %dma_wait3A_43] : memref<1000000x32xf32, #tpu.memory_space<hbm>> -> memref<1000000x32xf32, #tpu.memory_space<hbm>>
    %dma_wait3A_45 = tpu.memref_slice %arg9[%dma_wait3A_35] : memref<2x!tpu.dma_semaphore, #tpu.memory_space<semaphore_mem>> -> memref<1x!tpu.dma_semaphore, #tpu.memory_space<semaphore_mem>>
    %dma_wait3A_46 = tpu.memref_squeeze %dma_wait3A_45 : memref<1x!tpu.dma_semaphore, #tpu.memory_space<semaphore_mem>> -> memref<!tpu.dma_semaphore, #tpu.memory_space<semaphore_mem>>
    tpu.wait_indirect_dma semaphore(%dma_wait3A_46 : memref<!tpu.dma_semaphore, #tpu.memory_space<semaphore_mem>>) src(%dma_wait3A_44 : memref<1000000x32xf32, #tpu.memory_space<hbm>>) dst(%dma_wait3A_39 : memref<400x32xf32, #tpu.memory_space<vmem>>)
    %parallel_loop3A_47 = arith.constant 0 : i32
    %parallel_loop3A_48 = arith.constant 400 : i32
    %parallel_loop3A_49 = arith.constant 1 : i32
    scf.for %parallel_loop3A_417 = %parallel_loop3A_47 to %parallel_loop3A_48 step %parallel_loop3A_49  : i32 {
      %parallel_loop3A_418 = arith.constant 200 : i32
      %parallel_loop3A_419 = arith.cmpi sge, %parallel_loop3A_417, %parallel_loop3A_418 : i32
      %parallel_loop3A_420 = arith.constant 1 : i32
      %parallel_loop3A_421 = arith.constant 0 : i32
      %parallel_loop3A_422 = arith.select %parallel_loop3A_419, %parallel_loop3A_420, %parallel_loop3A_421 : i32
      %parallel_loop3A_423 = arith.constant 200 : i32
      %parallel_loop3A_424 = arith.muli %parallel_loop3A_422, %parallel_loop3A_423 : i32
      %parallel_loop3A_425 = arith.subi %parallel_loop3A_417, %parallel_loop3A_424 : i32
      %parallel_loop3A_426 = vector.broadcast %parallel_loop3A_422 : i32 to vector<16xi32>
      %parallel_loop3A_427 = arith.addi %broadcast_in_dim3A_7, %parallel_loop3A_426 : vector<16xi32>
      %parallel_loop3A_428 = vector.broadcast %parallel_loop3A_425 : i32 to vector<16xi32>
      %parallel_loop3A_429 = arith.addi %broadcast_in_dim3A_7, %parallel_loop3A_428 : vector<16xi32>
      %parallel_loop3A_430 = arith.constant 0 : i32
      %parallel_loop3A_431 = arith.index_cast %parallel_loop3A_430 : i32 to index
      %parallel_loop3A_432 = arith.index_cast %parallel_loop3A_417 : i32 to index
      %parallel_loop3A_433 = arith.constant 0 : index
      %parallel_loop3A_434 = tpu.vector_load %arg7[%parallel_loop3A_431, %parallel_loop3A_432, %parallel_loop3A_433] {strides = array<i32>} : memref<2x400x32xf32, #tpu.memory_space<vmem>>, vector<16xf32>,
      %parallel_loop3A_435 = arith.constant 0 : i32
      %parallel_loop3A_436 = arith.index_cast %parallel_loop3A_435 : i32 to index
      %parallel_loop3A_437 = arith.index_cast %parallel_loop3A_417 : i32 to index
      %parallel_loop3A_438 = arith.constant 16 : index
      %parallel_loop3A_439 = tpu.vector_load %arg7[%parallel_loop3A_436, %parallel_loop3A_437, %parallel_loop3A_438] {strides = array<i32>} : memref<2x400x32xf32, #tpu.memory_space<vmem>>, vector<16xf32>,
      %parallel_loop3A_440 = arith.constant 0 : i32
      %parallel_loop3A_441 = arith.constant 0 : i32
      %parallel_loop3A_442 = arith.constant 0 : i32
      %parallel_loop3A_443 = arith.constant 0 : i32
      %parallel_loop3A_444 = tpu.memref_slice %arg8[%parallel_loop3A_440, %parallel_loop3A_441, %parallel_loop3A_442, %parallel_loop3A_443] : memref<2x2x32x200xf32, #tpu.memory_space<vmem>> -> memref<1x2x32x200xf32, #tpu.memory_space<vmem>>
      %parallel_loop3A_445 = tpu.memref_squeeze %parallel_loop3A_444 : memref<1x2x32x200xf32, #tpu.memory_space<vmem>> -> memref<2x32x200xf32, #tpu.memory_space<vmem>>
      tpu.vector_store_idx %parallel_loop3A_445[%parallel_loop3A_427, %iota3A, %parallel_loop3A_429], %parallel_loop3A_434 : memref<2x32x200xf32, #tpu.memory_space<vmem>>[vector<16xi32>, vector<16xi32>, vector<16xi32>], vector<16xf32>,
      %parallel_loop3A_446 = arith.constant 0 : i32
      %parallel_loop3A_447 = arith.constant 0 : i32
      %parallel_loop3A_448 = arith.constant 0 : i32
      %parallel_loop3A_449 = arith.constant 0 : i32
      %parallel_loop3A_450 = tpu.memref_slice %arg8[%parallel_loop3A_446, %parallel_loop3A_447, %parallel_loop3A_448, %parallel_loop3A_449] : memref<2x2x32x200xf32, #tpu.memory_space<vmem>> -> memref<1x2x32x200xf32, #tpu.memory_space<vmem>>
      %parallel_loop3A_451 = tpu.memref_squeeze %parallel_loop3A_450 : memref<1x2x32x200xf32, #tpu.memory_space<vmem>> -> memref<2x32x200xf32, #tpu.memory_space<vmem>>
      tpu.vector_store_idx %parallel_loop3A_451[%parallel_loop3A_427, %add3A_3, %parallel_loop3A_429], %parallel_loop3A_439 : memref<2x32x200xf32, #tpu.memory_space<vmem>>[vector<16xi32>, vector<16xi32>, vector<16xi32>], vector<16xf32>,
    } {sc.loop_unroll_factor = 8 : i64, sc.parallel_access}
    %dma_start3A_50 = arith.constant 0 : i32
    %dma_start3A_51 = arith.constant 0 : i32
    %dma_start3A_52 = arith.constant 0 : i32
    %dma_start3A_53 = arith.constant 0 : i32
    %dma_start3A_54 = tpu.memref_slice %arg7[%dma_start3A_50, %dma_start3A_52, %dma_start3A_53] : memref<2x400x32xf32, #tpu.memory_space<vmem>> -> memref<1x400x32xf32, #tpu.memory_space<vmem>>
    %dma_start3A_55 = tpu.memref_squeeze %dma_start3A_54 : memref<1x400x32xf32, #tpu.memory_space<vmem>> -> memref<400x32xf32, #tpu.memory_space<vmem>>
    %dma_start3A_56 = arith.constant 800 : i32
    %dma_start3A_57 = tpu.memref_slice %arg6[%dma_start3A_56] : memref<25600xi32, #tpu.memory_space<vmem>> -> memref<400xi32, #tpu.memory_space<vmem>>
    %dma_start3A_58 = arith.constant 0 : i32
    %dma_start3A_59 = arith.constant 0 : i32
    %dma_start3A_60 = tpu.memref_slice %arg3[%dma_start3A_58, %dma_start3A_59] : memref<1000000x32xf32, #tpu.memory_space<hbm>> -> memref<1000000x32xf32, #tpu.memory_space<hbm>>
    %dma_start3A_61 = tpu.memref_slice %arg9[%dma_start3A_51] : memref<2x!tpu.dma_semaphore, #tpu.memory_space<semaphore_mem>> -> memref<1x!tpu.dma_semaphore, #tpu.memory_space<semaphore_mem>>
    %dma_start3A_62 = tpu.memref_squeeze %dma_start3A_61 : memref<1x!tpu.dma_semaphore, #tpu.memory_space<semaphore_mem>> -> memref<!tpu.dma_semaphore, #tpu.memory_space<semaphore_mem>>
    tpu.enqueue_indirect_dma source(%dma_start3A_60 : memref<1000000x32xf32, #tpu.memory_space<hbm>>) target(%dma_start3A_55 : memref<400x32xf32, #tpu.memory_space<vmem>>) offsets(%dma_start3A_57 : memref<400xi32, #tpu.memory_space<vmem>>) semaphore(%dma_start3A_62 : memref<!tpu.dma_semaphore, #tpu.memory_space<semaphore_mem>>)
    %mul3A_63 = arith.constant 128 : i32
    %mul3A_64 = arith.muli %add3A, %mul3A_63 : i32
    %add3A_65 = arith.constant 0 : i32
    %add3A_66 = arith.addi %mul3A_64, %add3A_65 : i32
    %add3A_67 = arith.constant 0 : i32
    %add3A_68 = arith.addi %add3A_66, %add3A_67 : i32
    %dma_start3A_69 = arith.constant 0 : i32
    %dma_start3A_70 = arith.constant 0 : i32
    %dma_start3A_71 = arith.constant 0 : i32
    %dma_start3A_72 = arith.constant 0 : i32
    %dma_start3A_73 = arith.constant 0 : i32
    %dma_start3A_74 = tpu.memref_slice %arg8[%dma_start3A_69, %dma_start3A_70, %dma_start3A_72, %dma_start3A_73] : memref<2x2x32x200xf32, #tpu.memory_space<vmem>> -> memref<1x1x32x200xf32, #tpu.memory_space<vmem>>
    %dma_start3A_75 = tpu.memref_squeeze %dma_start3A_74 : memref<1x1x32x200xf32, #tpu.memory_space<vmem>> -> memref<32x200xf32, #tpu.memory_space<vmem>>
    %dma_start3A_76 = arith.constant 0 : i32
    %dma_start3A_77 = arith.constant 0 : i32
    %dma_start3A_78 = tpu.memref_slice %arg4[%add3A_68, %dma_start3A_76, %dma_start3A_77] : memref<4096x32x200xf32, #tpu.memory_space<hbm>> -> memref<1x32x200xf32, #tpu.memory_space<hbm>>
    %dma_start3A_79 = tpu.memref_squeeze %dma_start3A_78 : memref<1x32x200xf32, #tpu.memory_space<hbm>> -> memref<32x200xf32, #tpu.memory_space<hbm>>
    %dma_start3A_80 = tpu.memref_slice %arg10[%dma_start3A_71] : memref<2x!tpu.dma_semaphore, #tpu.memory_space<semaphore_mem>> -> memref<1x!tpu.dma_semaphore, #tpu.memory_space<semaphore_mem>>
    %dma_start3A_81 = tpu.memref_squeeze %dma_start3A_80 : memref<1x!tpu.dma_semaphore, #tpu.memory_space<semaphore_mem>> -> memref<!tpu.dma_semaphore, #tpu.memory_space<semaphore_mem>>
    %dma_start3A_82 = arith.constant 0 : i32
    %dma_start3A_83 = arith.constant 0 : i32
    %dma_start3A_84 = tpu.memref_slice %arg4[%add3A_68, %dma_start3A_82, %dma_start3A_83] : memref<4096x32x200xf32, #tpu.memory_space<hbm>> -> memref<1x32x200xf32, #tpu.memory_space<hbm>>
    %dma_start3A_85 = tpu.memref_squeeze %dma_start3A_84 : memref<1x32x200xf32, #tpu.memory_space<hbm>> -> memref<32x200xf32, #tpu.memory_space<hbm>>
    %dma_start3A_86 = arith.constant 0 : i32
    %dma_start3A_87 = arith.constant 0 : i32
    %dma_start3A_88 = tpu.memref_slice %arg8[%dma_start3A_69, %dma_start3A_70, %dma_start3A_86, %dma_start3A_87] : memref<2x2x32x200xf32, #tpu.memory_space<vmem>> -> memref<1x1x32x200xf32, #tpu.memory_space<vmem>>
    %dma_start3A_89 = tpu.memref_squeeze %dma_start3A_88 : memref<1x1x32x200xf32, #tpu.memory_space<vmem>> -> memref<32x200xf32, #tpu.memory_space<vmem>>
    tpu.enqueue_dma source(%dma_start3A_89 : memref<32x200xf32, #tpu.memory_space<vmem>>) target(%dma_start3A_85 : memref<32x200xf32, #tpu.memory_space<hbm>>) target_semaphore(%dma_start3A_81 : memref<!tpu.dma_semaphore, #tpu.memory_space<semaphore_mem>>)
    %add3A_90 = arith.constant 1 : i32
    %add3A_91 = arith.addi %add3A_66, %add3A_90 : i32
    %dma_start3A_92 = arith.constant 0 : i32
    %dma_start3A_93 = arith.constant 1 : i32
    %dma_start3A_94 = arith.constant 0 : i32
    %dma_start3A_95 = arith.constant 0 : i32
    %dma_start3A_96 = arith.constant 0 : i32
    %dma_start3A_97 = tpu.memref_slice %arg8[%dma_start3A_92, %dma_start3A_93, %dma_start3A_95, %dma_start3A_96] : memref<2x2x32x200xf32, #tpu.memory_space<vmem>> -> memref<1x1x32x200xf32, #tpu.memory_space<vmem>>
    %dma_start3A_98 = tpu.memref_squeeze %dma_start3A_97 : memref<1x1x32x200xf32, #tpu.memory_space<vmem>> -> memref<32x200xf32, #tpu.memory_space<vmem>>
    %dma_start3A_99 = arith.constant 0 : i32
    %dma_start3A_100 = arith.constant 0 : i32
    %dma_start3A_101 = tpu.memref_slice %arg4[%add3A_91, %dma_start3A_99, %dma_start3A_100] : memref<4096x32x200xf32, #tpu.memory_space<hbm>> -> memref<1x32x200xf32, #tpu.memory_space<hbm>>
    %dma_start3A_102 = tpu.memref_squeeze %dma_start3A_101 : memref<1x32x200xf32, #tpu.memory_space<hbm>> -> memref<32x200xf32, #tpu.memory_space<hbm>>
    %dma_start3A_103 = tpu.memref_slice %arg10[%dma_start3A_94] : memref<2x!tpu.dma_semaphore, #tpu.memory_space<semaphore_mem>> -> memref<1x!tpu.dma_semaphore, #tpu.memory_space<semaphore_mem>>
    %dma_start3A_104 = tpu.memref_squeeze %dma_start3A_103 : memref<1x!tpu.dma_semaphore, #tpu.memory_space<semaphore_mem>> -> memref<!tpu.dma_semaphore, #tpu.memory_space<semaphore_mem>>
    %dma_start3A_105 = arith.constant 0 : i32
    %dma_start3A_106 = arith.constant 0 : i32
    %dma_start3A_107 = tpu.memref_slice %arg4[%add3A_91, %dma_start3A_105, %dma_start3A_106] : memref<4096x32x200xf32, #tpu.memory_space<hbm>> -> memref<1x32x200xf32, #tpu.memory_space<hbm>>
    %dma_start3A_108 = tpu.memref_squeeze %dma_start3A_107 : memref<1x32x200xf32, #tpu.memory_space<hbm>> -> memref<32x200xf32, #tpu.memory_space<hbm>>
    %dma_start3A_109 = arith.constant 0 : i32
    %dma_start3A_110 = arith.constant 0 : i32
    %dma_start3A_111 = tpu.memref_slice %arg8[%dma_start3A_92, %dma_start3A_93, %dma_start3A_109, %dma_start3A_110] : memref<2x2x32x200xf32, #tpu.memory_space<vmem>> -> memref<1x1x32x200xf32, #tpu.memory_space<vmem>>
    %dma_start3A_112 = tpu.memref_squeeze %dma_start3A_111 : memref<1x1x32x200xf32, #tpu.memory_space<vmem>> -> memref<32x200xf32, #tpu.memory_space<vmem>>
    tpu.enqueue_dma source(%dma_start3A_112 : memref<32x200xf32, #tpu.memory_space<vmem>>) target(%dma_start3A_108 : memref<32x200xf32, #tpu.memory_space<hbm>>) target_semaphore(%dma_start3A_104 : memref<!tpu.dma_semaphore, #tpu.memory_space<semaphore_mem>>)
    %dma_wait3A_113 = arith.constant 1 : i32
    %dma_wait3A_114 = arith.constant 1 : i32
    %dma_wait3A_115 = arith.constant 0 : i32
    %dma_wait3A_116 = arith.constant 0 : i32
    %dma_wait3A_117 = tpu.memref_slice %arg7[%dma_wait3A_113, %dma_wait3A_115, %dma_wait3A_116] : memref<2x400x32xf32, #tpu.memory_space<vmem>> -> memref<1x400x32xf32, #tpu.memory_space<vmem>>
    %dma_wait3A_118 = tpu.memref_squeeze %dma_wait3A_117 : memref<1x400x32xf32, #tpu.memory_space<vmem>> -> memref<400x32xf32, #tpu.memory_space<vmem>>
    %dma_wait3A_119 = arith.constant 0 : i32
    %dma_wait3A_120 = tpu.memref_slice %arg6[%dma_wait3A_119] : memref<25600xi32, #tpu.memory_space<vmem>> -> memref<400xi32, #tpu.memory_space<vmem>>
    %dma_wait3A_121 = arith.constant 0 : i32
    %dma_wait3A_122 = arith.constant 0 : i32
    %dma_wait3A_123 = tpu.memref_slice %arg3[%dma_wait3A_121, %dma_wait3A_122] : memref<1000000x32xf32, #tpu.memory_space<hbm>> -> memref<1000000x32xf32, #tpu.memory_space<hbm>>
    %dma_wait3A_124 = tpu.memref_slice %arg9[%dma_wait3A_114] : memref<2x!tpu.dma_semaphore, #tpu.memory_space<semaphore_mem>> -> memref<1x!tpu.dma_semaphore, #tpu.memory_space<semaphore_mem>>
    %dma_wait3A_125 = tpu.memref_squeeze %dma_wait3A_124 : memref<1x!tpu.dma_semaphore, #tpu.memory_space<semaphore_mem>> -> memref<!tpu.dma_semaphore, #tpu.memory_space<semaphore_mem>>
    tpu.wait_indirect_dma semaphore(%dma_wait3A_125 : memref<!tpu.dma_semaphore, #tpu.memory_space<semaphore_mem>>) src(%dma_wait3A_123 : memref<1000000x32xf32, #tpu.memory_space<hbm>>) dst(%dma_wait3A_118 : memref<400x32xf32, #tpu.memory_space<vmem>>)
    %parallel_loop3A_126 = arith.constant 0 : i32
    %parallel_loop3A_127 = arith.constant 400 : i32
    %parallel_loop3A_128 = arith.constant 1 : i32
    scf.for %parallel_loop3A_417 = %parallel_loop3A_126 to %parallel_loop3A_127 step %parallel_loop3A_128  : i32 {
      %parallel_loop3A_418 = arith.constant 200 : i32
      %parallel_loop3A_419 = arith.cmpi sge, %parallel_loop3A_417, %parallel_loop3A_418 : i32
      %parallel_loop3A_420 = arith.constant 1 : i32
      %parallel_loop3A_421 = arith.constant 0 : i32
      %parallel_loop3A_422 = arith.select %parallel_loop3A_419, %parallel_loop3A_420, %parallel_loop3A_421 : i32
      %parallel_loop3A_423 = arith.constant 200 : i32
      %parallel_loop3A_424 = arith.muli %parallel_loop3A_422, %parallel_loop3A_423 : i32
      %parallel_loop3A_425 = arith.subi %parallel_loop3A_417, %parallel_loop3A_424 : i32
      %parallel_loop3A_426 = vector.broadcast %parallel_loop3A_422 : i32 to vector<16xi32>
      %parallel_loop3A_427 = arith.addi %broadcast_in_dim3A_7, %parallel_loop3A_426 : vector<16xi32>
      %parallel_loop3A_428 = vector.broadcast %parallel_loop3A_425 : i32 to vector<16xi32>
      %parallel_loop3A_429 = arith.addi %broadcast_in_dim3A_7, %parallel_loop3A_428 : vector<16xi32>
      %parallel_loop3A_430 = arith.constant 1 : i32
      %parallel_loop3A_431 = arith.index_cast %parallel_loop3A_430 : i32 to index
      %parallel_loop3A_432 = arith.index_cast %parallel_loop3A_417 : i32 to index
      %parallel_loop3A_433 = arith.constant 0 : index
      %parallel_loop3A_434 = tpu.vector_load %arg7[%parallel_loop3A_431, %parallel_loop3A_432, %parallel_loop3A_433] {strides = array<i32>} : memref<2x400x32xf32, #tpu.memory_space<vmem>>, vector<16xf32>,
      %parallel_loop3A_435 = arith.constant 1 : i32
      %parallel_loop3A_436 = arith.index_cast %parallel_loop3A_435 : i32 to index
      %parallel_loop3A_437 = arith.index_cast %parallel_loop3A_417 : i32 to index
      %parallel_loop3A_438 = arith.constant 16 : index
      %parallel_loop3A_439 = tpu.vector_load %arg7[%parallel_loop3A_436, %parallel_loop3A_437, %parallel_loop3A_438] {strides = array<i32>} : memref<2x400x32xf32, #tpu.memory_space<vmem>>, vector<16xf32>,
      %parallel_loop3A_440 = arith.constant 1 : i32
      %parallel_loop3A_441 = arith.constant 0 : i32
      %parallel_loop3A_442 = arith.constant 0 : i32
      %parallel_loop3A_443 = arith.constant 0 : i32
      %parallel_loop3A_444 = tpu.memref_slice %arg8[%parallel_loop3A_440, %parallel_loop3A_441, %parallel_loop3A_442, %parallel_loop3A_443] : memref<2x2x32x200xf32, #tpu.memory_space<vmem>> -> memref<1x2x32x200xf32, #tpu.memory_space<vmem>>
      %parallel_loop3A_445 = tpu.memref_squeeze %parallel_loop3A_444 : memref<1x2x32x200xf32, #tpu.memory_space<vmem>> -> memref<2x32x200xf32, #tpu.memory_space<vmem>>
      tpu.vector_store_idx %parallel_loop3A_445[%parallel_loop3A_427, %iota3A, %parallel_loop3A_429], %parallel_loop3A_434 : memref<2x32x200xf32, #tpu.memory_space<vmem>>[vector<16xi32>, vector<16xi32>, vector<16xi32>], vector<16xf32>,
      %parallel_loop3A_446 = arith.constant 1 : i32
      %parallel_loop3A_447 = arith.constant 0 : i32
      %parallel_loop3A_448 = arith.constant 0 : i32
      %parallel_loop3A_449 = arith.constant 0 : i32
      %parallel_loop3A_450 = tpu.memref_slice %arg8[%parallel_loop3A_446, %parallel_loop3A_447, %parallel_loop3A_448, %parallel_loop3A_449] : memref<2x2x32x200xf32, #tpu.memory_space<vmem>> -> memref<1x2x32x200xf32, #tpu.memory_space<vmem>>
      %parallel_loop3A_451 = tpu.memref_squeeze %parallel_loop3A_450 : memref<1x2x32x200xf32, #tpu.memory_space<vmem>> -> memref<2x32x200xf32, #tpu.memory_space<vmem>>
      tpu.vector_store_idx %parallel_loop3A_451[%parallel_loop3A_427, %add3A_3, %parallel_loop3A_429], %parallel_loop3A_439 : memref<2x32x200xf32, #tpu.memory_space<vmem>>[vector<16xi32>, vector<16xi32>, vector<16xi32>], vector<16xf32>,
    } {sc.loop_unroll_factor = 8 : i64, sc.parallel_access}
    %dma_start3A_129 = arith.constant 1 : i32
    %dma_start3A_130 = arith.constant 1 : i32
    %dma_start3A_131 = arith.constant 0 : i32
    %dma_start3A_132 = arith.constant 0 : i32
    %dma_start3A_133 = tpu.memref_slice %arg7[%dma_start3A_129, %dma_start3A_131, %dma_start3A_132] : memref<2x400x32xf32, #tpu.memory_space<vmem>> -> memref<1x400x32xf32, #tpu.memory_space<vmem>>
    %dma_start3A_134 = tpu.memref_squeeze %dma_start3A_133 : memref<1x400x32xf32, #tpu.memory_space<vmem>> -> memref<400x32xf32, #tpu.memory_space<vmem>>
    %dma_start3A_135 = arith.constant 1200 : i32
    %dma_start3A_136 = tpu.memref_slice %arg6[%dma_start3A_135] : memref<25600xi32, #tpu.memory_space<vmem>> -> memref<400xi32, #tpu.memory_space<vmem>>
    %dma_start3A_137 = arith.constant 0 : i32
    %dma_start3A_138 = arith.constant 0 : i32
    %dma_start3A_139 = tpu.memref_slice %arg3[%dma_start3A_137, %dma_start3A_138] : memref<1000000x32xf32, #tpu.memory_space<hbm>> -> memref<1000000x32xf32, #tpu.memory_space<hbm>>
    %dma_start3A_140 = tpu.memref_slice %arg9[%dma_start3A_130] : memref<2x!tpu.dma_semaphore, #tpu.memory_space<semaphore_mem>> -> memref<1x!tpu.dma_semaphore, #tpu.memory_space<semaphore_mem>>
    %dma_start3A_141 = tpu.memref_squeeze %dma_start3A_140 : memref<1x!tpu.dma_semaphore, #tpu.memory_space<semaphore_mem>> -> memref<!tpu.dma_semaphore, #tpu.memory_space<semaphore_mem>>
    tpu.enqueue_indirect_dma source(%dma_start3A_139 : memref<1000000x32xf32, #tpu.memory_space<hbm>>) target(%dma_start3A_134 : memref<400x32xf32, #tpu.memory_space<vmem>>) offsets(%dma_start3A_136 : memref<400xi32, #tpu.memory_space<vmem>>) semaphore(%dma_start3A_141 : memref<!tpu.dma_semaphore, #tpu.memory_space<semaphore_mem>>)
    %mul3A_142 = arith.constant 128 : i32
    %mul3A_143 = arith.muli %add3A, %mul3A_142 : i32
    %add3A_144 = arith.constant 2 : i32
    %add3A_145 = arith.addi %mul3A_143, %add3A_144 : i32
    %add3A_146 = arith.constant 0 : i32
    %add3A_147 = arith.addi %add3A_145, %add3A_146 : i32
    %dma_start3A_148 = arith.constant 1 : i32
    %dma_start3A_149 = arith.constant 0 : i32
    %dma_start3A_150 = arith.constant 1 : i32
    %dma_start3A_151 = arith.constant 0 : i32
    %dma_start3A_152 = arith.constant 0 : i32
    %dma_start3A_153 = tpu.memref_slice %arg8[%dma_start3A_148, %dma_start3A_149, %dma_start3A_151, %dma_start3A_152] : memref<2x2x32x200xf32, #tpu.memory_space<vmem>> -> memref<1x1x32x200xf32, #tpu.memory_space<vmem>>
    %dma_start3A_154 = tpu.memref_squeeze %dma_start3A_153 : memref<1x1x32x200xf32, #tpu.memory_space<vmem>> -> memref<32x200xf32, #tpu.memory_space<vmem>>
    %dma_start3A_155 = arith.constant 0 : i32
    %dma_start3A_156 = arith.constant 0 : i32
    %dma_start3A_157 = tpu.memref_slice %arg4[%add3A_147, %dma_start3A_155, %dma_start3A_156] : memref<4096x32x200xf32, #tpu.memory_space<hbm>> -> memref<1x32x200xf32, #tpu.memory_space<hbm>>
    %dma_start3A_158 = tpu.memref_squeeze %dma_start3A_157 : memref<1x32x200xf32, #tpu.memory_space<hbm>> -> memref<32x200xf32, #tpu.memory_space<hbm>>
    %dma_start3A_159 = tpu.memref_slice %arg10[%dma_start3A_150] : memref<2x!tpu.dma_semaphore, #tpu.memory_space<semaphore_mem>> -> memref<1x!tpu.dma_semaphore, #tpu.memory_space<semaphore_mem>>
    %dma_start3A_160 = tpu.memref_squeeze %dma_start3A_159 : memref<1x!tpu.dma_semaphore, #tpu.memory_space<semaphore_mem>> -> memref<!tpu.dma_semaphore, #tpu.memory_space<semaphore_mem>>
    %dma_start3A_161 = arith.constant 0 : i32
    %dma_start3A_162 = arith.constant 0 : i32
    %dma_start3A_163 = tpu.memref_slice %arg4[%add3A_147, %dma_start3A_161, %dma_start3A_162] : memref<4096x32x200xf32, #tpu.memory_space<hbm>> -> memref<1x32x200xf32, #tpu.memory_space<hbm>>
    %dma_start3A_164 = tpu.memref_squeeze %dma_start3A_163 : memref<1x32x200xf32, #tpu.memory_space<hbm>> -> memref<32x200xf32, #tpu.memory_space<hbm>>
    %dma_start3A_165 = arith.constant 0 : i32
    %dma_start3A_166 = arith.constant 0 : i32
    %dma_start3A_167 = tpu.memref_slice %arg8[%dma_start3A_148, %dma_start3A_149, %dma_start3A_165, %dma_start3A_166] : memref<2x2x32x200xf32, #tpu.memory_space<vmem>> -> memref<1x1x32x200xf32, #tpu.memory_space<vmem>>
    %dma_start3A_168 = tpu.memref_squeeze %dma_start3A_167 : memref<1x1x32x200xf32, #tpu.memory_space<vmem>> -> memref<32x200xf32, #tpu.memory_space<vmem>>
    tpu.enqueue_dma source(%dma_start3A_168 : memref<32x200xf32, #tpu.memory_space<vmem>>) target(%dma_start3A_164 : memref<32x200xf32, #tpu.memory_space<hbm>>) target_semaphore(%dma_start3A_160 : memref<!tpu.dma_semaphore, #tpu.memory_space<semaphore_mem>>)
    %add3A_169 = arith.constant 1 : i32
    %add3A_170 = arith.addi %add3A_145, %add3A_169 : i32
    %dma_start3A_171 = arith.constant 1 : i32
    %dma_start3A_172 = arith.constant 1 : i32
    %dma_start3A_173 = arith.constant 1 : i32
    %dma_start3A_174 = arith.constant 0 : i32
    %dma_start3A_175 = arith.constant 0 : i32
    %dma_start3A_176 = tpu.memref_slice %arg8[%dma_start3A_171, %dma_start3A_172, %dma_start3A_174, %dma_start3A_175] : memref<2x2x32x200xf32, #tpu.memory_space<vmem>> -> memref<1x1x32x200xf32, #tpu.memory_space<vmem>>
    %dma_start3A_177 = tpu.memref_squeeze %dma_start3A_176 : memref<1x1x32x200xf32, #tpu.memory_space<vmem>> -> memref<32x200xf32, #tpu.memory_space<vmem>>
    %dma_start3A_178 = arith.constant 0 : i32
    %dma_start3A_179 = arith.constant 0 : i32
    %dma_start3A_180 = tpu.memref_slice %arg4[%add3A_170, %dma_start3A_178, %dma_start3A_179] : memref<4096x32x200xf32, #tpu.memory_space<hbm>> -> memref<1x32x200xf32, #tpu.memory_space<hbm>>
    %dma_start3A_181 = tpu.memref_squeeze %dma_start3A_180 : memref<1x32x200xf32, #tpu.memory_space<hbm>> -> memref<32x200xf32, #tpu.memory_space<hbm>>
    %dma_start3A_182 = tpu.memref_slice %arg10[%dma_start3A_173] : memref<2x!tpu.dma_semaphore, #tpu.memory_space<semaphore_mem>> -> memref<1x!tpu.dma_semaphore, #tpu.memory_space<semaphore_mem>>
    %dma_start3A_183 = tpu.memref_squeeze %dma_start3A_182 : memref<1x!tpu.dma_semaphore, #tpu.memory_space<semaphore_mem>> -> memref<!tpu.dma_semaphore, #tpu.memory_space<semaphore_mem>>
    %dma_start3A_184 = arith.constant 0 : i32
    %dma_start3A_185 = arith.constant 0 : i32
    %dma_start3A_186 = tpu.memref_slice %arg4[%add3A_170, %dma_start3A_184, %dma_start3A_185] : memref<4096x32x200xf32, #tpu.memory_space<hbm>> -> memref<1x32x200xf32, #tpu.memory_space<hbm>>
    %dma_start3A_187 = tpu.memref_squeeze %dma_start3A_186 : memref<1x32x200xf32, #tpu.memory_space<hbm>> -> memref<32x200xf32, #tpu.memory_space<hbm>>
    %dma_start3A_188 = arith.constant 0 : i32
    %dma_start3A_189 = arith.constant 0 : i32
    %dma_start3A_190 = tpu.memref_slice %arg8[%dma_start3A_171, %dma_start3A_172, %dma_start3A_188, %dma_start3A_189] : memref<2x2x32x200xf32, #tpu.memory_space<vmem>> -> memref<1x1x32x200xf32, #tpu.memory_space<vmem>>
    %dma_start3A_191 = tpu.memref_squeeze %dma_start3A_190 : memref<1x1x32x200xf32, #tpu.memory_space<vmem>> -> memref<32x200xf32, #tpu.memory_space<vmem>>
    tpu.enqueue_dma source(%dma_start3A_191 : memref<32x200xf32, #tpu.memory_space<vmem>>) target(%dma_start3A_187 : memref<32x200xf32, #tpu.memory_space<hbm>>) target_semaphore(%dma_start3A_183 : memref<!tpu.dma_semaphore, #tpu.memory_space<semaphore_mem>>)
    %scan3A = arith.constant 0 : i32
    %scan3A_192 = arith.constant 1 : i32
    %scan3A_193 = arith.constant 30 : i32
    %scan3A_194 = arith.addi %scan3A_192, %scan3A_193 : i32
    %scan3A_195 = arith.constant 1 : i32
    scf.for %scan3A_417 = %scan3A_192 to %scan3A_194 step %scan3A_195  : i32 {
      %mul3A_418 = arith.constant 2 : i32
      %mul3A_419 = arith.muli %mul3A_418, %scan3A_417 : i32
      %add3A_420 = arith.constant 0 : i32
      %add3A_421 = arith.addi %mul3A_419, %add3A_420 : i32
      %dma_wait3A_422 = arith.constant 0 : i32
      %dma_wait3A_423 = arith.constant 0 : i32
      %dma_wait3A_424 = arith.constant 0 : i32
      %dma_wait3A_425 = arith.constant 0 : i32
      %dma_wait3A_426 = tpu.memref_slice %arg7[%dma_wait3A_422, %dma_wait3A_424, %dma_wait3A_425] : memref<2x400x32xf32, #tpu.memory_space<vmem>> -> memref<1x400x32xf32, #tpu.memory_space<vmem>>
      %dma_wait3A_427 = tpu.memref_squeeze %dma_wait3A_426 : memref<1x400x32xf32, #tpu.memory_space<vmem>> -> memref<400x32xf32, #tpu.memory_space<vmem>>
      %dma_wait3A_428 = arith.constant 0 : i32
      %dma_wait3A_429 = tpu.memref_slice %arg6[%dma_wait3A_428] : memref<25600xi32, #tpu.memory_space<vmem>> -> memref<400xi32, #tpu.memory_space<vmem>>
      %dma_wait3A_430 = arith.constant 0 : i32
      %dma_wait3A_431 = arith.constant 0 : i32
      %dma_wait3A_432 = tpu.memref_slice %arg3[%dma_wait3A_430, %dma_wait3A_431] : memref<1000000x32xf32, #tpu.memory_space<hbm>> -> memref<1000000x32xf32, #tpu.memory_space<hbm>>
      %dma_wait3A_433 = tpu.memref_slice %arg9[%dma_wait3A_423] : memref<2x!tpu.dma_semaphore, #tpu.memory_space<semaphore_mem>> -> memref<1x!tpu.dma_semaphore, #tpu.memory_space<semaphore_mem>>
      %dma_wait3A_434 = tpu.memref_squeeze %dma_wait3A_433 : memref<1x!tpu.dma_semaphore, #tpu.memory_space<semaphore_mem>> -> memref<!tpu.dma_semaphore, #tpu.memory_space<semaphore_mem>>
      tpu.wait_indirect_dma semaphore(%dma_wait3A_434 : memref<!tpu.dma_semaphore, #tpu.memory_space<semaphore_mem>>) src(%dma_wait3A_432 : memref<1000000x32xf32, #tpu.memory_space<hbm>>) dst(%dma_wait3A_427 : memref<400x32xf32, #tpu.memory_space<vmem>>)
      %dma_wait3A_435 = arith.constant 0 : i32
      %dma_wait3A_436 = arith.constant 0 : i32
      %dma_wait3A_437 = arith.constant 0 : i32
      %dma_wait3A_438 = arith.constant 0 : i32
      %dma_wait3A_439 = arith.constant 0 : i32
      %dma_wait3A_440 = tpu.memref_slice %arg8[%dma_wait3A_435, %dma_wait3A_437, %dma_wait3A_438, %dma_wait3A_439] : memref<2x2x32x200xf32, #tpu.memory_space<vmem>> -> memref<1x2x32x200xf32, #tpu.memory_space<vmem>>
      %dma_wait3A_441 = tpu.memref_squeeze %dma_wait3A_440 : memref<1x2x32x200xf32, #tpu.memory_space<vmem>> -> memref<2x32x200xf32, #tpu.memory_space<vmem>>
      %dma_wait3A_442 = arith.constant 0 : i32
      %dma_wait3A_443 = arith.constant 0 : i32
      %dma_wait3A_444 = arith.constant 0 : i32
      %dma_wait3A_445 = tpu.memref_slice %arg4[%dma_wait3A_442, %dma_wait3A_443, %dma_wait3A_444] : memref<4096x32x200xf32, #tpu.memory_space<hbm>> -> memref<2x32x200xf32, #tpu.memory_space<hbm>>
      %dma_wait3A_446 = tpu.memref_slice %arg10[%dma_wait3A_436] : memref<2x!tpu.dma_semaphore, #tpu.memory_space<semaphore_mem>> -> memref<1x!tpu.dma_semaphore, #tpu.memory_space<semaphore_mem>>
      %dma_wait3A_447 = tpu.memref_squeeze %dma_wait3A_446 : memref<1x!tpu.dma_semaphore, #tpu.memory_space<semaphore_mem>> -> memref<!tpu.dma_semaphore, #tpu.memory_space<semaphore_mem>>
      %dma_wait3A_448 = arith.constant 0 : i32
      %dma_wait3A_449 = arith.constant 0 : i32
      %dma_wait3A_450 = arith.constant 0 : i32
      %dma_wait3A_451 = tpu.memref_slice %arg4[%dma_wait3A_448, %dma_wait3A_449, %dma_wait3A_450] : memref<4096x32x200xf32, #tpu.memory_space<hbm>> -> memref<2x32x200xf32, #tpu.memory_space<hbm>>
      %dma_wait3A_452 = arith.constant 0 : i32
      %dma_wait3A_453 = arith.constant 0 : i32
      %dma_wait3A_454 = arith.constant 0 : i32
      %dma_wait3A_455 = tpu.memref_slice %arg8[%dma_wait3A_435, %dma_wait3A_452, %dma_wait3A_453, %dma_wait3A_454] : memref<2x2x32x200xf32, #tpu.memory_space<vmem>> -> memref<1x2x32x200xf32, #tpu.memory_space<vmem>>
      %dma_wait3A_456 = tpu.memref_squeeze %dma_wait3A_455 : memref<1x2x32x200xf32, #tpu.memory_space<vmem>> -> memref<2x32x200xf32, #tpu.memory_space<vmem>>
      tpu.wait_dma2 semaphore(%dma_wait3A_447 : memref<!tpu.dma_semaphore, #tpu.memory_space<semaphore_mem>>) src(%dma_wait3A_456 : memref<2x32x200xf32, #tpu.memory_space<vmem>>) dst(%dma_wait3A_451 : memref<2x32x200xf32, #tpu.memory_space<hbm>>)
      %parallel_loop3A_457 = arith.constant 0 : i32
      %parallel_loop3A_458 = arith.constant 400 : i32
      %parallel_loop3A_459 = arith.constant 1 : i32
      scf.for %parallel_loop3A_636 = %parallel_loop3A_457 to %parallel_loop3A_458 step %parallel_loop3A_459  : i32 {
        %parallel_loop3A_637 = arith.constant 200 : i32
        %parallel_loop3A_638 = arith.cmpi sge, %parallel_loop3A_636, %parallel_loop3A_637 : i32
        %parallel_loop3A_639 = arith.constant 1 : i32
        %parallel_loop3A_640 = arith.constant 0 : i32
        %parallel_loop3A_641 = arith.select %parallel_loop3A_638, %parallel_loop3A_639, %parallel_loop3A_640 : i32
        %parallel_loop3A_642 = arith.constant 200 : i32
        %parallel_loop3A_643 = arith.muli %parallel_loop3A_641, %parallel_loop3A_642 : i32
        %parallel_loop3A_644 = arith.subi %parallel_loop3A_636, %parallel_loop3A_643 : i32
        %parallel_loop3A_645 = vector.broadcast %parallel_loop3A_641 : i32 to vector<16xi32>
        %parallel_loop3A_646 = arith.addi %broadcast_in_dim3A_7, %parallel_loop3A_645 : vector<16xi32>
        %parallel_loop3A_647 = vector.broadcast %parallel_loop3A_644 : i32 to vector<16xi32>
        %parallel_loop3A_648 = arith.addi %broadcast_in_dim3A_7, %parallel_loop3A_647 : vector<16xi32>
        %parallel_loop3A_649 = arith.constant 0 : i32
        %parallel_loop3A_650 = arith.index_cast %parallel_loop3A_649 : i32 to index
        %parallel_loop3A_651 = arith.index_cast %parallel_loop3A_636 : i32 to index
        %parallel_loop3A_652 = arith.constant 0 : index
        %parallel_loop3A_653 = tpu.vector_load %arg7[%parallel_loop3A_650, %parallel_loop3A_651, %parallel_loop3A_652] {strides = array<i32>} : memref<2x400x32xf32, #tpu.memory_space<vmem>>, vector<16xf32>,
        %parallel_loop3A_654 = arith.constant 0 : i32
        %parallel_loop3A_655 = arith.index_cast %parallel_loop3A_654 : i32 to index
        %parallel_loop3A_656 = arith.index_cast %parallel_loop3A_636 : i32 to index
        %parallel_loop3A_657 = arith.constant 16 : index
        %parallel_loop3A_658 = tpu.vector_load %arg7[%parallel_loop3A_655, %parallel_loop3A_656, %parallel_loop3A_657] {strides = array<i32>} : memref<2x400x32xf32, #tpu.memory_space<vmem>>, vector<16xf32>,
        %parallel_loop3A_659 = arith.constant 0 : i32
        %parallel_loop3A_660 = arith.constant 0 : i32
        %parallel_loop3A_661 = arith.constant 0 : i32
        %parallel_loop3A_662 = arith.constant 0 : i32
        %parallel_loop3A_663 = tpu.memref_slice %arg8[%parallel_loop3A_659, %parallel_loop3A_660, %parallel_loop3A_661, %parallel_loop3A_662] : memref<2x2x32x200xf32, #tpu.memory_space<vmem>> -> memref<1x2x32x200xf32, #tpu.memory_space<vmem>>
        %parallel_loop3A_664 = tpu.memref_squeeze %parallel_loop3A_663 : memref<1x2x32x200xf32, #tpu.memory_space<vmem>> -> memref<2x32x200xf32, #tpu.memory_space<vmem>>
        tpu.vector_store_idx %parallel_loop3A_664[%parallel_loop3A_646, %iota3A, %parallel_loop3A_648], %parallel_loop3A_653 : memref<2x32x200xf32, #tpu.memory_space<vmem>>[vector<16xi32>, vector<16xi32>, vector<16xi32>], vector<16xf32>,
        %parallel_loop3A_665 = arith.constant 0 : i32
        %parallel_loop3A_666 = arith.constant 0 : i32
        %parallel_loop3A_667 = arith.constant 0 : i32
        %parallel_loop3A_668 = arith.constant 0 : i32
        %parallel_loop3A_669 = tpu.memref_slice %arg8[%parallel_loop3A_665, %parallel_loop3A_666, %parallel_loop3A_667, %parallel_loop3A_668] : memref<2x2x32x200xf32, #tpu.memory_space<vmem>> -> memref<1x2x32x200xf32, #tpu.memory_space<vmem>>
        %parallel_loop3A_670 = tpu.memref_squeeze %parallel_loop3A_669 : memref<1x2x32x200xf32, #tpu.memory_space<vmem>> -> memref<2x32x200xf32, #tpu.memory_space<vmem>>
        tpu.vector_store_idx %parallel_loop3A_670[%parallel_loop3A_646, %add3A_3, %parallel_loop3A_648], %parallel_loop3A_658 : memref<2x32x200xf32, #tpu.memory_space<vmem>>[vector<16xi32>, vector<16xi32>, vector<16xi32>], vector<16xf32>,
      } {sc.loop_unroll_factor = 8 : i64, sc.parallel_access}
      %add3A_460 = arith.constant 2 : i32
      %add3A_461 = arith.addi %add3A_421, %add3A_460 : i32
      %mul3A_462 = arith.constant 400 : i32
      %mul3A_463 = arith.muli %add3A_461, %mul3A_462 : i32
      %dma_start3A_464 = arith.constant 0 : i32
      %dma_start3A_465 = arith.constant 0 : i32
      %dma_start3A_466 = arith.constant 0 : i32
      %dma_start3A_467 = arith.constant 0 : i32
      %dma_start3A_468 = tpu.memref_slice %arg7[%dma_start3A_464, %dma_start3A_466, %dma_start3A_467] : memref<2x400x32xf32, #tpu.memory_space<vmem>> -> memref<1x400x32xf32, #tpu.memory_space<vmem>>
      %dma_start3A_469 = tpu.memref_squeeze %dma_start3A_468 : memref<1x400x32xf32, #tpu.memory_space<vmem>> -> memref<400x32xf32, #tpu.memory_space<vmem>>
      %dma_start3A_470 = tpu.memref_slice %arg6[%mul3A_463] : memref<25600xi32, #tpu.memory_space<vmem>> -> memref<400xi32, #tpu.memory_space<vmem>>
      %dma_start3A_471 = arith.constant 0 : i32
      %dma_start3A_472 = arith.constant 0 : i32
      %dma_start3A_473 = tpu.memref_slice %arg3[%dma_start3A_471, %dma_start3A_472] : memref<1000000x32xf32, #tpu.memory_space<hbm>> -> memref<1000000x32xf32, #tpu.memory_space<hbm>>
      %dma_start3A_474 = tpu.memref_slice %arg9[%dma_start3A_465] : memref<2x!tpu.dma_semaphore, #tpu.memory_space<semaphore_mem>> -> memref<1x!tpu.dma_semaphore, #tpu.memory_space<semaphore_mem>>
      %dma_start3A_475 = tpu.memref_squeeze %dma_start3A_474 : memref<1x!tpu.dma_semaphore, #tpu.memory_space<semaphore_mem>> -> memref<!tpu.dma_semaphore, #tpu.memory_space<semaphore_mem>>
      tpu.enqueue_indirect_dma source(%dma_start3A_473 : memref<1000000x32xf32, #tpu.memory_space<hbm>>) target(%dma_start3A_469 : memref<400x32xf32, #tpu.memory_space<vmem>>) offsets(%dma_start3A_470 : memref<400xi32, #tpu.memory_space<vmem>>) semaphore(%dma_start3A_475 : memref<!tpu.dma_semaphore, #tpu.memory_space<semaphore_mem>>)
      %mul3A_476 = arith.constant 128 : i32
      %mul3A_477 = arith.muli %add3A, %mul3A_476 : i32
      %mul3A_478 = arith.constant 2 : i32
      %mul3A_479 = arith.muli %add3A_421, %mul3A_478 : i32
      %add3A_480 = arith.addi %mul3A_477, %mul3A_479 : i32
      %add3A_481 = arith.constant 0 : i32
      %add3A_482 = arith.addi %add3A_480, %add3A_481 : i32
      %dma_start3A_483 = arith.constant 0 : i32
      %dma_start3A_484 = arith.constant 0 : i32
      %dma_start3A_485 = arith.constant 0 : i32
      %dma_start3A_486 = arith.constant 0 : i32
      %dma_start3A_487 = arith.constant 0 : i32
      %dma_start3A_488 = tpu.memref_slice %arg8[%dma_start3A_483, %dma_start3A_484, %dma_start3A_486, %dma_start3A_487] : memref<2x2x32x200xf32, #tpu.memory_space<vmem>> -> memref<1x1x32x200xf32, #tpu.memory_space<vmem>>
      %dma_start3A_489 = tpu.memref_squeeze %dma_start3A_488 : memref<1x1x32x200xf32, #tpu.memory_space<vmem>> -> memref<32x200xf32, #tpu.memory_space<vmem>>
      %dma_start3A_490 = arith.constant 0 : i32
      %dma_start3A_491 = arith.constant 0 : i32
      %dma_start3A_492 = tpu.memref_slice %arg4[%add3A_482, %dma_start3A_490, %dma_start3A_491] : memref<4096x32x200xf32, #tpu.memory_space<hbm>> -> memref<1x32x200xf32, #tpu.memory_space<hbm>>
      %dma_start3A_493 = tpu.memref_squeeze %dma_start3A_492 : memref<1x32x200xf32, #tpu.memory_space<hbm>> -> memref<32x200xf32, #tpu.memory_space<hbm>>
      %dma_start3A_494 = tpu.memref_slice %arg10[%dma_start3A_485] : memref<2x!tpu.dma_semaphore, #tpu.memory_space<semaphore_mem>> -> memref<1x!tpu.dma_semaphore, #tpu.memory_space<semaphore_mem>>
      %dma_start3A_495 = tpu.memref_squeeze %dma_start3A_494 : memref<1x!tpu.dma_semaphore, #tpu.memory_space<semaphore_mem>> -> memref<!tpu.dma_semaphore, #tpu.memory_space<semaphore_mem>>
      %dma_start3A_496 = arith.constant 0 : i32
      %dma_start3A_497 = arith.constant 0 : i32
      %dma_start3A_498 = tpu.memref_slice %arg4[%add3A_482, %dma_start3A_496, %dma_start3A_497] : memref<4096x32x200xf32, #tpu.memory_space<hbm>> -> memref<1x32x200xf32, #tpu.memory_space<hbm>>
      %dma_start3A_499 = tpu.memref_squeeze %dma_start3A_498 : memref<1x32x200xf32, #tpu.memory_space<hbm>> -> memref<32x200xf32, #tpu.memory_space<hbm>>
      %dma_start3A_500 = arith.constant 0 : i32
      %dma_start3A_501 = arith.constant 0 : i32
      %dma_start3A_502 = tpu.memref_slice %arg8[%dma_start3A_483, %dma_start3A_484, %dma_start3A_500, %dma_start3A_501] : memref<2x2x32x200xf32, #tpu.memory_space<vmem>> -> memref<1x1x32x200xf32, #tpu.memory_space<vmem>>
      %dma_start3A_503 = tpu.memref_squeeze %dma_start3A_502 : memref<1x1x32x200xf32, #tpu.memory_space<vmem>> -> memref<32x200xf32, #tpu.memory_space<vmem>>
      tpu.enqueue_dma source(%dma_start3A_503 : memref<32x200xf32, #tpu.memory_space<vmem>>) target(%dma_start3A_499 : memref<32x200xf32, #tpu.memory_space<hbm>>) target_semaphore(%dma_start3A_495 : memref<!tpu.dma_semaphore, #tpu.memory_space<semaphore_mem>>)
      %add3A_504 = arith.constant 1 : i32
      %add3A_505 = arith.addi %add3A_480, %add3A_504 : i32
      %dma_start3A_506 = arith.constant 0 : i32
      %dma_start3A_507 = arith.constant 1 : i32
      %dma_start3A_508 = arith.constant 0 : i32
      %dma_start3A_509 = arith.constant 0 : i32
      %dma_start3A_510 = arith.constant 0 : i32
      %dma_start3A_511 = tpu.memref_slice %arg8[%dma_start3A_506, %dma_start3A_507, %dma_start3A_509, %dma_start3A_510] : memref<2x2x32x200xf32, #tpu.memory_space<vmem>> -> memref<1x1x32x200xf32, #tpu.memory_space<vmem>>
      %dma_start3A_512 = tpu.memref_squeeze %dma_start3A_511 : memref<1x1x32x200xf32, #tpu.memory_space<vmem>> -> memref<32x200xf32, #tpu.memory_space<vmem>>
      %dma_start3A_513 = arith.constant 0 : i32
      %dma_start3A_514 = arith.constant 0 : i32
      %dma_start3A_515 = tpu.memref_slice %arg4[%add3A_505, %dma_start3A_513, %dma_start3A_514] : memref<4096x32x200xf32, #tpu.memory_space<hbm>> -> memref<1x32x200xf32, #tpu.memory_space<hbm>>
      %dma_start3A_516 = tpu.memref_squeeze %dma_start3A_515 : memref<1x32x200xf32, #tpu.memory_space<hbm>> -> memref<32x200xf32, #tpu.memory_space<hbm>>
      %dma_start3A_517 = tpu.memref_slice %arg10[%dma_start3A_508] : memref<2x!tpu.dma_semaphore, #tpu.memory_space<semaphore_mem>> -> memref<1x!tpu.dma_semaphore, #tpu.memory_space<semaphore_mem>>
      %dma_start3A_518 = tpu.memref_squeeze %dma_start3A_517 : memref<1x!tpu.dma_semaphore, #tpu.memory_space<semaphore_mem>> -> memref<!tpu.dma_semaphore, #tpu.memory_space<semaphore_mem>>
      %dma_start3A_519 = arith.constant 0 : i32
      %dma_start3A_520 = arith.constant 0 : i32
      %dma_start3A_521 = tpu.memref_slice %arg4[%add3A_505, %dma_start3A_519, %dma_start3A_520] : memref<4096x32x200xf32, #tpu.memory_space<hbm>> -> memref<1x32x200xf32, #tpu.memory_space<hbm>>
      %dma_start3A_522 = tpu.memref_squeeze %dma_start3A_521 : memref<1x32x200xf32, #tpu.memory_space<hbm>> -> memref<32x200xf32, #tpu.memory_space<hbm>>
      %dma_start3A_523 = arith.constant 0 : i32
      %dma_start3A_524 = arith.constant 0 : i32
      %dma_start3A_525 = tpu.memref_slice %arg8[%dma_start3A_506, %dma_start3A_507, %dma_start3A_523, %dma_start3A_524] : memref<2x2x32x200xf32, #tpu.memory_space<vmem>> -> memref<1x1x32x200xf32, #tpu.memory_space<vmem>>
      %dma_start3A_526 = tpu.memref_squeeze %dma_start3A_525 : memref<1x1x32x200xf32, #tpu.memory_space<vmem>> -> memref<32x200xf32, #tpu.memory_space<vmem>>
      tpu.enqueue_dma source(%dma_start3A_526 : memref<32x200xf32, #tpu.memory_space<vmem>>) target(%dma_start3A_522 : memref<32x200xf32, #tpu.memory_space<hbm>>) target_semaphore(%dma_start3A_518 : memref<!tpu.dma_semaphore, #tpu.memory_space<semaphore_mem>>)
      %mul3A_527 = arith.constant 2 : i32
      %mul3A_528 = arith.muli %mul3A_527, %scan3A_417 : i32
      %add3A_529 = arith.constant 1 : i32
      %add3A_530 = arith.addi %mul3A_528, %add3A_529 : i32
      %dma_wait3A_531 = arith.constant 1 : i32
      %dma_wait3A_532 = arith.constant 1 : i32
      %dma_wait3A_533 = arith.constant 0 : i32
      %dma_wait3A_534 = arith.constant 0 : i32
      %dma_wait3A_535 = tpu.memref_slice %arg7[%dma_wait3A_531, %dma_wait3A_533, %dma_wait3A_534] : memref<2x400x32xf32, #tpu.memory_space<vmem>> -> memref<1x400x32xf32, #tpu.memory_space<vmem>>
      %dma_wait3A_536 = tpu.memref_squeeze %dma_wait3A_535 : memref<1x400x32xf32, #tpu.memory_space<vmem>> -> memref<400x32xf32, #tpu.memory_space<vmem>>
      %dma_wait3A_537 = arith.constant 0 : i32
      %dma_wait3A_538 = tpu.memref_slice %arg6[%dma_wait3A_537] : memref<25600xi32, #tpu.memory_space<vmem>> -> memref<400xi32, #tpu.memory_space<vmem>>
      %dma_wait3A_539 = arith.constant 0 : i32
      %dma_wait3A_540 = arith.constant 0 : i32
      %dma_wait3A_541 = tpu.memref_slice %arg3[%dma_wait3A_539, %dma_wait3A_540] : memref<1000000x32xf32, #tpu.memory_space<hbm>> -> memref<1000000x32xf32, #tpu.memory_space<hbm>>
      %dma_wait3A_542 = tpu.memref_slice %arg9[%dma_wait3A_532] : memref<2x!tpu.dma_semaphore, #tpu.memory_space<semaphore_mem>> -> memref<1x!tpu.dma_semaphore, #tpu.memory_space<semaphore_mem>>
      %dma_wait3A_543 = tpu.memref_squeeze %dma_wait3A_542 : memref<1x!tpu.dma_semaphore, #tpu.memory_space<semaphore_mem>> -> memref<!tpu.dma_semaphore, #tpu.memory_space<semaphore_mem>>
      tpu.wait_indirect_dma semaphore(%dma_wait3A_543 : memref<!tpu.dma_semaphore, #tpu.memory_space<semaphore_mem>>) src(%dma_wait3A_541 : memref<1000000x32xf32, #tpu.memory_space<hbm>>) dst(%dma_wait3A_536 : memref<400x32xf32, #tpu.memory_space<vmem>>)
      %dma_wait3A_544 = arith.constant 1 : i32
      %dma_wait3A_545 = arith.constant 1 : i32
      %dma_wait3A_546 = arith.constant 0 : i32
      %dma_wait3A_547 = arith.constant 0 : i32
      %dma_wait3A_548 = arith.constant 0 : i32
      %dma_wait3A_549 = tpu.memref_slice %arg8[%dma_wait3A_544, %dma_wait3A_546, %dma_wait3A_547, %dma_wait3A_548] : memref<2x2x32x200xf32, #tpu.memory_space<vmem>> -> memref<1x2x32x200xf32, #tpu.memory_space<vmem>>
      %dma_wait3A_550 = tpu.memref_squeeze %dma_wait3A_549 : memref<1x2x32x200xf32, #tpu.memory_space<vmem>> -> memref<2x32x200xf32, #tpu.memory_space<vmem>>
      %dma_wait3A_551 = arith.constant 0 : i32
      %dma_wait3A_552 = arith.constant 0 : i32
      %dma_wait3A_553 = arith.constant 0 : i32
      %dma_wait3A_554 = tpu.memref_slice %arg4[%dma_wait3A_551, %dma_wait3A_552, %dma_wait3A_553] : memref<4096x32x200xf32, #tpu.memory_space<hbm>> -> memref<2x32x200xf32, #tpu.memory_space<hbm>>
      %dma_wait3A_555 = tpu.memref_slice %arg10[%dma_wait3A_545] : memref<2x!tpu.dma_semaphore, #tpu.memory_space<semaphore_mem>> -> memref<1x!tpu.dma_semaphore, #tpu.memory_space<semaphore_mem>>
      %dma_wait3A_556 = tpu.memref_squeeze %dma_wait3A_555 : memref<1x!tpu.dma_semaphore, #tpu.memory_space<semaphore_mem>> -> memref<!tpu.dma_semaphore, #tpu.memory_space<semaphore_mem>>
      %dma_wait3A_557 = arith.constant 0 : i32
      %dma_wait3A_558 = arith.constant 0 : i32
      %dma_wait3A_559 = arith.constant 0 : i32
      %dma_wait3A_560 = tpu.memref_slice %arg4[%dma_wait3A_557, %dma_wait3A_558, %dma_wait3A_559] : memref<4096x32x200xf32, #tpu.memory_space<hbm>> -> memref<2x32x200xf32, #tpu.memory_space<hbm>>
      %dma_wait3A_561 = arith.constant 0 : i32
      %dma_wait3A_562 = arith.constant 0 : i32
      %dma_wait3A_563 = arith.constant 0 : i32
      %dma_wait3A_564 = tpu.memref_slice %arg8[%dma_wait3A_544, %dma_wait3A_561, %dma_wait3A_562, %dma_wait3A_563] : memref<2x2x32x200xf32, #tpu.memory_space<vmem>> -> memref<1x2x32x200xf32, #tpu.memory_space<vmem>>
      %dma_wait3A_565 = tpu.memref_squeeze %dma_wait3A_564 : memref<1x2x32x200xf32, #tpu.memory_space<vmem>> -> memref<2x32x200xf32, #tpu.memory_space<vmem>>
      tpu.wait_dma2 semaphore(%dma_wait3A_556 : memref<!tpu.dma_semaphore, #tpu.memory_space<semaphore_mem>>) src(%dma_wait3A_565 : memref<2x32x200xf32, #tpu.memory_space<vmem>>) dst(%dma_wait3A_560 : memref<2x32x200xf32, #tpu.memory_space<hbm>>)
      %parallel_loop3A_566 = arith.constant 0 : i32
      %parallel_loop3A_567 = arith.constant 400 : i32
      %parallel_loop3A_568 = arith.constant 1 : i32
      scf.for %parallel_loop3A_636 = %parallel_loop3A_566 to %parallel_loop3A_567 step %parallel_loop3A_568  : i32 {
        %parallel_loop3A_637 = arith.constant 200 : i32
        %parallel_loop3A_638 = arith.cmpi sge, %parallel_loop3A_636, %parallel_loop3A_637 : i32
        %parallel_loop3A_639 = arith.constant 1 : i32
        %parallel_loop3A_640 = arith.constant 0 : i32
        %parallel_loop3A_641 = arith.select %parallel_loop3A_638, %parallel_loop3A_639, %parallel_loop3A_640 : i32
        %parallel_loop3A_642 = arith.constant 200 : i32
        %parallel_loop3A_643 = arith.muli %parallel_loop3A_641, %parallel_loop3A_642 : i32
        %parallel_loop3A_644 = arith.subi %parallel_loop3A_636, %parallel_loop3A_643 : i32
        %parallel_loop3A_645 = vector.broadcast %parallel_loop3A_641 : i32 to vector<16xi32>
        %parallel_loop3A_646 = arith.addi %broadcast_in_dim3A_7, %parallel_loop3A_645 : vector<16xi32>
        %parallel_loop3A_647 = vector.broadcast %parallel_loop3A_644 : i32 to vector<16xi32>
        %parallel_loop3A_648 = arith.addi %broadcast_in_dim3A_7, %parallel_loop3A_647 : vector<16xi32>
        %parallel_loop3A_649 = arith.constant 1 : i32
        %parallel_loop3A_650 = arith.index_cast %parallel_loop3A_649 : i32 to index
        %parallel_loop3A_651 = arith.index_cast %parallel_loop3A_636 : i32 to index
        %parallel_loop3A_652 = arith.constant 0 : index
        %parallel_loop3A_653 = tpu.vector_load %arg7[%parallel_loop3A_650, %parallel_loop3A_651, %parallel_loop3A_652] {strides = array<i32>} : memref<2x400x32xf32, #tpu.memory_space<vmem>>, vector<16xf32>,
        %parallel_loop3A_654 = arith.constant 1 : i32
        %parallel_loop3A_655 = arith.index_cast %parallel_loop3A_654 : i32 to index
        %parallel_loop3A_656 = arith.index_cast %parallel_loop3A_636 : i32 to index
        %parallel_loop3A_657 = arith.constant 16 : index
        %parallel_loop3A_658 = tpu.vector_load %arg7[%parallel_loop3A_655, %parallel_loop3A_656, %parallel_loop3A_657] {strides = array<i32>} : memref<2x400x32xf32, #tpu.memory_space<vmem>>, vector<16xf32>,
        %parallel_loop3A_659 = arith.constant 1 : i32
        %parallel_loop3A_660 = arith.constant 0 : i32
        %parallel_loop3A_661 = arith.constant 0 : i32
        %parallel_loop3A_662 = arith.constant 0 : i32
        %parallel_loop3A_663 = tpu.memref_slice %arg8[%parallel_loop3A_659, %parallel_loop3A_660, %parallel_loop3A_661, %parallel_loop3A_662] : memref<2x2x32x200xf32, #tpu.memory_space<vmem>> -> memref<1x2x32x200xf32, #tpu.memory_space<vmem>>
        %parallel_loop3A_664 = tpu.memref_squeeze %parallel_loop3A_663 : memref<1x2x32x200xf32, #tpu.memory_space<vmem>> -> memref<2x32x200xf32, #tpu.memory_space<vmem>>
        tpu.vector_store_idx %parallel_loop3A_664[%parallel_loop3A_646, %iota3A, %parallel_loop3A_648], %parallel_loop3A_653 : memref<2x32x200xf32, #tpu.memory_space<vmem>>[vector<16xi32>, vector<16xi32>, vector<16xi32>], vector<16xf32>,
        %parallel_loop3A_665 = arith.constant 1 : i32
        %parallel_loop3A_666 = arith.constant 0 : i32
        %parallel_loop3A_667 = arith.constant 0 : i32
        %parallel_loop3A_668 = arith.constant 0 : i32
        %parallel_loop3A_669 = tpu.memref_slice %arg8[%parallel_loop3A_665, %parallel_loop3A_666, %parallel_loop3A_667, %parallel_loop3A_668] : memref<2x2x32x200xf32, #tpu.memory_space<vmem>> -> memref<1x2x32x200xf32, #tpu.memory_space<vmem>>
        %parallel_loop3A_670 = tpu.memref_squeeze %parallel_loop3A_669 : memref<1x2x32x200xf32, #tpu.memory_space<vmem>> -> memref<2x32x200xf32, #tpu.memory_space<vmem>>
        tpu.vector_store_idx %parallel_loop3A_670[%parallel_loop3A_646, %add3A_3, %parallel_loop3A_648], %parallel_loop3A_658 : memref<2x32x200xf32, #tpu.memory_space<vmem>>[vector<16xi32>, vector<16xi32>, vector<16xi32>], vector<16xf32>,
      } {sc.loop_unroll_factor = 8 : i64, sc.parallel_access}
      %add3A_569 = arith.constant 2 : i32
      %add3A_570 = arith.addi %add3A_530, %add3A_569 : i32
      %mul3A_571 = arith.constant 400 : i32
      %mul3A_572 = arith.muli %add3A_570, %mul3A_571 : i32
      %dma_start3A_573 = arith.constant 1 : i32
      %dma_start3A_574 = arith.constant 1 : i32
      %dma_start3A_575 = arith.constant 0 : i32
      %dma_start3A_576 = arith.constant 0 : i32
      %dma_start3A_577 = tpu.memref_slice %arg7[%dma_start3A_573, %dma_start3A_575, %dma_start3A_576] : memref<2x400x32xf32, #tpu.memory_space<vmem>> -> memref<1x400x32xf32, #tpu.memory_space<vmem>>
      %dma_start3A_578 = tpu.memref_squeeze %dma_start3A_577 : memref<1x400x32xf32, #tpu.memory_space<vmem>> -> memref<400x32xf32, #tpu.memory_space<vmem>>
      %dma_start3A_579 = tpu.memref_slice %arg6[%mul3A_572] : memref<25600xi32, #tpu.memory_space<vmem>> -> memref<400xi32, #tpu.memory_space<vmem>>
      %dma_start3A_580 = arith.constant 0 : i32
      %dma_start3A_581 = arith.constant 0 : i32
      %dma_start3A_582 = tpu.memref_slice %arg3[%dma_start3A_580, %dma_start3A_581] : memref<1000000x32xf32, #tpu.memory_space<hbm>> -> memref<1000000x32xf32, #tpu.memory_space<hbm>>
      %dma_start3A_583 = tpu.memref_slice %arg9[%dma_start3A_574] : memref<2x!tpu.dma_semaphore, #tpu.memory_space<semaphore_mem>> -> memref<1x!tpu.dma_semaphore, #tpu.memory_space<semaphore_mem>>
      %dma_start3A_584 = tpu.memref_squeeze %dma_start3A_583 : memref<1x!tpu.dma_semaphore, #tpu.memory_space<semaphore_mem>> -> memref<!tpu.dma_semaphore, #tpu.memory_space<semaphore_mem>>
      tpu.enqueue_indirect_dma source(%dma_start3A_582 : memref<1000000x32xf32, #tpu.memory_space<hbm>>) target(%dma_start3A_578 : memref<400x32xf32, #tpu.memory_space<vmem>>) offsets(%dma_start3A_579 : memref<400xi32, #tpu.memory_space<vmem>>) semaphore(%dma_start3A_584 : memref<!tpu.dma_semaphore, #tpu.memory_space<semaphore_mem>>)
      %mul3A_585 = arith.constant 128 : i32
      %mul3A_586 = arith.muli %add3A, %mul3A_585 : i32
      %mul3A_587 = arith.constant 2 : i32
      %mul3A_588 = arith.muli %add3A_530, %mul3A_587 : i32
      %add3A_589 = arith.addi %mul3A_586, %mul3A_588 : i32
      %add3A_590 = arith.constant 0 : i32
      %add3A_591 = arith.addi %add3A_589, %add3A_590 : i32
      %dma_start3A_592 = arith.constant 1 : i32
      %dma_start3A_593 = arith.constant 0 : i32
      %dma_start3A_594 = arith.constant 1 : i32
      %dma_start3A_595 = arith.constant 0 : i32
      %dma_start3A_596 = arith.constant 0 : i32
      %dma_start3A_597 = tpu.memref_slice %arg8[%dma_start3A_592, %dma_start3A_593, %dma_start3A_595, %dma_start3A_596] : memref<2x2x32x200xf32, #tpu.memory_space<vmem>> -> memref<1x1x32x200xf32, #tpu.memory_space<vmem>>
      %dma_start3A_598 = tpu.memref_squeeze %dma_start3A_597 : memref<1x1x32x200xf32, #tpu.memory_space<vmem>> -> memref<32x200xf32, #tpu.memory_space<vmem>>
      %dma_start3A_599 = arith.constant 0 : i32
      %dma_start3A_600 = arith.constant 0 : i32
      %dma_start3A_601 = tpu.memref_slice %arg4[%add3A_591, %dma_start3A_599, %dma_start3A_600] : memref<4096x32x200xf32, #tpu.memory_space<hbm>> -> memref<1x32x200xf32, #tpu.memory_space<hbm>>
      %dma_start3A_602 = tpu.memref_squeeze %dma_start3A_601 : memref<1x32x200xf32, #tpu.memory_space<hbm>> -> memref<32x200xf32, #tpu.memory_space<hbm>>
      %dma_start3A_603 = tpu.memref_slice %arg10[%dma_start3A_594] : memref<2x!tpu.dma_semaphore, #tpu.memory_space<semaphore_mem>> -> memref<1x!tpu.dma_semaphore, #tpu.memory_space<semaphore_mem>>
      %dma_start3A_604 = tpu.memref_squeeze %dma_start3A_603 : memref<1x!tpu.dma_semaphore, #tpu.memory_space<semaphore_mem>> -> memref<!tpu.dma_semaphore, #tpu.memory_space<semaphore_mem>>
      %dma_start3A_605 = arith.constant 0 : i32
      %dma_start3A_606 = arith.constant 0 : i32
      %dma_start3A_607 = tpu.memref_slice %arg4[%add3A_591, %dma_start3A_605, %dma_start3A_606] : memref<4096x32x200xf32, #tpu.memory_space<hbm>> -> memref<1x32x200xf32, #tpu.memory_space<hbm>>
      %dma_start3A_608 = tpu.memref_squeeze %dma_start3A_607 : memref<1x32x200xf32, #tpu.memory_space<hbm>> -> memref<32x200xf32, #tpu.memory_space<hbm>>
      %dma_start3A_609 = arith.constant 0 : i32
      %dma_start3A_610 = arith.constant 0 : i32
      %dma_start3A_611 = tpu.memref_slice %arg8[%dma_start3A_592, %dma_start3A_593, %dma_start3A_609, %dma_start3A_610] : memref<2x2x32x200xf32, #tpu.memory_space<vmem>> -> memref<1x1x32x200xf32, #tpu.memory_space<vmem>>
      %dma_start3A_612 = tpu.memref_squeeze %dma_start3A_611 : memref<1x1x32x200xf32, #tpu.memory_space<vmem>> -> memref<32x200xf32, #tpu.memory_space<vmem>>
      tpu.enqueue_dma source(%dma_start3A_612 : memref<32x200xf32, #tpu.memory_space<vmem>>) target(%dma_start3A_608 : memref<32x200xf32, #tpu.memory_space<hbm>>) target_semaphore(%dma_start3A_604 : memref<!tpu.dma_semaphore, #tpu.memory_space<semaphore_mem>>)
      %add3A_613 = arith.constant 1 : i32
      %add3A_614 = arith.addi %add3A_589, %add3A_613 : i32
      %dma_start3A_615 = arith.constant 1 : i32
      %dma_start3A_616 = arith.constant 1 : i32
      %dma_start3A_617 = arith.constant 1 : i32
      %dma_start3A_618 = arith.constant 0 : i32
      %dma_start3A_619 = arith.constant 0 : i32
      %dma_start3A_620 = tpu.memref_slice %arg8[%dma_start3A_615, %dma_start3A_616, %dma_start3A_618, %dma_start3A_619] : memref<2x2x32x200xf32, #tpu.memory_space<vmem>> -> memref<1x1x32x200xf32, #tpu.memory_space<vmem>>
      %dma_start3A_621 = tpu.memref_squeeze %dma_start3A_620 : memref<1x1x32x200xf32, #tpu.memory_space<vmem>> -> memref<32x200xf32, #tpu.memory_space<vmem>>
      %dma_start3A_622 = arith.constant 0 : i32
      %dma_start3A_623 = arith.constant 0 : i32
      %dma_start3A_624 = tpu.memref_slice %arg4[%add3A_614, %dma_start3A_622, %dma_start3A_623] : memref<4096x32x200xf32, #tpu.memory_space<hbm>> -> memref<1x32x200xf32, #tpu.memory_space<hbm>>
      %dma_start3A_625 = tpu.memref_squeeze %dma_start3A_624 : memref<1x32x200xf32, #tpu.memory_space<hbm>> -> memref<32x200xf32, #tpu.memory_space<hbm>>
      %dma_start3A_626 = tpu.memref_slice %arg10[%dma_start3A_617] : memref<2x!tpu.dma_semaphore, #tpu.memory_space<semaphore_mem>> -> memref<1x!tpu.dma_semaphore, #tpu.memory_space<semaphore_mem>>
      %dma_start3A_627 = tpu.memref_squeeze %dma_start3A_626 : memref<1x!tpu.dma_semaphore, #tpu.memory_space<semaphore_mem>> -> memref<!tpu.dma_semaphore, #tpu.memory_space<semaphore_mem>>
      %dma_start3A_628 = arith.constant 0 : i32
      %dma_start3A_629 = arith.constant 0 : i32
      %dma_start3A_630 = tpu.memref_slice %arg4[%add3A_614, %dma_start3A_628, %dma_start3A_629] : memref<4096x32x200xf32, #tpu.memory_space<hbm>> -> memref<1x32x200xf32, #tpu.memory_space<hbm>>
      %dma_start3A_631 = tpu.memref_squeeze %dma_start3A_630 : memref<1x32x200xf32, #tpu.memory_space<hbm>> -> memref<32x200xf32, #tpu.memory_space<hbm>>
      %dma_start3A_632 = arith.constant 0 : i32
      %dma_start3A_633 = arith.constant 0 : i32
      %dma_start3A_634 = tpu.memref_slice %arg8[%dma_start3A_615, %dma_start3A_616, %dma_start3A_632, %dma_start3A_633] : memref<2x2x32x200xf32, #tpu.memory_space<vmem>> -> memref<1x1x32x200xf32, #tpu.memory_space<vmem>>
      %dma_start3A_635 = tpu.memref_squeeze %dma_start3A_634 : memref<1x1x32x200xf32, #tpu.memory_space<vmem>> -> memref<32x200xf32, #tpu.memory_space<vmem>>
      tpu.enqueue_dma source(%dma_start3A_635 : memref<32x200xf32, #tpu.memory_space<vmem>>) target(%dma_start3A_631 : memref<32x200xf32, #tpu.memory_space<hbm>>) target_semaphore(%dma_start3A_627 : memref<!tpu.dma_semaphore, #tpu.memory_space<semaphore_mem>>)
    }
    %scan3A_196 = arith.constant 30 : i32
    %dma_wait3A_197 = arith.constant 0 : i32
    %dma_wait3A_198 = arith.constant 0 : i32
    %dma_wait3A_199 = arith.constant 0 : i32
    %dma_wait3A_200 = arith.constant 0 : i32
    %dma_wait3A_201 = tpu.memref_slice %arg7[%dma_wait3A_197, %dma_wait3A_199, %dma_wait3A_200] : memref<2x400x32xf32, #tpu.memory_space<vmem>> -> memref<1x400x32xf32, #tpu.memory_space<vmem>>
    %dma_wait3A_202 = tpu.memref_squeeze %dma_wait3A_201 : memref<1x400x32xf32, #tpu.memory_space<vmem>> -> memref<400x32xf32, #tpu.memory_space<vmem>>
    %dma_wait3A_203 = arith.constant 0 : i32
    %dma_wait3A_204 = tpu.memref_slice %arg6[%dma_wait3A_203] : memref<25600xi32, #tpu.memory_space<vmem>> -> memref<400xi32, #tpu.memory_space<vmem>>
    %dma_wait3A_205 = arith.constant 0 : i32
    %dma_wait3A_206 = arith.constant 0 : i32
    %dma_wait3A_207 = tpu.memref_slice %arg3[%dma_wait3A_205, %dma_wait3A_206] : memref<1000000x32xf32, #tpu.memory_space<hbm>> -> memref<1000000x32xf32, #tpu.memory_space<hbm>>
    %dma_wait3A_208 = tpu.memref_slice %arg9[%dma_wait3A_198] : memref<2x!tpu.dma_semaphore, #tpu.memory_space<semaphore_mem>> -> memref<1x!tpu.dma_semaphore, #tpu.memory_space<semaphore_mem>>
    %dma_wait3A_209 = tpu.memref_squeeze %dma_wait3A_208 : memref<1x!tpu.dma_semaphore, #tpu.memory_space<semaphore_mem>> -> memref<!tpu.dma_semaphore, #tpu.memory_space<semaphore_mem>>
    tpu.wait_indirect_dma semaphore(%dma_wait3A_209 : memref<!tpu.dma_semaphore, #tpu.memory_space<semaphore_mem>>) src(%dma_wait3A_207 : memref<1000000x32xf32, #tpu.memory_space<hbm>>) dst(%dma_wait3A_202 : memref<400x32xf32, #tpu.memory_space<vmem>>)
    %dma_wait3A_210 = arith.constant 0 : i32
    %dma_wait3A_211 = arith.constant 0 : i32
    %dma_wait3A_212 = arith.constant 0 : i32
    %dma_wait3A_213 = arith.constant 0 : i32
    %dma_wait3A_214 = arith.constant 0 : i32
    %dma_wait3A_215 = tpu.memref_slice %arg8[%dma_wait3A_210, %dma_wait3A_212, %dma_wait3A_213, %dma_wait3A_214] : memref<2x2x32x200xf32, #tpu.memory_space<vmem>> -> memref<1x2x32x200xf32, #tpu.memory_space<vmem>>
    %dma_wait3A_216 = tpu.memref_squeeze %dma_wait3A_215 : memref<1x2x32x200xf32, #tpu.memory_space<vmem>> -> memref<2x32x200xf32, #tpu.memory_space<vmem>>
    %dma_wait3A_217 = arith.constant 0 : i32
    %dma_wait3A_218 = arith.constant 0 : i32
    %dma_wait3A_219 = arith.constant 0 : i32
    %dma_wait3A_220 = tpu.memref_slice %arg4[%dma_wait3A_217, %dma_wait3A_218, %dma_wait3A_219] : memref<4096x32x200xf32, #tpu.memory_space<hbm>> -> memref<2x32x200xf32, #tpu.memory_space<hbm>>
    %dma_wait3A_221 = tpu.memref_slice %arg10[%dma_wait3A_211] : memref<2x!tpu.dma_semaphore, #tpu.memory_space<semaphore_mem>> -> memref<1x!tpu.dma_semaphore, #tpu.memory_space<semaphore_mem>>
    %dma_wait3A_222 = tpu.memref_squeeze %dma_wait3A_221 : memref<1x!tpu.dma_semaphore, #tpu.memory_space<semaphore_mem>> -> memref<!tpu.dma_semaphore, #tpu.memory_space<semaphore_mem>>
    %dma_wait3A_223 = arith.constant 0 : i32
    %dma_wait3A_224 = arith.constant 0 : i32
    %dma_wait3A_225 = arith.constant 0 : i32
    %dma_wait3A_226 = tpu.memref_slice %arg4[%dma_wait3A_223, %dma_wait3A_224, %dma_wait3A_225] : memref<4096x32x200xf32, #tpu.memory_space<hbm>> -> memref<2x32x200xf32, #tpu.memory_space<hbm>>
    %dma_wait3A_227 = arith.constant 0 : i32
    %dma_wait3A_228 = arith.constant 0 : i32
    %dma_wait3A_229 = arith.constant 0 : i32
    %dma_wait3A_230 = tpu.memref_slice %arg8[%dma_wait3A_210, %dma_wait3A_227, %dma_wait3A_228, %dma_wait3A_229] : memref<2x2x32x200xf32, #tpu.memory_space<vmem>> -> memref<1x2x32x200xf32, #tpu.memory_space<vmem>>
    %dma_wait3A_231 = tpu.memref_squeeze %dma_wait3A_230 : memref<1x2x32x200xf32, #tpu.memory_space<vmem>> -> memref<2x32x200xf32, #tpu.memory_space<vmem>>
    tpu.wait_dma2 semaphore(%dma_wait3A_222 : memref<!tpu.dma_semaphore, #tpu.memory_space<semaphore_mem>>) src(%dma_wait3A_231 : memref<2x32x200xf32, #tpu.memory_space<vmem>>) dst(%dma_wait3A_226 : memref<2x32x200xf32, #tpu.memory_space<hbm>>)
    %parallel_loop3A_232 = arith.constant 0 : i32
    %parallel_loop3A_233 = arith.constant 400 : i32
    %parallel_loop3A_234 = arith.constant 1 : i32
    scf.for %parallel_loop3A_417 = %parallel_loop3A_232 to %parallel_loop3A_233 step %parallel_loop3A_234  : i32 {
      %parallel_loop3A_418 = arith.constant 200 : i32
      %parallel_loop3A_419 = arith.cmpi sge, %parallel_loop3A_417, %parallel_loop3A_418 : i32
      %parallel_loop3A_420 = arith.constant 1 : i32
      %parallel_loop3A_421 = arith.constant 0 : i32
      %parallel_loop3A_422 = arith.select %parallel_loop3A_419, %parallel_loop3A_420, %parallel_loop3A_421 : i32
      %parallel_loop3A_423 = arith.constant 200 : i32
      %parallel_loop3A_424 = arith.muli %parallel_loop3A_422, %parallel_loop3A_423 : i32
      %parallel_loop3A_425 = arith.subi %parallel_loop3A_417, %parallel_loop3A_424 : i32
      %parallel_loop3A_426 = vector.broadcast %parallel_loop3A_422 : i32 to vector<16xi32>
      %parallel_loop3A_427 = arith.addi %broadcast_in_dim3A_7, %parallel_loop3A_426 : vector<16xi32>
      %parallel_loop3A_428 = vector.broadcast %parallel_loop3A_425 : i32 to vector<16xi32>
      %parallel_loop3A_429 = arith.addi %broadcast_in_dim3A_7, %parallel_loop3A_428 : vector<16xi32>
      %parallel_loop3A_430 = arith.constant 0 : i32
      %parallel_loop3A_431 = arith.index_cast %parallel_loop3A_430 : i32 to index
      %parallel_loop3A_432 = arith.index_cast %parallel_loop3A_417 : i32 to index
      %parallel_loop3A_433 = arith.constant 0 : index
      %parallel_loop3A_434 = tpu.vector_load %arg7[%parallel_loop3A_431, %parallel_loop3A_432, %parallel_loop3A_433] {strides = array<i32>} : memref<2x400x32xf32, #tpu.memory_space<vmem>>, vector<16xf32>,
      %parallel_loop3A_435 = arith.constant 0 : i32
      %parallel_loop3A_436 = arith.index_cast %parallel_loop3A_435 : i32 to index
      %parallel_loop3A_437 = arith.index_cast %parallel_loop3A_417 : i32 to index
      %parallel_loop3A_438 = arith.constant 16 : index
      %parallel_loop3A_439 = tpu.vector_load %arg7[%parallel_loop3A_436, %parallel_loop3A_437, %parallel_loop3A_438] {strides = array<i32>} : memref<2x400x32xf32, #tpu.memory_space<vmem>>, vector<16xf32>,
      %parallel_loop3A_440 = arith.constant 0 : i32
      %parallel_loop3A_441 = arith.constant 0 : i32
      %parallel_loop3A_442 = arith.constant 0 : i32
      %parallel_loop3A_443 = arith.constant 0 : i32
      %parallel_loop3A_444 = tpu.memref_slice %arg8[%parallel_loop3A_440, %parallel_loop3A_441, %parallel_loop3A_442, %parallel_loop3A_443] : memref<2x2x32x200xf32, #tpu.memory_space<vmem>> -> memref<1x2x32x200xf32, #tpu.memory_space<vmem>>
      %parallel_loop3A_445 = tpu.memref_squeeze %parallel_loop3A_444 : memref<1x2x32x200xf32, #tpu.memory_space<vmem>> -> memref<2x32x200xf32, #tpu.memory_space<vmem>>
      tpu.vector_store_idx %parallel_loop3A_445[%parallel_loop3A_427, %iota3A, %parallel_loop3A_429], %parallel_loop3A_434 : memref<2x32x200xf32, #tpu.memory_space<vmem>>[vector<16xi32>, vector<16xi32>, vector<16xi32>], vector<16xf32>,
      %parallel_loop3A_446 = arith.constant 0 : i32
      %parallel_loop3A_447 = arith.constant 0 : i32
      %parallel_loop3A_448 = arith.constant 0 : i32
      %parallel_loop3A_449 = arith.constant 0 : i32
      %parallel_loop3A_450 = tpu.memref_slice %arg8[%parallel_loop3A_446, %parallel_loop3A_447, %parallel_loop3A_448, %parallel_loop3A_449] : memref<2x2x32x200xf32, #tpu.memory_space<vmem>> -> memref<1x2x32x200xf32, #tpu.memory_space<vmem>>
      %parallel_loop3A_451 = tpu.memref_squeeze %parallel_loop3A_450 : memref<1x2x32x200xf32, #tpu.memory_space<vmem>> -> memref<2x32x200xf32, #tpu.memory_space<vmem>>
      tpu.vector_store_idx %parallel_loop3A_451[%parallel_loop3A_427, %add3A_3, %parallel_loop3A_429], %parallel_loop3A_439 : memref<2x32x200xf32, #tpu.memory_space<vmem>>[vector<16xi32>, vector<16xi32>, vector<16xi32>], vector<16xf32>,
    } {sc.loop_unroll_factor = 8 : i64, sc.parallel_access}
    %mul3A_235 = arith.constant 128 : i32
    %mul3A_236 = arith.muli %add3A, %mul3A_235 : i32
    %add3A_237 = arith.constant 124 : i32
    %add3A_238 = arith.addi %mul3A_236, %add3A_237 : i32
    %add3A_239 = arith.constant 0 : i32
    %add3A_240 = arith.addi %add3A_238, %add3A_239 : i32
    %dma_start3A_241 = arith.constant 0 : i32
    %dma_start3A_242 = arith.constant 0 : i32
    %dma_start3A_243 = arith.constant 0 : i32
    %dma_start3A_244 = arith.constant 0 : i32
    %dma_start3A_245 = arith.constant 0 : i32
    %dma_start3A_246 = tpu.memref_slice %arg8[%dma_start3A_241, %dma_start3A_242, %dma_start3A_244, %dma_start3A_245] : memref<2x2x32x200xf32, #tpu.memory_space<vmem>> -> memref<1x1x32x200xf32, #tpu.memory_space<vmem>>
    %dma_start3A_247 = tpu.memref_squeeze %dma_start3A_246 : memref<1x1x32x200xf32, #tpu.memory_space<vmem>> -> memref<32x200xf32, #tpu.memory_space<vmem>>
    %dma_start3A_248 = arith.constant 0 : i32
    %dma_start3A_249 = arith.constant 0 : i32
    %dma_start3A_250 = tpu.memref_slice %arg4[%add3A_240, %dma_start3A_248, %dma_start3A_249] : memref<4096x32x200xf32, #tpu.memory_space<hbm>> -> memref<1x32x200xf32, #tpu.memory_space<hbm>>
    %dma_start3A_251 = tpu.memref_squeeze %dma_start3A_250 : memref<1x32x200xf32, #tpu.memory_space<hbm>> -> memref<32x200xf32, #tpu.memory_space<hbm>>
    %dma_start3A_252 = tpu.memref_slice %arg10[%dma_start3A_243] : memref<2x!tpu.dma_semaphore, #tpu.memory_space<semaphore_mem>> -> memref<1x!tpu.dma_semaphore, #tpu.memory_space<semaphore_mem>>
    %dma_start3A_253 = tpu.memref_squeeze %dma_start3A_252 : memref<1x!tpu.dma_semaphore, #tpu.memory_space<semaphore_mem>> -> memref<!tpu.dma_semaphore, #tpu.memory_space<semaphore_mem>>
    %dma_start3A_254 = arith.constant 0 : i32
    %dma_start3A_255 = arith.constant 0 : i32
    %dma_start3A_256 = tpu.memref_slice %arg4[%add3A_240, %dma_start3A_254, %dma_start3A_255] : memref<4096x32x200xf32, #tpu.memory_space<hbm>> -> memref<1x32x200xf32, #tpu.memory_space<hbm>>
    %dma_start3A_257 = tpu.memref_squeeze %dma_start3A_256 : memref<1x32x200xf32, #tpu.memory_space<hbm>> -> memref<32x200xf32, #tpu.memory_space<hbm>>
    %dma_start3A_258 = arith.constant 0 : i32
    %dma_start3A_259 = arith.constant 0 : i32
    %dma_start3A_260 = tpu.memref_slice %arg8[%dma_start3A_241, %dma_start3A_242, %dma_start3A_258, %dma_start3A_259] : memref<2x2x32x200xf32, #tpu.memory_space<vmem>> -> memref<1x1x32x200xf32, #tpu.memory_space<vmem>>
    %dma_start3A_261 = tpu.memref_squeeze %dma_start3A_260 : memref<1x1x32x200xf32, #tpu.memory_space<vmem>> -> memref<32x200xf32, #tpu.memory_space<vmem>>
    tpu.enqueue_dma source(%dma_start3A_261 : memref<32x200xf32, #tpu.memory_space<vmem>>) target(%dma_start3A_257 : memref<32x200xf32, #tpu.memory_space<hbm>>) target_semaphore(%dma_start3A_253 : memref<!tpu.dma_semaphore, #tpu.memory_space<semaphore_mem>>)
    %add3A_262 = arith.constant 1 : i32
    %add3A_263 = arith.addi %add3A_238, %add3A_262 : i32
    %dma_start3A_264 = arith.constant 0 : i32
    %dma_start3A_265 = arith.constant 1 : i32
    %dma_start3A_266 = arith.constant 0 : i32
    %dma_start3A_267 = arith.constant 0 : i32
    %dma_start3A_268 = arith.constant 0 : i32
    %dma_start3A_269 = tpu.memref_slice %arg8[%dma_start3A_264, %dma_start3A_265, %dma_start3A_267, %dma_start3A_268] : memref<2x2x32x200xf32, #tpu.memory_space<vmem>> -> memref<1x1x32x200xf32, #tpu.memory_space<vmem>>
    %dma_start3A_270 = tpu.memref_squeeze %dma_start3A_269 : memref<1x1x32x200xf32, #tpu.memory_space<vmem>> -> memref<32x200xf32, #tpu.memory_space<vmem>>
    %dma_start3A_271 = arith.constant 0 : i32
    %dma_start3A_272 = arith.constant 0 : i32
    %dma_start3A_273 = tpu.memref_slice %arg4[%add3A_263, %dma_start3A_271, %dma_start3A_272] : memref<4096x32x200xf32, #tpu.memory_space<hbm>> -> memref<1x32x200xf32, #tpu.memory_space<hbm>>
    %dma_start3A_274 = tpu.memref_squeeze %dma_start3A_273 : memref<1x32x200xf32, #tpu.memory_space<hbm>> -> memref<32x200xf32, #tpu.memory_space<hbm>>
    %dma_start3A_275 = tpu.memref_slice %arg10[%dma_start3A_266] : memref<2x!tpu.dma_semaphore, #tpu.memory_space<semaphore_mem>> -> memref<1x!tpu.dma_semaphore, #tpu.memory_space<semaphore_mem>>
    %dma_start3A_276 = tpu.memref_squeeze %dma_start3A_275 : memref<1x!tpu.dma_semaphore, #tpu.memory_space<semaphore_mem>> -> memref<!tpu.dma_semaphore, #tpu.memory_space<semaphore_mem>>
    %dma_start3A_277 = arith.constant 0 : i32
    %dma_start3A_278 = arith.constant 0 : i32
    %dma_start3A_279 = tpu.memref_slice %arg4[%add3A_263, %dma_start3A_277, %dma_start3A_278] : memref<4096x32x200xf32, #tpu.memory_space<hbm>> -> memref<1x32x200xf32, #tpu.memory_space<hbm>>
    %dma_start3A_280 = tpu.memref_squeeze %dma_start3A_279 : memref<1x32x200xf32, #tpu.memory_space<hbm>> -> memref<32x200xf32, #tpu.memory_space<hbm>>
    %dma_start3A_281 = arith.constant 0 : i32
    %dma_start3A_282 = arith.constant 0 : i32
    %dma_start3A_283 = tpu.memref_slice %arg8[%dma_start3A_264, %dma_start3A_265, %dma_start3A_281, %dma_start3A_282] : memref<2x2x32x200xf32, #tpu.memory_space<vmem>> -> memref<1x1x32x200xf32, #tpu.memory_space<vmem>>
    %dma_start3A_284 = tpu.memref_squeeze %dma_start3A_283 : memref<1x1x32x200xf32, #tpu.memory_space<vmem>> -> memref<32x200xf32, #tpu.memory_space<vmem>>
    tpu.enqueue_dma source(%dma_start3A_284 : memref<32x200xf32, #tpu.memory_space<vmem>>) target(%dma_start3A_280 : memref<32x200xf32, #tpu.memory_space<hbm>>) target_semaphore(%dma_start3A_276 : memref<!tpu.dma_semaphore, #tpu.memory_space<semaphore_mem>>)
    %dma_wait3A_285 = arith.constant 1 : i32
    %dma_wait3A_286 = arith.constant 1 : i32
    %dma_wait3A_287 = arith.constant 0 : i32
    %dma_wait3A_288 = arith.constant 0 : i32
    %dma_wait3A_289 = tpu.memref_slice %arg7[%dma_wait3A_285, %dma_wait3A_287, %dma_wait3A_288] : memref<2x400x32xf32, #tpu.memory_space<vmem>> -> memref<1x400x32xf32, #tpu.memory_space<vmem>>
    %dma_wait3A_290 = tpu.memref_squeeze %dma_wait3A_289 : memref<1x400x32xf32, #tpu.memory_space<vmem>> -> memref<400x32xf32, #tpu.memory_space<vmem>>
    %dma_wait3A_291 = arith.constant 0 : i32
    %dma_wait3A_292 = tpu.memref_slice %arg6[%dma_wait3A_291] : memref<25600xi32, #tpu.memory_space<vmem>> -> memref<400xi32, #tpu.memory_space<vmem>>
    %dma_wait3A_293 = arith.constant 0 : i32
    %dma_wait3A_294 = arith.constant 0 : i32
    %dma_wait3A_295 = tpu.memref_slice %arg3[%dma_wait3A_293, %dma_wait3A_294] : memref<1000000x32xf32, #tpu.memory_space<hbm>> -> memref<1000000x32xf32, #tpu.memory_space<hbm>>
    %dma_wait3A_296 = tpu.memref_slice %arg9[%dma_wait3A_286] : memref<2x!tpu.dma_semaphore, #tpu.memory_space<semaphore_mem>> -> memref<1x!tpu.dma_semaphore, #tpu.memory_space<semaphore_mem>>
    %dma_wait3A_297 = tpu.memref_squeeze %dma_wait3A_296 : memref<1x!tpu.dma_semaphore, #tpu.memory_space<semaphore_mem>> -> memref<!tpu.dma_semaphore, #tpu.memory_space<semaphore_mem>>
    tpu.wait_indirect_dma semaphore(%dma_wait3A_297 : memref<!tpu.dma_semaphore, #tpu.memory_space<semaphore_mem>>) src(%dma_wait3A_295 : memref<1000000x32xf32, #tpu.memory_space<hbm>>) dst(%dma_wait3A_290 : memref<400x32xf32, #tpu.memory_space<vmem>>)
    %dma_wait3A_298 = arith.constant 1 : i32
    %dma_wait3A_299 = arith.constant 1 : i32
    %dma_wait3A_300 = arith.constant 0 : i32
    %dma_wait3A_301 = arith.constant 0 : i32
    %dma_wait3A_302 = arith.constant 0 : i32
    %dma_wait3A_303 = tpu.memref_slice %arg8[%dma_wait3A_298, %dma_wait3A_300, %dma_wait3A_301, %dma_wait3A_302] : memref<2x2x32x200xf32, #tpu.memory_space<vmem>> -> memref<1x2x32x200xf32, #tpu.memory_space<vmem>>
    %dma_wait3A_304 = tpu.memref_squeeze %dma_wait3A_303 : memref<1x2x32x200xf32, #tpu.memory_space<vmem>> -> memref<2x32x200xf32, #tpu.memory_space<vmem>>
    %dma_wait3A_305 = arith.constant 0 : i32
    %dma_wait3A_306 = arith.constant 0 : i32
    %dma_wait3A_307 = arith.constant 0 : i32
    %dma_wait3A_308 = tpu.memref_slice %arg4[%dma_wait3A_305, %dma_wait3A_306, %dma_wait3A_307] : memref<4096x32x200xf32, #tpu.memory_space<hbm>> -> memref<2x32x200xf32, #tpu.memory_space<hbm>>
    %dma_wait3A_309 = tpu.memref_slice %arg10[%dma_wait3A_299] : memref<2x!tpu.dma_semaphore, #tpu.memory_space<semaphore_mem>> -> memref<1x!tpu.dma_semaphore, #tpu.memory_space<semaphore_mem>>
    %dma_wait3A_310 = tpu.memref_squeeze %dma_wait3A_309 : memref<1x!tpu.dma_semaphore, #tpu.memory_space<semaphore_mem>> -> memref<!tpu.dma_semaphore, #tpu.memory_space<semaphore_mem>>
    %dma_wait3A_311 = arith.constant 0 : i32
    %dma_wait3A_312 = arith.constant 0 : i32
    %dma_wait3A_313 = arith.constant 0 : i32
    %dma_wait3A_314 = tpu.memref_slice %arg4[%dma_wait3A_311, %dma_wait3A_312, %dma_wait3A_313] : memref<4096x32x200xf32, #tpu.memory_space<hbm>> -> memref<2x32x200xf32, #tpu.memory_space<hbm>>
    %dma_wait3A_315 = arith.constant 0 : i32
    %dma_wait3A_316 = arith.constant 0 : i32
    %dma_wait3A_317 = arith.constant 0 : i32
    %dma_wait3A_318 = tpu.memref_slice %arg8[%dma_wait3A_298, %dma_wait3A_315, %dma_wait3A_316, %dma_wait3A_317] : memref<2x2x32x200xf32, #tpu.memory_space<vmem>> -> memref<1x2x32x200xf32, #tpu.memory_space<vmem>>
    %dma_wait3A_319 = tpu.memref_squeeze %dma_wait3A_318 : memref<1x2x32x200xf32, #tpu.memory_space<vmem>> -> memref<2x32x200xf32, #tpu.memory_space<vmem>>
    tpu.wait_dma2 semaphore(%dma_wait3A_310 : memref<!tpu.dma_semaphore, #tpu.memory_space<semaphore_mem>>) src(%dma_wait3A_319 : memref<2x32x200xf32, #tpu.memory_space<vmem>>) dst(%dma_wait3A_314 : memref<2x32x200xf32, #tpu.memory_space<hbm>>)
    %parallel_loop3A_320 = arith.constant 0 : i32
    %parallel_loop3A_321 = arith.constant 400 : i32
    %parallel_loop3A_322 = arith.constant 1 : i32
    scf.for %parallel_loop3A_417 = %parallel_loop3A_320 to %parallel_loop3A_321 step %parallel_loop3A_322  : i32 {
      %parallel_loop3A_418 = arith.constant 200 : i32
      %parallel_loop3A_419 = arith.cmpi sge, %parallel_loop3A_417, %parallel_loop3A_418 : i32
      %parallel_loop3A_420 = arith.constant 1 : i32
      %parallel_loop3A_421 = arith.constant 0 : i32
      %parallel_loop3A_422 = arith.select %parallel_loop3A_419, %parallel_loop3A_420, %parallel_loop3A_421 : i32
      %parallel_loop3A_423 = arith.constant 200 : i32
      %parallel_loop3A_424 = arith.muli %parallel_loop3A_422, %parallel_loop3A_423 : i32
      %parallel_loop3A_425 = arith.subi %parallel_loop3A_417, %parallel_loop3A_424 : i32
      %parallel_loop3A_426 = vector.broadcast %parallel_loop3A_422 : i32 to vector<16xi32>
      %parallel_loop3A_427 = arith.addi %broadcast_in_dim3A_7, %parallel_loop3A_426 : vector<16xi32>
      %parallel_loop3A_428 = vector.broadcast %parallel_loop3A_425 : i32 to vector<16xi32>
      %parallel_loop3A_429 = arith.addi %broadcast_in_dim3A_7, %parallel_loop3A_428 : vector<16xi32>
      %parallel_loop3A_430 = arith.constant 1 : i32
      %parallel_loop3A_431 = arith.index_cast %parallel_loop3A_430 : i32 to index
      %parallel_loop3A_432 = arith.index_cast %parallel_loop3A_417 : i32 to index
      %parallel_loop3A_433 = arith.constant 0 : index
      %parallel_loop3A_434 = tpu.vector_load %arg7[%parallel_loop3A_431, %parallel_loop3A_432, %parallel_loop3A_433] {strides = array<i32>} : memref<2x400x32xf32, #tpu.memory_space<vmem>>, vector<16xf32>,
      %parallel_loop3A_435 = arith.constant 1 : i32
      %parallel_loop3A_436 = arith.index_cast %parallel_loop3A_435 : i32 to index
      %parallel_loop3A_437 = arith.index_cast %parallel_loop3A_417 : i32 to index
      %parallel_loop3A_438 = arith.constant 16 : index
      %parallel_loop3A_439 = tpu.vector_load %arg7[%parallel_loop3A_436, %parallel_loop3A_437, %parallel_loop3A_438] {strides = array<i32>} : memref<2x400x32xf32, #tpu.memory_space<vmem>>, vector<16xf32>,
      %parallel_loop3A_440 = arith.constant 1 : i32
      %parallel_loop3A_441 = arith.constant 0 : i32
      %parallel_loop3A_442 = arith.constant 0 : i32
      %parallel_loop3A_443 = arith.constant 0 : i32
      %parallel_loop3A_444 = tpu.memref_slice %arg8[%parallel_loop3A_440, %parallel_loop3A_441, %parallel_loop3A_442, %parallel_loop3A_443] : memref<2x2x32x200xf32, #tpu.memory_space<vmem>> -> memref<1x2x32x200xf32, #tpu.memory_space<vmem>>
      %parallel_loop3A_445 = tpu.memref_squeeze %parallel_loop3A_444 : memref<1x2x32x200xf32, #tpu.memory_space<vmem>> -> memref<2x32x200xf32, #tpu.memory_space<vmem>>
      tpu.vector_store_idx %parallel_loop3A_445[%parallel_loop3A_427, %iota3A, %parallel_loop3A_429], %parallel_loop3A_434 : memref<2x32x200xf32, #tpu.memory_space<vmem>>[vector<16xi32>, vector<16xi32>, vector<16xi32>], vector<16xf32>,
      %parallel_loop3A_446 = arith.constant 1 : i32
      %parallel_loop3A_447 = arith.constant 0 : i32
      %parallel_loop3A_448 = arith.constant 0 : i32
      %parallel_loop3A_449 = arith.constant 0 : i32
      %parallel_loop3A_450 = tpu.memref_slice %arg8[%parallel_loop3A_446, %parallel_loop3A_447, %parallel_loop3A_448, %parallel_loop3A_449] : memref<2x2x32x200xf32, #tpu.memory_space<vmem>> -> memref<1x2x32x200xf32, #tpu.memory_space<vmem>>
      %parallel_loop3A_451 = tpu.memref_squeeze %parallel_loop3A_450 : memref<1x2x32x200xf32, #tpu.memory_space<vmem>> -> memref<2x32x200xf32, #tpu.memory_space<vmem>>
      tpu.vector_store_idx %parallel_loop3A_451[%parallel_loop3A_427, %add3A_3, %parallel_loop3A_429], %parallel_loop3A_439 : memref<2x32x200xf32, #tpu.memory_space<vmem>>[vector<16xi32>, vector<16xi32>, vector<16xi32>], vector<16xf32>,
    } {sc.loop_unroll_factor = 8 : i64, sc.parallel_access}
    %mul3A_323 = arith.constant 128 : i32
    %mul3A_324 = arith.muli %add3A, %mul3A_323 : i32
    %add3A_325 = arith.constant 126 : i32
    %add3A_326 = arith.addi %mul3A_324, %add3A_325 : i32
    %add3A_327 = arith.constant 0 : i32
    %add3A_328 = arith.addi %add3A_326, %add3A_327 : i32
    %dma_start3A_329 = arith.constant 1 : i32
    %dma_start3A_330 = arith.constant 0 : i32
    %dma_start3A_331 = arith.constant 1 : i32
    %dma_start3A_332 = arith.constant 0 : i32
    %dma_start3A_333 = arith.constant 0 : i32
    %dma_start3A_334 = tpu.memref_slice %arg8[%dma_start3A_329, %dma_start3A_330, %dma_start3A_332, %dma_start3A_333] : memref<2x2x32x200xf32, #tpu.memory_space<vmem>> -> memref<1x1x32x200xf32, #tpu.memory_space<vmem>>
    %dma_start3A_335 = tpu.memref_squeeze %dma_start3A_334 : memref<1x1x32x200xf32, #tpu.memory_space<vmem>> -> memref<32x200xf32, #tpu.memory_space<vmem>>
    %dma_start3A_336 = arith.constant 0 : i32
    %dma_start3A_337 = arith.constant 0 : i32
    %dma_start3A_338 = tpu.memref_slice %arg4[%add3A_328, %dma_start3A_336, %dma_start3A_337] : memref<4096x32x200xf32, #tpu.memory_space<hbm>> -> memref<1x32x200xf32, #tpu.memory_space<hbm>>
    %dma_start3A_339 = tpu.memref_squeeze %dma_start3A_338 : memref<1x32x200xf32, #tpu.memory_space<hbm>> -> memref<32x200xf32, #tpu.memory_space<hbm>>
    %dma_start3A_340 = tpu.memref_slice %arg10[%dma_start3A_331] : memref<2x!tpu.dma_semaphore, #tpu.memory_space<semaphore_mem>> -> memref<1x!tpu.dma_semaphore, #tpu.memory_space<semaphore_mem>>
    %dma_start3A_341 = tpu.memref_squeeze %dma_start3A_340 : memref<1x!tpu.dma_semaphore, #tpu.memory_space<semaphore_mem>> -> memref<!tpu.dma_semaphore, #tpu.memory_space<semaphore_mem>>
    %dma_start3A_342 = arith.constant 0 : i32
    %dma_start3A_343 = arith.constant 0 : i32
    %dma_start3A_344 = tpu.memref_slice %arg4[%add3A_328, %dma_start3A_342, %dma_start3A_343] : memref<4096x32x200xf32, #tpu.memory_space<hbm>> -> memref<1x32x200xf32, #tpu.memory_space<hbm>>
    %dma_start3A_345 = tpu.memref_squeeze %dma_start3A_344 : memref<1x32x200xf32, #tpu.memory_space<hbm>> -> memref<32x200xf32, #tpu.memory_space<hbm>>
    %dma_start3A_346 = arith.constant 0 : i32
    %dma_start3A_347 = arith.constant 0 : i32
    %dma_start3A_348 = tpu.memref_slice %arg8[%dma_start3A_329, %dma_start3A_330, %dma_start3A_346, %dma_start3A_347] : memref<2x2x32x200xf32, #tpu.memory_space<vmem>> -> memref<1x1x32x200xf32, #tpu.memory_space<vmem>>
    %dma_start3A_349 = tpu.memref_squeeze %dma_start3A_348 : memref<1x1x32x200xf32, #tpu.memory_space<vmem>> -> memref<32x200xf32, #tpu.memory_space<vmem>>
    tpu.enqueue_dma source(%dma_start3A_349 : memref<32x200xf32, #tpu.memory_space<vmem>>) target(%dma_start3A_345 : memref<32x200xf32, #tpu.memory_space<hbm>>) target_semaphore(%dma_start3A_341 : memref<!tpu.dma_semaphore, #tpu.memory_space<semaphore_mem>>)
    %add3A_350 = arith.constant 1 : i32
    %add3A_351 = arith.addi %add3A_326, %add3A_350 : i32
    %dma_start3A_352 = arith.constant 1 : i32
    %dma_start3A_353 = arith.constant 1 : i32
    %dma_start3A_354 = arith.constant 1 : i32
    %dma_start3A_355 = arith.constant 0 : i32
    %dma_start3A_356 = arith.constant 0 : i32
    %dma_start3A_357 = tpu.memref_slice %arg8[%dma_start3A_352, %dma_start3A_353, %dma_start3A_355, %dma_start3A_356] : memref<2x2x32x200xf32, #tpu.memory_space<vmem>> -> memref<1x1x32x200xf32, #tpu.memory_space<vmem>>
    %dma_start3A_358 = tpu.memref_squeeze %dma_start3A_357 : memref<1x1x32x200xf32, #tpu.memory_space<vmem>> -> memref<32x200xf32, #tpu.memory_space<vmem>>
    %dma_start3A_359 = arith.constant 0 : i32
    %dma_start3A_360 = arith.constant 0 : i32
    %dma_start3A_361 = tpu.memref_slice %arg4[%add3A_351, %dma_start3A_359, %dma_start3A_360] : memref<4096x32x200xf32, #tpu.memory_space<hbm>> -> memref<1x32x200xf32, #tpu.memory_space<hbm>>
    %dma_start3A_362 = tpu.memref_squeeze %dma_start3A_361 : memref<1x32x200xf32, #tpu.memory_space<hbm>> -> memref<32x200xf32, #tpu.memory_space<hbm>>
    %dma_start3A_363 = tpu.memref_slice %arg10[%dma_start3A_354] : memref<2x!tpu.dma_semaphore, #tpu.memory_space<semaphore_mem>> -> memref<1x!tpu.dma_semaphore, #tpu.memory_space<semaphore_mem>>
    %dma_start3A_364 = tpu.memref_squeeze %dma_start3A_363 : memref<1x!tpu.dma_semaphore, #tpu.memory_space<semaphore_mem>> -> memref<!tpu.dma_semaphore, #tpu.memory_space<semaphore_mem>>
    %dma_start3A_365 = arith.constant 0 : i32
    %dma_start3A_366 = arith.constant 0 : i32
    %dma_start3A_367 = tpu.memref_slice %arg4[%add3A_351, %dma_start3A_365, %dma_start3A_366] : memref<4096x32x200xf32, #tpu.memory_space<hbm>> -> memref<1x32x200xf32, #tpu.memory_space<hbm>>
    %dma_start3A_368 = tpu.memref_squeeze %dma_start3A_367 : memref<1x32x200xf32, #tpu.memory_space<hbm>> -> memref<32x200xf32, #tpu.memory_space<hbm>>
    %dma_start3A_369 = arith.constant 0 : i32
    %dma_start3A_370 = arith.constant 0 : i32
    %dma_start3A_371 = tpu.memref_slice %arg8[%dma_start3A_352, %dma_start3A_353, %dma_start3A_369, %dma_start3A_370] : memref<2x2x32x200xf32, #tpu.memory_space<vmem>> -> memref<1x1x32x200xf32, #tpu.memory_space<vmem>>
    %dma_start3A_372 = tpu.memref_squeeze %dma_start3A_371 : memref<1x1x32x200xf32, #tpu.memory_space<vmem>> -> memref<32x200xf32, #tpu.memory_space<vmem>>
    tpu.enqueue_dma source(%dma_start3A_372 : memref<32x200xf32, #tpu.memory_space<vmem>>) target(%dma_start3A_368 : memref<32x200xf32, #tpu.memory_space<hbm>>) target_semaphore(%dma_start3A_364 : memref<!tpu.dma_semaphore, #tpu.memory_space<semaphore_mem>>)
    %dma_wait3A_373 = arith.constant 0 : i32
    %dma_wait3A_374 = arith.constant 0 : i32
    %dma_wait3A_375 = arith.constant 0 : i32
    %dma_wait3A_376 = arith.constant 0 : i32
    %dma_wait3A_377 = arith.constant 0 : i32
    %dma_wait3A_378 = tpu.memref_slice %arg8[%dma_wait3A_373, %dma_wait3A_375, %dma_wait3A_376, %dma_wait3A_377] : memref<2x2x32x200xf32, #tpu.memory_space<vmem>> -> memref<1x2x32x200xf32, #tpu.memory_space<vmem>>
    %dma_wait3A_379 = tpu.memref_squeeze %dma_wait3A_378 : memref<1x2x32x200xf32, #tpu.memory_space<vmem>> -> memref<2x32x200xf32, #tpu.memory_space<vmem>>
    %dma_wait3A_380 = arith.constant 0 : i32
    %dma_wait3A_381 = arith.constant 0 : i32
    %dma_wait3A_382 = arith.constant 0 : i32
    %dma_wait3A_383 = tpu.memref_slice %arg4[%dma_wait3A_380, %dma_wait3A_381, %dma_wait3A_382] : memref<4096x32x200xf32, #tpu.memory_space<hbm>> -> memref<2x32x200xf32, #tpu.memory_space<hbm>>
    %dma_wait3A_384 = tpu.memref_slice %arg10[%dma_wait3A_374] : memref<2x!tpu.dma_semaphore, #tpu.memory_space<semaphore_mem>> -> memref<1x!tpu.dma_semaphore, #tpu.memory_space<semaphore_mem>>
    %dma_wait3A_385 = tpu.memref_squeeze %dma_wait3A_384 : memref<1x!tpu.dma_semaphore, #tpu.memory_space<semaphore_mem>> -> memref<!tpu.dma_semaphore, #tpu.memory_space<semaphore_mem>>
    %dma_wait3A_386 = arith.constant 0 : i32
    %dma_wait3A_387 = arith.constant 0 : i32
    %dma_wait3A_388 = arith.constant 0 : i32
    %dma_wait3A_389 = tpu.memref_slice %arg4[%dma_wait3A_386, %dma_wait3A_387, %dma_wait3A_388] : memref<4096x32x200xf32, #tpu.memory_space<hbm>> -> memref<2x32x200xf32, #tpu.memory_space<hbm>>
    %dma_wait3A_390 = arith.constant 0 : i32
    %dma_wait3A_391 = arith.constant 0 : i32
    %dma_wait3A_392 = arith.constant 0 : i32
    %dma_wait3A_393 = tpu.memref_slice %arg8[%dma_wait3A_373, %dma_wait3A_390, %dma_wait3A_391, %dma_wait3A_392] : memref<2x2x32x200xf32, #tpu.memory_space<vmem>> -> memref<1x2x32x200xf32, #tpu.memory_space<vmem>>
    %dma_wait3A_394 = tpu.memref_squeeze %dma_wait3A_393 : memref<1x2x32x200xf32, #tpu.memory_space<vmem>> -> memref<2x32x200xf32, #tpu.memory_space<vmem>>
    tpu.wait_dma2 semaphore(%dma_wait3A_385 : memref<!tpu.dma_semaphore, #tpu.memory_space<semaphore_mem>>) src(%dma_wait3A_394 : memref<2x32x200xf32, #tpu.memory_space<vmem>>) dst(%dma_wait3A_389 : memref<2x32x200xf32, #tpu.memory_space<hbm>>)
    %dma_wait3A_395 = arith.constant 1 : i32
    %dma_wait3A_396 = arith.constant 1 : i32
    %dma_wait3A_397 = arith.constant 0 : i32
    %dma_wait3A_398 = arith.constant 0 : i32
    %dma_wait3A_399 = arith.constant 0 : i32
    %dma_wait3A_400 = tpu.memref_slice %arg8[%dma_wait3A_395, %dma_wait3A_397, %dma_wait3A_398, %dma_wait3A_399] : memref<2x2x32x200xf32, #tpu.memory_space<vmem>> -> memref<1x2x32x200xf32, #tpu.memory_space<vmem>>
    %dma_wait3A_401 = tpu.memref_squeeze %dma_wait3A_400 : memref<1x2x32x200xf32, #tpu.memory_space<vmem>> -> memref<2x32x200xf32, #tpu.memory_space<vmem>>
    %dma_wait3A_402 = arith.constant 0 : i32
    %dma_wait3A_403 = arith.constant 0 : i32
    %dma_wait3A_404 = arith.constant 0 : i32
    %dma_wait3A_405 = tpu.memref_slice %arg4[%dma_wait3A_402, %dma_wait3A_403, %dma_wait3A_404] : memref<4096x32x200xf32, #tpu.memory_space<hbm>> -> memref<2x32x200xf32, #tpu.memory_space<hbm>>
    %dma_wait3A_406 = tpu.memref_slice %arg10[%dma_wait3A_396] : memref<2x!tpu.dma_semaphore, #tpu.memory_space<semaphore_mem>> -> memref<1x!tpu.dma_semaphore, #tpu.memory_space<semaphore_mem>>
    %dma_wait3A_407 = tpu.memref_squeeze %dma_wait3A_406 : memref<1x!tpu.dma_semaphore, #tpu.memory_space<semaphore_mem>> -> memref<!tpu.dma_semaphore, #tpu.memory_space<semaphore_mem>>
    %dma_wait3A_408 = arith.constant 0 : i32
    %dma_wait3A_409 = arith.constant 0 : i32
    %dma_wait3A_410 = arith.constant 0 : i32
    %dma_wait3A_411 = tpu.memref_slice %arg4[%dma_wait3A_408, %dma_wait3A_409, %dma_wait3A_410] : memref<4096x32x200xf32, #tpu.memory_space<hbm>> -> memref<2x32x200xf32, #tpu.memory_space<hbm>>
    %dma_wait3A_412 = arith.constant 0 : i32
    %dma_wait3A_413 = arith.constant 0 : i32
    %dma_wait3A_414 = arith.constant 0 : i32
    %dma_wait3A_415 = tpu.memref_slice %arg8[%dma_wait3A_395, %dma_wait3A_412, %dma_wait3A_413, %dma_wait3A_414] : memref<2x2x32x200xf32, #tpu.memory_space<vmem>> -> memref<1x2x32x200xf32, #tpu.memory_space<vmem>>
    %dma_wait3A_416 = tpu.memref_squeeze %dma_wait3A_415 : memref<1x2x32x200xf32, #tpu.memory_space<vmem>> -> memref<2x32x200xf32, #tpu.memory_space<vmem>>
    tpu.wait_dma2 semaphore(%dma_wait3A_407 : memref<!tpu.dma_semaphore, #tpu.memory_space<semaphore_mem>>) src(%dma_wait3A_416 : memref<2x32x200xf32, #tpu.memory_space<vmem>>) dst(%dma_wait3A_411 : memref<2x32x200xf32, #tpu.memory_space<hbm>>)
    return
  }
}

</mosaic_0001>

<sc_bundles>
// kernel: _run.3.cloned.1.call-start
scs
__scs_entry_jumppad:
0x0: {  	(pc) =	sbr.rel $0x88, $3  }
0x1: {  	(tag) =	ssettag $0x0;
	lr =	simm.s32 $0x1  }
0x2: {  	[smem:$0x3F9F] =	sst lr;
	_ =	strace $0xD0000000  }
0x3: {  	_ = 	snop  }
0x4: {  	_ = 	snop  }
0x5: {  	_ = 	snop  }
0x6: {  	_ = 	snop  }
0x7: {  	_ = 	snop  }
__scs_overlays_trampoline_lowered:
0x8: {  	[smem:$0x3FAE] =	sst s0  }
0x9: {  	[smem:$0x3FAF] =	sst s1  }
0xa: {  	[smem:$0x3FB0] =	sst s2  }
0xb: {  	[smem:$0x3FB1] =	sst s3  }
0xc: {  	[smem:$0x3FB2] =	sst s4  }
0xd: {  	[smem:$0x3FB3] =	sst s5  }
0xe: {  	[smem:$0x3FB4] =	sst s6  }
0xf: {  	[smem:$0x3FB5] =	sst s7  }
0x10: {  	[smem:$0x3FB6] =	sst s8  }
0x11: {  	[smem:$0x3FB7] =	sst s9;
	s0 =	simm.s32 @!p0 $0x0  }
0x12: {  	s1 =	sld [smem:$0x3F9D];
	s0 =	simm.s32 @p0 $0x1  }
0x13: {  	[smem:$0x3FB8] =	sst s0;
	s0 =	simm.s32 @!p1 $0x0  }
0x14: {  	s2 =	sld [smem:$0x3F9C];
	s0 =	simm.s32 @p1 $0x1  }
0x15: {  	[smem:$0x3FB9] =	sst s0;
	s0 =	simm.s32 @!p2 $0x0  }
0x16: {  	s3 =	sld [smem:$0x3FDB];
	s0 =	simm.s32 @p2 $0x1  }
0x17: {  	s4 =	simm.s32 $0x1BF5;
	[smem:$0x3FBB] =	sst s0  }
0x18: {  	s0 =	sld [smem:$0x3F9E];
	_ =	swait.ge [sflag:s4], $0x0  }
0x19: {  	s7 =	sld [smem:$0x3F9F]  }
0x1a: {  	s8 =	sadd.s32 $0xFFFFE003, lr  }
0x1b: {  	s9 =	sadd.s32 $0xFFFFFEF7, lr;
	s5 =	simm.s32 $0xFFFFFFFF;
	p2 =	slt.u32 s8, $0xFFFFF086  }
0x1c: {  	p1 =	slt.u32 s9, $0xF7A;
	s5 =	simm.s32 @!p2 $0x0  }
0x1d: {  	s5 =	simm.s32 @p1 $0x1;
	p0 =	seq.s32 s7, s2  }
0x1e: {  	s7 =	smul.u32 @!p0 $0xF7A, s2;
	p2 =	seq.s32 @!p0 s5, $0x0  }
0x1f: {  	s9 =	smul.u32 $0xF7A, s1;
	s8 =	simm.s32 @!p0 $0x1BF5;
	p2 =	por !p2, p0  }
0x20: {  	[sflag:s8] =	ssyncset.s32 @!p0 $0xFFFFF086;
	s6 =	sadd.s32 @!p0 s3, s7;
	s7 =	simm.s32 @!p0 $0x108  }
0x21: {  	s3 =	sadd.s32 s3, s9;
	s6 =	sadd.s32 @!p0 $0x88, s6;
	s7 =	simm.s32 @p2 $0x1082  }
0x22: {  	[simem:s7], [sflag:s8] =	dma.local @!p0 [hbm:s6], $0xF7A  }
0x23: {  	s9 =	sor.u32 $0xD0000000, s2;
	s6 =	simm.s32 $0x108;
	_ =	swait.ge @!p0 [sflag:s8], $0x0  }
0x24: {  	s3 =	sadd.s32 $0x88, s3;
	s6 =	simm.s32 @!p1 $0x1082;
	[sflag:s4] =	ssyncset.s32 $0xFFFFF086  }
0x25: {  	[simem:s6], [sflag:s4] =	dma.local [hbm:s3], $0xF7A  }
0x26: {  	[smem:$0x3F9F] =	sst s1;
	(tag) =	ssettag s2;
	_ =	strace s9  }
0x27: {  	s1 =	sld [smem:$0x3FAF]  }
0x28: {  	s2 =	sld [smem:$0x3FB0]  }
0x29: {  	s4 =	sld [smem:$0x3FB2]  }
0x2a: {  	p0 =	seq.s32 s5, $0x0;
	s5 =	sld [smem:$0x3FB3]  }
0x2b: {  	s6 =	sld [smem:$0x3FB4]  }
0x2c: {  	s7 =	sld [smem:$0x3FB5]  }
0x2d: {  	s3 =	simm.s32 $0x108;
	s8 =	sld [smem:$0x3FB6]  }
0x2e: {  	s3 =	simm.s32 @!p0 $0x1082;
	s9 =	sld [smem:$0x3FB7]  }
0x2f: {  	lr =	sadd.s32 s0, s3;
	s0 =	sld [smem:$0x3FAE]  }
0x30: {  	s3 =	sld [smem:$0x3FB1]  }
0x31: {  	[smem:$0x3FBA] =	sst s10  }
0x32: {  	s10 =	sld [smem:$0x3FB8];
	_ =	sdelay $0x3  }
0x33: {  	p0 =	seq.s32 s10, $0x1;
	s10 =	sld [smem:$0x3FBA];
	_ =	sdelay $0x3  }
0x34: {  	[smem:$0x3FBA] =	sst s10  }
0x35: {  	s10 =	sld [smem:$0x3FB9];
	_ =	sdelay $0x3  }
0x36: {  	p1 =	seq.s32 s10, $0x1;
	s10 =	sld [smem:$0x3FBA];
	_ =	sdelay $0x3  }
0x37: {  	[smem:$0x3FBA] =	sst s10  }
0x38: {  	s10 =	sld [smem:$0x3FBB]  }
0x39: {  	_ = 	snop;
	(pc) =	sbr.ind lr, $3  }
0x3a: {  	_ = 	snop  }
0x3b: {  	_ = 	snop  }
0x3c: {  	p2 =	seq.s32 s10, $0x1;
	s10 =	sld [smem:$0x3FBA]  }
0x3d: {  	_ =	shalt  }
0x3e: {  	_ =	shalt  }
0x3f: {  	_ =	shalt  }
0x40: {  	_ =	shalt  }
0x41: {  	_ =	shalt  }
0x42: {  	_ =	shalt  }
0x43: {  	_ =	shalt  }
0x44: {  	_ =	shalt  }
0x45: {  	_ =	shalt  }
0x46: {  	_ =	shalt  }
0x47: {  	_ =	shalt  }
0x48: {  	_ =	shalt  }
0x49: {  	_ =	shalt  }
0x4a: {  	_ =	shalt  }
0x4b: {  	_ =	shalt  }
0x4c: {  	_ =	shalt  }
0x4d: {  	_ =	shalt  }
0x4e: {  	_ =	shalt  }
0x4f: {  	_ =	shalt  }
0x50: {  	_ =	shalt  }
0x51: {  	_ =	shalt  }
0x52: {  	_ =	shalt  }
0x53: {  	_ =	shalt  }
0x54: {  	_ =	shalt  }
0x55: {  	_ =	shalt  }
0x56: {  	_ =	shalt  }
0x57: {  	_ =	shalt  }
0x58: {  	_ =	shalt  }
0x59: {  	_ =	shalt  }
0x5a: {  	_ =	shalt  }
0x5b: {  	_ =	shalt  }
0x5c: {  	_ =	shalt  }
0x5d: {  	_ =	shalt  }
0x5e: {  	_ =	shalt  }
0x5f: {  	_ =	shalt  }
0x60: {  	_ =	shalt  }
0x61: {  	_ =	shalt  }
0x62: {  	_ =	shalt  }
0x63: {  	_ =	shalt  }
0x64: {  	_ =	shalt  }
0x65: {  	_ =	shalt  }
0x66: {  	_ =	shalt  }
0x67: {  	_ =	shalt  }
0x68: {  	_ =	shalt  }
0x69: {  	_ =	shalt  }
0x6a: {  	_ =	shalt  }
0x6b: {  	_ =	shalt  }
0x6c: {  	_ =	shalt  }
0x6d: {  	_ =	shalt  }
0x6e: {  	_ =	shalt  }
0x6f: {  	_ =	shalt  }
0x70: {  	_ =	shalt  }
0x71: {  	_ =	shalt  }
0x72: {  	_ =	shalt  }
0x73: {  	_ =	shalt  }
0x74: {  	_ =	shalt  }
0x75: {  	_ =	shalt  }
0x76: {  	_ =	shalt  }
0x77: {  	_ =	shalt  }
0x78: {  	_ =	shalt  }
0x79: {  	_ =	shalt  }
0x7a: {  	_ =	shalt  }
0x7b: {  	_ =	shalt  }
0x7c: {  	_ =	shalt  }
0x7d: {  	_ =	shalt  }
0x7e: {  	_ =	shalt  }
0x7f: {  	_ =	shalt  }
0x80: {  	_ =	shalt  }
0x81: {  	_ =	shalt  }
0x82: {  	_ =	shalt  }
0x83: {  	_ =	shalt  }
0x84: {  	_ =	shalt  }
0x85: {  	_ =	shalt  }
0x86: {  	_ =	shalt  }
0x87: {  	_ =	shalt  }
.Lfunc_end0:
.L_simem_size_0:
called_computation.1_lowered:
.L_overlay_start_0:
0x88: {  	s2 =	sld [smem:$0x3FD9]  }
0x89: {  	s3 =	sld [smem:$0x3FFE];
	_ =	sdelay $0x1  }
0x8a: {  	s1 =	srdreg.scid  }
0x8b: {  	s0 =	sand.u32 $0x1, s1  }
0x8c: {  	s17 =	sshll.u32 s0, $0xA;
	s2 =	sadd.s32 s3, s2  }
0x8d: {  	s2 =	sadd.s32 s2, s17  }
0x8e: {  	[smem:$0x3FC6] =	sst s2  }
0x8f: {  	_ = 	snop  }
0x90: {  	s2 =	sld [smem:$0x3FC9]  }
0x91: {  	s18 =	sld [smem:$0x3FD0];
	(tm) =	ssettm $0x1  }
0x92: {  	s4 =	sld [smem:$0x3FFB];
	_ =	sdelay $0x3  }
0x93: {  	_ =	strace s4  }
0x94: {  	s4 =	sld [smem:$0x3FFC];
	_ =	sdelay $0x3  }
0x95: {  	_ =	strace s4  }
0x96: {  	s4 =	sld [smem:$0x3FFD];
	_ =	sdelay $0x3  }
0x97: {  	_ =	strace s4  }
0x98: {  	_ =	strace $0x8FFFFFFF  }
0x99: {  	s19 =	sld [smem:$0x3FDB];
	_ =	sdelay $0x1  }
0x9a: {  	s5 =	simm.s32 $_scs_section_size  }
0x9b: {  	s6 =	simm.s32 $_size__tile_overlayer_lowered;
	s7 =	simm.s32 $_tile_overlayer_lowered  }
0x9c: {  	s22 =	simm.s32 $0x1BFF;
	s21 =	sshll.u32 s7, $0x1;
	s4 =	sadd.s32 s5, s19  }
0x9d: {  	s8 =	simm.s32 $0x0;
	s20 =	sshll.u32 s6, $0x1;
	s6 =	sadd.s32 s21, s4  }
0x9e: {  	[timem:s8], [sflag:s22] =	dma.local [hbm:s6], s20  }
0x9f: {  	_ =	swait.ge [sflag:s22], s20  }
0xa0: {  	s5 =	ssub.s32 $0x0, s20;
	[sflag:s22] =	ssyncset.done $0x0  }
0xa1: {  	[sflag:s22] =	ssyncadd.s32 s5;
	_ =	sdelay $0x1  }
0xa2: {  	s23 =	simm.s32 $0x1B8B  }
0xa3: {  	_ =	swait.ge [sflag:s23], $0x1  }
0xa4: {  	[sflag:s23] =	ssyncset.done $0x0  }
0xa5: {  	s25 =	simm.s32 $0x1B8E;
	s24 =	sld [smem:$0x3FFE];
	[sflag:s23] =	ssyncadd.s32 $0xFFFFFFFF  }
0xa6: {  	s26 =	simm.s32 $execute0_lowered;
	[smem:$0x3FD2] =	sst s25  }
0xa7: {  	s6 =	sshll.u32 s26, $0x1;
	_ =	strace $0x80000046;
	[dreg:$0x1] =	wrdreg $0xFFFFFFFF  }
0xa8: {  	s28 =	simm.s32 $_size_execute0_lowered;
	s4 =	sadd.s32 s4, s6;
	[dreg:$0x0] =	wrdreg $0x0  }
0xa9: {  	s6 =	sshll.u32 s28, $0x1;
	[dreg:$0x2] =	wrdreg s4  }
0xaa: {  	[dreg:$0x3] =	wrdreg s6  }
0xab: {  	[dreg:$0x4] =	wrdreg $0xC0  }
0xac: {  	_ =	task [dreg:s8], $0x5FFFF  }
0xad: {  	[dreg:$0x1] =	wrdreg $0xFFFFFFFF  }
0xae: {  	[dreg:$0x0] =	wrdreg $0x60  }
0xaf: {  	[dreg:$0x2] =	wrdreg s2  }
0xb0: {  	[dreg:$0x3] =	wrdreg s24  }
0xb1: {  	[dreg:$0x4] =	wrdreg s18  }
0xb2: {  	[dreg:$0x5] =	wrdreg $0x9  }
0xb3: {  	_ =	task.clear_ibuf [dreg:s8], $0x6FFFF;
	_ =	strace $0x90000046  }
0xb4: {  	s29 =	simm.s32 $0x9;
	_ =	strace $0x80000048  }
0xb5: {  	_ =	swait.ge [sflag:s29], $0x1  }
0xb6: {  	[sflag:s29] =	ssyncadd.s32 $0xFFFFFFFF  }
0xb7: {  	_ =	strace $0x90000048  }
0xb8: {  	_ =	sfence  }
0xb9: {  	s30 =	sld [smem:$0x0];
	_ =	sdelay $0x2  }
0xba: {  	s31 =	sshll.u32 s1, $0xD;
	s1 =	sshrl.u32 s1, $0x2  }
0xbb: {  	s3 =	sand.u32 $0x4000, s31;
	s1 =	sadd.s32 s1, s30  }
0xbc: {  	s0 =	sor.u32 s3, s0;
	s1 =	sshll.u32 s1, $0x11  }
0xbd: {  	s0 =	sor.u32 s1, s0  }
0xbe: {  	s0 =	sadd.s32 $0x8F2B, s0  }
0xbf: {  	[sflag:s0] =	ssyncadd.remote.s32 $0x1  }
0xc0: {  	_ =	sfence.sel $0xFFFF  }
0xc1: {  	[dreg:$0x0] =	wrdreg $0xFFFFFFFF;
	(pc) =	sbr.abs _section_cstart, $3  }
0xc2: {  	[dreg:$0x1] =	wrdreg $0xFFFFFFFF  }
0xc3: {  	_ =	task.clear_ibuf [dreg:s8], $0x2FFFF;
	_ =	strace $0x9FFFFFFF  }
0xc4: {  	(tm) =	ssettm $0x7FFFFFFF  }
0xc5: {  	_ =	shalt  }
tec
execute0_lowered:
.L_overlay_start_1:
0x0: {  	(tag) =	ssettag $0x1  }
0x1: {  	s0 =	rddreg [dreg:$0x0]  }
0x2: {  	s1 =	rddreg [dreg:$0x1]  }
0x3: {  	s2 =	rddreg [dreg:$0x2]  }
0x4: {  	s4 =	srdreg.scid;
	s5 =	stileid.u32  }
0x5: {  	s3 =	simm.s32 $0x0;
	s18 =	simm.s32 $0x5;
	s19 =	simm.s32 $0x6400  }
0x6: {  	s28 =	simm.s32 $0x14500;
	s4 =	sand.u32 $0x1, s4;
	s5 =	sshll.u32 s5, $0x1  }
0x7: {  	s29 =	simm.s32 $0x2;
	[smem:$0x7FF] =	sst s3;
	s5 =	sor.u32 s4, s5  }
0x8: {  	_ =	strace $0x80000047;
	s6 =	ssub.s32 $0x2, s4;
	s7 =	smul.u32 $0x19000, s5  }
0x9: {  	s20 =	sshrl.u32 s6, $0x1;
	s8 =	smul.u32 $0xC8000, s5;
	s5 =	sshll.u32 s5, $0x7  }
0xa: {  	s4 =	sadd.s32 $0xF42C00, s1;
	s1 =	ssub.s32 s6, s20;
	s0 =	sadd.s32 s0, s5  }
0xb: {  	s6 =	sadd.s32 s2, s7;
	[dreg:$0x4] =	wrdreg s0;
	s31 =	smax.u32 s1, $0x1  }
0xc: {  	s30 =	simm.s32 $0x15E00;
	s21 =	sadd.s32 $0x320, s6;
	[dreg:$0xc] =	wrdreg s31  }
0xd: {  	s22 =	sshrl.u32 s8, $0x3;
	s7 =	sadd.s32 $0x640, s6;
	[dreg:$0x5] =	wrdreg s21  }
0xe: {  	s23 =	sadd.s32 $0x960, s6;
	s0 =	sadd.s32 s2, s22;
	[dreg:$0x6] =	wrdreg s7  }
0xf: {  	v0 =	vlaneseq.u32;
	s16 =	simm.s32 $0x4;
	[dreg:$0x7] =	wrdreg s23;
	s24 =	sadd.s32 $0x18380, s0  }
0x10: {  	v8 =	vimm.s32 $0x0;
	vm0 =	vcmask $0x300;
	s17 =	simm.s32 $0x0;
	v0 =	vmul.u32 $0xC8, v0;
	s25 =	sadd.s32 $0x186A0, s0;
	[dreg:$0x8] =	wrdreg s24  }
0x11: {  	v8 =	vsel vm0, $0x3, v8;
	s20 =	simm.s32 $0x190;
	s26 =	sadd.s32 $0x189C0, s0;
	[dreg:$0x9] =	wrdreg s25  }
0x12: {  	v1 =	vadd.s32 $0xC80, v0;
	v2 =	vadd.s32 $0x1900, v0;
	v3 =	vadd.s32 $0x2580, v0;
	s1 =	simm.s32 $0x3;
	s0 =	sadd.s32 $0x18CE0, s0;
	[dreg:$0xa] =	wrdreg s26  }
0x13: {  	v4 =	vadd.s32 $0x3200, v0;
	v5 =	vadd.s32 $0x3E80, v0;
	v6 =	vadd.s32 $0x4B00, v0;
	s21 =	simm.s32 $0xC800;
	s23 =	simm.s32 $0xFA00;
	[dreg:$0xb] =	wrdreg s0  }
0x14: {  	v7 =	vadd.s32 $0x5780, v0;
	v9 =	vor.u32 $0x1, v0;
	v10 =	vadd.s32 $0xC81, v0;
	s24 =	simm.s32 $0x1;
	s25 =	simm.s32 $0x12C00;
	s0 =	simm.s32 $0x17700  }
.LBB2_1:
0x15: {  	s7 =	rddreg [dreg:$0x4];
	s8 =	simm.s32 $0x400;
	s9 =	simm.s32 $0x8000  }
0x16: {  	[tilespmem:s3], [sflag:$0x5] =	stream.strided.gather [hbm4b:s7+s8], $0x6400, s9, s8, $0x38;
	[tilespmem:$0x19000] =	vst v63  }
0x17: {  	_ =	swait.ge [sflag:s18], $0x6400  }
0x18: {  	[sflag:s18] =	ssyncset.done $0x0  }
0x19: {  	s15 =	simm.s32 $0x200;
	s14 =	simm.s32 $0x7;
	[sflag:s18] =	ssyncadd.s32 $0xFFFF9C00  }
0x1a: {  	s10 =	simm.s32 $0x1;
	v12 =	vadd.s32 s14, v0;
	v11 =	vld [tilespmem:s15+$0x180]  }
0x1b: {  	s12 =	simm.s32 $0x2;
	v14 =	vadd.s32 s10, v0;
	v13 =	vld [tilespmem:s15+$0xFFFFFE80]  }
0x1c: {  	s22 =	simm.s32 $0x3;
	v16 =	vadd.s32 s12, v0;
	v15 =	vld [tilespmem:s15+$0xFFFFFF00]  }
0x1d: {  	s26 =	simm.s32 $0x4;
	v18 =	vadd.s32 s22, v0;
	v17 =	vld [tilespmem:s15+$0xFFFFFF80]  }
0x1e: {  	s11 =	simm.s32 $0x5;
	v20 =	vadd.s32 s26, v0;
	v19 =	vld [tilespmem:s15+$0x0]  }
0x1f: {  	s13 =	simm.s32 $0x6;
	v22 =	vadd.s32 s11, v0;
	v21 =	vld [tilespmem:s15+$0x80];
	[tilespmem:v12+s19+$0x0] =	vst.idx.msk $0xffff, v11  }
0x20: {  	[tilespmem:v14+s19+$0x0] =	vst.idx.msk $0xffff, v13;
	v13 =	vld [tilespmem:s15+$0x100];
	v14 =	vadd.s32 s13, v0  }
0x21: {  	[tilespmem:v16+s19+$0x0] =	vst.idx.msk $0xffff, v15;
	v15 =	vld [tilespmem:s15+$0xFFFFFE00];
	v16 =	vadd.s32 s3, v0  }
0x22: {  	v12 =	vadd.s32 s14, v1;
	[tilespmem:v18+s19+$0x0] =	vst.idx.msk $0xffff, v17;
	v11 =	vld [tilespmem:s15+$0x190]  }
0x23: {  	v18 =	vadd.s32 s10, v1;
	[tilespmem:v20+s19+$0x0] =	vst.idx.msk $0xffff, v19;
	v17 =	vld [tilespmem:s15+$0xFFFFFE90]  }
0x24: {  	v20 =	vadd.s32 s12, v1;
	[tilespmem:v22+s19+$0x0] =	vst.idx.msk $0xffff, v21;
	v19 =	vld [tilespmem:s15+$0xFFFFFF10]  }
0x25: {  	v22 =	vadd.s32 s22, v1;
	v21 =	vld [tilespmem:s15+$0xFFFFFF90];
	[tilespmem:v14+s19+$0x0] =	vst.idx.msk $0xffff, v13  }
0x26: {  	[tilespmem:v16+s19+$0x0] =	vst.idx.msk $0xffff, v15;
	v13 =	vld [tilespmem:s15+$0x10];
	v14 =	vadd.s32 s26, v1  }
0x27: {  	v15 =	vld [tilespmem:s15+$0x90];
	v16 =	vadd.s32 s11, v1;
	[tilespmem:v12+s19+$0x0] =	vst.idx.msk $0xffff, v11  }
0x28: {  	[tilespmem:v18+s19+$0x0] =	vst.idx.msk $0xffff, v17;
	v17 =	vld [tilespmem:s15+$0x110];
	v18 =	vadd.s32 s13, v1  }
0x29: {  	v12 =	vadd.s32 s14, v2;
	[tilespmem:v20+s19+$0x0] =	vst.idx.msk $0xffff, v19;
	v11 =	vld [tilespmem:s15+$0x1A0]  }
0x2a: {  	v19 =	vld [tilespmem:s15+$0xFFFFFE10];
	v20 =	vadd.s32 s3, v1;
	[tilespmem:v22+s19+$0x0] =	vst.idx.msk $0xffff, v21  }
0x2b: {  	v22 =	vadd.s32 s10, v2;
	v21 =	vld [tilespmem:s15+$0xFFFFFEA0];
	[tilespmem:v14+s19+$0x0] =	vst.idx.msk $0xffff, v13  }
0x2c: {  	v13 =	vld [tilespmem:s15+$0xFFFFFF20];
	v14 =	vadd.s32 s12, v2;
	[tilespmem:v16+s19+$0x0] =	vst.idx.msk $0xffff, v15  }
0x2d: {  	v15 =	vld [tilespmem:s15+$0xFFFFFFA0];
	v16 =	vadd.s32 s22, v2;
	[tilespmem:v18+s19+$0x0] =	vst.idx.msk $0xffff, v17  }
0x2e: {  	v17 =	vld [tilespmem:s15+$0x20];
	v18 =	vadd.s32 s26, v2;
	[tilespmem:v12+s19+$0x0] =	vst.idx.msk $0xffff, v11  }
0x2f: {  	[tilespmem:v20+s19+$0x0] =	vst.idx.msk $0xffff, v19;
	v12 =	vadd.s32 s14, v3;
	v11 =	vld [tilespmem:s15+$0x1B0]  }
0x30: {  	v19 =	vld [tilespmem:s15+$0xA0];
	v20 =	vadd.s32 s11, v2;
	[tilespmem:v22+s19+$0x0] =	vst.idx.msk $0xffff, v21  }
0x31: {  	v21 =	vld [tilespmem:s15+$0x120];
	v22 =	vadd.s32 s13, v2;
	[tilespmem:v14+s19+$0x0] =	vst.idx.msk $0xffff, v13  }
0x32: {  	v13 =	vld [tilespmem:s15+$0xFFFFFE20];
	v14 =	vadd.s32 s3, v2;
	[tilespmem:v16+s19+$0x0] =	vst.idx.msk $0xffff, v15  }
0x33: {  	v15 =	vld [tilespmem:s15+$0xFFFFFEB0];
	v16 =	vadd.s32 s10, v3;
	[tilespmem:v18+s19+$0x0] =	vst.idx.msk $0xffff, v17  }
0x34: {  	v17 =	vld [tilespmem:s15+$0xFFFFFF30];
	v18 =	vadd.s32 s12, v3;
	[tilespmem:v12+s19+$0x0] =	vst.idx.msk $0xffff, v11  }
0x35: {  	[tilespmem:v20+s19+$0x0] =	vst.idx.msk $0xffff, v19;
	v12 =	vadd.s32 s14, v4;
	v11 =	vld [tilespmem:s15+$0x1C0]  }
0x36: {  	v19 =	vld [tilespmem:s15+$0xFFFFFFB0];
	v20 =	vadd.s32 s22, v3;
	[tilespmem:v22+s19+$0x0] =	vst.idx.msk $0xffff, v21  }
0x37: {  	v21 =	vld [tilespmem:s15+$0x30];
	v22 =	vadd.s32 s26, v3;
	[tilespmem:v14+s19+$0x0] =	vst.idx.msk $0xffff, v13  }
0x38: {  	[tilespmem:v16+s19+$0x0] =	vst.idx.msk $0xffff, v15;
	v13 =	vld [tilespmem:s15+$0xB0];
	v14 =	vadd.s32 s11, v3  }
0x39: {  	v15 =	vld [tilespmem:s15+$0x130];
	v16 =	vadd.s32 s13, v3;
	[tilespmem:v18+s19+$0x0] =	vst.idx.msk $0xffff, v17  }
0x3a: {  	v17 =	vld [tilespmem:s15+$0xFFFFFE30];
	v18 =	vadd.s32 s3, v3;
	[tilespmem:v12+s19+$0x0] =	vst.idx.msk $0xffff, v11  }
0x3b: {  	[tilespmem:v20+s19+$0x0] =	vst.idx.msk $0xffff, v19;
	v12 =	vadd.s32 s14, v5;
	v11 =	vld [tilespmem:s15+$0x1D0]  }
0x3c: {  	v19 =	vld [tilespmem:s15+$0xFFFFFEC0];
	v20 =	vadd.s32 s10, v4;
	[tilespmem:v22+s19+$0x0] =	vst.idx.msk $0xffff, v21  }
0x3d: {  	v21 =	vld [tilespmem:s15+$0xFFFFFF40];
	v22 =	vadd.s32 s12, v4;
	[tilespmem:v14+s19+$0x0] =	vst.idx.msk $0xffff, v13  }
0x3e: {  	v13 =	vld [tilespmem:s15+$0xFFFFFFC0];
	v14 =	vadd.s32 s22, v4;
	[tilespmem:v16+s19+$0x0] =	vst.idx.msk $0xffff, v15  }
0x3f: {  	v15 =	vld [tilespmem:s15+$0x40];
	v16 =	vadd.s32 s26, v4;
	[tilespmem:v18+s19+$0x0] =	vst.idx.msk $0xffff, v17  }
0x40: {  	v17 =	vld [tilespmem:s15+$0xC0];
	v18 =	vadd.s32 s11, v4;
	[tilespmem:v12+s19+$0x0] =	vst.idx.msk $0xffff, v11  }
0x41: {  	[tilespmem:v20+s19+$0x0] =	vst.idx.msk $0xffff, v19;
	v12 =	vadd.s32 s14, v6;
	v11 =	vld [tilespmem:s15+$0x1E0]  }
0x42: {  	v19 =	vld [tilespmem:s15+$0x140];
	v20 =	vadd.s32 s13, v4;
	[tilespmem:v22+s19+$0x0] =	vst.idx.msk $0xffff, v21  }
0x43: {  	v21 =	vld [tilespmem:s15+$0xFFFFFE40];
	v22 =	vadd.s32 s3, v4;
	[tilespmem:v14+s19+$0x0] =	vst.idx.msk $0xffff, v13  }
0x44: {  	v13 =	vld [tilespmem:s15+$0xFFFFFED0];
	v14 =	vadd.s32 s10, v5;
	[tilespmem:v16+s19+$0x0] =	vst.idx.msk $0xffff, v15  }
0x45: {  	v15 =	vld [tilespmem:s15+$0xFFFFFF50];
	v16 =	vadd.s32 s12, v5;
	[tilespmem:v18+s19+$0x0] =	vst.idx.msk $0xffff, v17  }
0x46: {  	v17 =	vld [tilespmem:s15+$0xFFFFFFD0];
	v18 =	vadd.s32 s22, v5;
	[tilespmem:v12+s19+$0x0] =	vst.idx.msk $0xffff, v11  }
0x47: {  	[tilespmem:v20+s19+$0x0] =	vst.idx.msk $0xffff, v19;
	v12 =	vadd.s32 s14, v7;
	v11 =	vld [tilespmem:s15+$0x1F0]  }
0x48: {  	v19 =	vld [tilespmem:s15+$0x50];
	v20 =	vadd.s32 s26, v5;
	[tilespmem:v22+s19+$0x0] =	vst.idx.msk $0xffff, v21  }
0x49: {  	v21 =	vld [tilespmem:s15+$0xD0];
	v22 =	vadd.s32 s11, v5;
	[tilespmem:v14+s19+$0x0] =	vst.idx.msk $0xffff, v13  }
0x4a: {  	v13 =	vld [tilespmem:s15+$0xFFFFFE50];
	v14 =	vadd.s32 s3, v5;
	[tilespmem:v16+s19+$0x0] =	vst.idx.msk $0xffff, v15  }
0x4b: {  	v16 =	vadd.s32 s10, v6;
	v15 =	vld [tilespmem:s15+$0xFFFFFEE0];
	[tilespmem:v18+s19+$0x0] =	vst.idx.msk $0xffff, v17  }
0x4c: {  	[tilespmem:v12+s19+$0x0] =	vst.idx.msk $0xffff, v11;
	v11 =	vld [tilespmem:s15+$0x150];
	v12 =	vadd.s32 s13, v5  }
0x4d: {  	v17 =	vld [tilespmem:s15+$0xFFFFFF60];
	v18 =	vadd.s32 s12, v6;
	[tilespmem:v20+s19+$0x0] =	vst.idx.msk $0xffff, v19  }
0x4e: {  	v20 =	vadd.s32 s22, v6;
	v19 =	vld [tilespmem:s15+$0xFFFFFFE0];
	[tilespmem:v22+s19+$0x0] =	vst.idx.msk $0xffff, v21  }
0x4f: {  	v21 =	vld [tilespmem:s15+$0x60];
	v22 =	vadd.s32 s26, v6;
	[tilespmem:v14+s19+$0x0] =	vst.idx.msk $0xffff, v13  }
0x50: {  	v23 =	vadd.s32 s3, v6;
	[tilespmem:v16+s19+$0x0] =	vst.idx.msk $0xffff, v15;
	v16 =	vld [tilespmem:s15+$0xFFFFFE60]  }
0x51: {  	[tilespmem:v12+s19+$0x0] =	vst.idx.msk $0xffff, v11;
	v11 =	vld [tilespmem:s15+$0xE0];
	v12 =	vadd.s32 s11, v6  }
0x52: {  	v15 =	vadd.s32 s13, v6;
	[tilespmem:v18+s19+$0x0] =	vst.idx.msk $0xffff, v17;
	v13 =	vld [tilespmem:s15+$0x160]  }
0x53: {  	v25 =	vadd.s32 s10, v7;
	v24 =	vld [tilespmem:s15+$0xFFFFFEF0];
	[tilespmem:v20+s19+$0x0] =	vst.idx.msk $0xffff, v19  }
0x54: {  	v27 =	vadd.s32 s12, v7;
	v26 =	vld [tilespmem:s15+$0xFFFFFF70];
	[tilespmem:v22+s19+$0x0] =	vst.idx.msk $0xffff, v21  }
0x55: {  	v20 =	vadd.s32 s22, v7;
	v18 =	vld [tilespmem:s15+$0xFFFFFFF0];
	[tilespmem:v23+s19+$0x0] =	vst.idx.msk $0xffff, v16  }
0x56: {  	v19 =	vadd.s32 s26, v7;
	v14 =	vld [tilespmem:s15+$0x70];
	[tilespmem:v12+s19+$0x0] =	vst.idx.msk $0xffff, v11  }
0x57: {  	v17 =	vadd.s32 s11, v7;
	[tilespmem:v15+s19+$0x0] =	vst.idx.msk $0xffff, v13;
	v11 =	vld [tilespmem:s15+$0xF0]  }
0x58: {  	s31 =	simm.s32 $0xF;
	[tilespmem:v25+s19+$0x0] =	vst.idx.msk $0xffff, v24;
	v15 =	vadd.s32 s13, v7;
	v12 =	vld [tilespmem:s15+$0x170]  }
0x59: {  	s7 =	simm.s32 $0x10;
	s22 =	simm.s32 $0x8;
	s26 =	simm.s32 $0x600;
	v16 =	vadd.s32 s3, v7;
	[tilespmem:v27+s19+$0x0] =	vst.idx.msk $0xffff, v26;
	v13 =	vld [tilespmem:s15+$0xFFFFFE70]  }
.LBB2_2:
0x5a: {  	p0 =	slt.u32 s7, $0xC0;
	s9 =	sadd.s32 $0x1, s22;
	v21 =	vld [tilespmem:s26+$0x180];
	v22 =	vadd.s32 s31, v0;
	[tilespmem:v20+s19+$0x0] =	vst.idx.msk $0xffff, v18;
	s8 =	smov.u32 s22  }
0x5b: {  	s22 =	smov.u32 s7;
	v18 =	vld [tilespmem:s26+$0xFFFFFE80];
	v20 =	vadd.s32 s9, v0;
	s10 =	sadd.s32 $0x2, s8;
	[tilespmem:v19+s19+$0x0] =	vst.idx.msk $0xffff, v14  }
0x5c: {  	s11 =	sadd.s32 $0x3, s8;
	v14 =	vld [tilespmem:s26+$0xFFFFFF00];
	v19 =	vadd.s32 s10, v0;
	[tilespmem:v17+s19+$0x0] =	vst.idx.msk $0xffff, v11  }
0x5d: {  	s12 =	sadd.s32 $0x4, s8;
	v17 =	vadd.s32 s11, v0;
	v11 =	vld [tilespmem:s26+$0xFFFFFF80];
	[tilespmem:v15+s19+$0x0] =	vst.idx.msk $0xffff, v12  }
0x5e: {  	s13 =	sadd.s32 $0x5, s8;
	v15 =	vadd.s32 s12, v0;
	v12 =	vld [tilespmem:s26+$0x0];
	[tilespmem:v16+s19+$0x0] =	vst.idx.msk $0xffff, v13  }
0x5f: {  	v16 =	vadd.s32 s13, v0;
	v13 =	vld [tilespmem:s26+$0x80];
	[tilespmem:v22+s19+$0x0] =	vst.idx.msk $0xffff, v21  }
0x60: {  	s14 =	sadd.s32 $0x6, s8;
	[tilespmem:v20+s19+$0x0] =	vst.idx.msk $0xffff, v18;
	v18 =	vld [tilespmem:s26+$0x190];
	v20 =	vadd.s32 s31, v1  }
0x61: {  	[tilespmem:v19+s19+$0x0] =	vst.idx.msk $0xffff, v14;
	v14 =	vld [tilespmem:s26+$0x100];
	v19 =	vadd.s32 s14, v0  }
0x62: {  	v22 =	vadd.s32 s8, v0;
	v21 =	vld [tilespmem:s26+$0xFFFFFE00];
	[tilespmem:v17+s19+$0x0] =	vst.idx.msk $0xffff, v11  }
0x63: {  	v17 =	vadd.s32 s9, v1;
	v11 =	vld [tilespmem:s26+$0xFFFFFE90];
	[tilespmem:v15+s19+$0x0] =	vst.idx.msk $0xffff, v12  }
0x64: {  	v15 =	vadd.s32 s10, v1;
	v12 =	vld [tilespmem:s26+$0xFFFFFF10];
	[tilespmem:v16+s19+$0x0] =	vst.idx.msk $0xffff, v13  }
0x65: {  	v16 =	vadd.s32 s11, v1;
	v13 =	vld [tilespmem:s26+$0xFFFFFF90];
	[tilespmem:v20+s19+$0x0] =	vst.idx.msk $0xffff, v18  }
0x66: {  	v18 =	vadd.s32 s31, v2;
	[tilespmem:v19+s19+$0x0] =	vst.idx.msk $0xffff, v14;
	v14 =	vld [tilespmem:s26+$0x1A0]  }
0x67: {  	v20 =	vadd.s32 s12, v1;
	[tilespmem:v22+s19+$0x0] =	vst.idx.msk $0xffff, v21;
	v19 =	vld [tilespmem:s26+$0x10]  }
0x68: {  	[tilespmem:v17+s19+$0x0] =	vst.idx.msk $0xffff, v11;
	v11 =	vld [tilespmem:s26+$0x90];
	v17 =	vadd.s32 s13, v1  }
0x69: {  	[tilespmem:v15+s19+$0x0] =	vst.idx.msk $0xffff, v12;
	v12 =	vld [tilespmem:s26+$0x110];
	v15 =	vadd.s32 s14, v1  }
0x6a: {  	v22 =	vadd.s32 s8, v1;
	v21 =	vld [tilespmem:s26+$0xFFFFFE10];
	[tilespmem:v16+s19+$0x0] =	vst.idx.msk $0xffff, v13  }
0x6b: {  	v16 =	vadd.s32 s9, v2;
	v13 =	vld [tilespmem:s26+$0xFFFFFEA0];
	[tilespmem:v18+s19+$0x0] =	vst.idx.msk $0xffff, v14  }
0x6c: {  	v18 =	vadd.s32 s31, v3;
	[tilespmem:v20+s19+$0x0] =	vst.idx.msk $0xffff, v19;
	v14 =	vld [tilespmem:s26+$0x1B0]  }
0x6d: {  	v20 =	vadd.s32 s10, v2;
	v19 =	vld [tilespmem:s26+$0xFFFFFF20];
	[tilespmem:v17+s19+$0x0] =	vst.idx.msk $0xffff, v11  }
0x6e: {  	v17 =	vadd.s32 s11, v2;
	v11 =	vld [tilespmem:s26+$0xFFFFFFA0];
	[tilespmem:v15+s19+$0x0] =	vst.idx.msk $0xffff, v12  }
0x6f: {  	v15 =	vadd.s32 s12, v2;
	[tilespmem:v22+s19+$0x0] =	vst.idx.msk $0xffff, v21;
	v12 =	vld [tilespmem:s26+$0x20]  }
0x70: {  	[tilespmem:v16+s19+$0x0] =	vst.idx.msk $0xffff, v13;
	v13 =	vld [tilespmem:s26+$0xA0];
	v16 =	vadd.s32 s13, v2  }
0x71: {  	v22 =	vadd.s32 s14, v2;
	v21 =	vld [tilespmem:s26+$0x120];
	[tilespmem:v18+s19+$0x0] =	vst.idx.msk $0xffff, v14  }
0x72: {  	v18 =	vadd.s32 s31, v4;
	[tilespmem:v20+s19+$0x0] =	vst.idx.msk $0xffff, v19;
	v14 =	vld [tilespmem:s26+$0x1C0]  }
0x73: {  	v20 =	vadd.s32 s8, v2;
	v19 =	vld [tilespmem:s26+$0xFFFFFE20];
	[tilespmem:v17+s19+$0x0] =	vst.idx.msk $0xffff, v11  }
0x74: {  	v17 =	vadd.s32 s9, v3;
	v11 =	vld [tilespmem:s26+$0xFFFFFEB0];
	[tilespmem:v15+s19+$0x0] =	vst.idx.msk $0xffff, v12  }
0x75: {  	v15 =	vadd.s32 s10, v3;
	v12 =	vld [tilespmem:s26+$0xFFFFFF30];
	[tilespmem:v16+s19+$0x0] =	vst.idx.msk $0xffff, v13  }
0x76: {  	v16 =	vadd.s32 s11, v3;
	v13 =	vld [tilespmem:s26+$0xFFFFFFB0];
	[tilespmem:v22+s19+$0x0] =	vst.idx.msk $0xffff, v21  }
0x77: {  	v22 =	vadd.s32 s12, v3;
	v21 =	vld [tilespmem:s26+$0x30];
	[tilespmem:v18+s19+$0x0] =	vst.idx.msk $0xffff, v14  }
0x78: {  	v18 =	vadd.s32 s31, v5;
	[tilespmem:v20+s19+$0x0] =	vst.idx.msk $0xffff, v19;
	v14 =	vld [tilespmem:s26+$0x1D0]  }
0x79: {  	[tilespmem:v17+s19+$0x0] =	vst.idx.msk $0xffff, v11;
	v11 =	vld [tilespmem:s26+$0xB0];
	v17 =	vadd.s32 s13, v3  }
0x7a: {  	[tilespmem:v15+s19+$0x0] =	vst.idx.msk $0xffff, v12;
	v12 =	vld [tilespmem:s26+$0x130];
	v15 =	vadd.s32 s14, v3  }
0x7b: {  	v20 =	vadd.s32 s8, v3;
	v19 =	vld [tilespmem:s26+$0xFFFFFE30];
	[tilespmem:v16+s19+$0x0] =	vst.idx.msk $0xffff, v13  }
0x7c: {  	v16 =	vadd.s32 s9, v4;
	v13 =	vld [tilespmem:s26+$0xFFFFFEC0];
	[tilespmem:v22+s19+$0x0] =	vst.idx.msk $0xffff, v21  }
0x7d: {  	v22 =	vadd.s32 s10, v4;
	v21 =	vld [tilespmem:s26+$0xFFFFFF40];
	[tilespmem:v18+s19+$0x0] =	vst.idx.msk $0xffff, v14  }
0x7e: {  	v14 =	vadd.s32 s31, v6;
	[tilespmem:v17+s19+$0x0] =	vst.idx.msk $0xffff, v11;
	v11 =	vld [tilespmem:s26+$0x1E0]  }
0x7f: {  	v18 =	vadd.s32 s11, v4;
	v17 =	vld [tilespmem:s26+$0xFFFFFFC0];
	[tilespmem:v15+s19+$0x0] =	vst.idx.msk $0xffff, v12  }
0x80: {  	v15 =	vadd.s32 s12, v4;
	[tilespmem:v20+s19+$0x0] =	vst.idx.msk $0xffff, v19;
	v12 =	vld [tilespmem:s26+$0x40]  }
0x81: {  	[tilespmem:v16+s19+$0x0] =	vst.idx.msk $0xffff, v13;
	v13 =	vld [tilespmem:s26+$0xC0];
	v16 =	vadd.s32 s13, v4  }
0x82: {  	v20 =	vadd.s32 s14, v4;
	[tilespmem:v22+s19+$0x0] =	vst.idx.msk $0xffff, v21;
	v19 =	vld [tilespmem:s26+$0x140]  }
0x83: {  	v22 =	vadd.s32 s8, v4;
	v21 =	vld [tilespmem:s26+$0xFFFFFE40];
	[tilespmem:v14+s19+$0x0] =	vst.idx.msk $0xffff, v11  }
0x84: {  	v14 =	vadd.s32 s31, v7;
	[tilespmem:v18+s19+$0x0] =	vst.idx.msk $0xffff, v17;
	v11 =	vld [tilespmem:s26+$0x1F0]  }
0x85: {  	v18 =	vadd.s32 s9, v5;
	v17 =	vld [tilespmem:s26+$0xFFFFFED0];
	[tilespmem:v15+s19+$0x0] =	vst.idx.msk $0xffff, v12  }
0x86: {  	v15 =	vadd.s32 s10, v5;
	v12 =	vld [tilespmem:s26+$0xFFFFFF50];
	[tilespmem:v16+s19+$0x0] =	vst.idx.msk $0xffff, v13  }
0x87: {  	v16 =	vadd.s32 s11, v5;
	v13 =	vld [tilespmem:s26+$0xFFFFFFD0];
	[tilespmem:v20+s19+$0x0] =	vst.idx.msk $0xffff, v19  }
0x88: {  	v20 =	vadd.s32 s12, v5;
	[tilespmem:v22+s19+$0x0] =	vst.idx.msk $0xffff, v21;
	v19 =	vld [tilespmem:s26+$0x50]  }
0x89: {  	v22 =	vadd.s32 s13, v5;
	v21 =	vld [tilespmem:s26+$0xD0];
	[tilespmem:v14+s19+$0x0] =	vst.idx.msk $0xffff, v11  }
0x8a: {  	v14 =	vadd.s32 s14, v5;
	[tilespmem:v18+s19+$0x0] =	vst.idx.msk $0xffff, v17;
	v11 =	vld [tilespmem:s26+$0x150]  }
0x8b: {  	v18 =	vadd.s32 s8, v5;
	v17 =	vld [tilespmem:s26+$0xFFFFFE50];
	[tilespmem:v15+s19+$0x0] =	vst.idx.msk $0xffff, v12  }
0x8c: {  	v15 =	vadd.s32 s9, v6;
	v12 =	vld [tilespmem:s26+$0xFFFFFEE0];
	[tilespmem:v16+s19+$0x0] =	vst.idx.msk $0xffff, v13  }
0x8d: {  	v16 =	vadd.s32 s10, v6;
	v13 =	vld [tilespmem:s26+$0xFFFFFF60];
	[tilespmem:v20+s19+$0x0] =	vst.idx.msk $0xffff, v19  }
0x8e: {  	v20 =	vadd.s32 s11, v6;
	v19 =	vld [tilespmem:s26+$0xFFFFFFE0];
	[tilespmem:v22+s19+$0x0] =	vst.idx.msk $0xffff, v21  }
0x8f: {  	v22 =	vadd.s32 s12, v6;
	v21 =	vld [tilespmem:s26+$0x60];
	[tilespmem:v14+s19+$0x0] =	vst.idx.msk $0xffff, v11  }
0x90: {  	v14 =	vadd.s32 s13, v6;
	[tilespmem:v18+s19+$0x0] =	vst.idx.msk $0xffff, v17;
	v11 =	vld [tilespmem:s26+$0xE0]  }
0x91: {  	[tilespmem:v15+s19+$0x0] =	vst.idx.msk $0xffff, v12;
	v12 =	vld [tilespmem:s26+$0x160];
	v15 =	vadd.s32 s14, v6  }
0x92: {  	v23 =	vadd.s32 s8, v6;
	v17 =	vld [tilespmem:s26+$0xFFFFFE60];
	[tilespmem:v16+s19+$0x0] =	vst.idx.msk $0xffff, v13  }
0x93: {  	v16 =	vadd.s32 s9, v7;
	v13 =	vld [tilespmem:s26+$0xFFFFFEF0];
	[tilespmem:v20+s19+$0x0] =	vst.idx.msk $0xffff, v19  }
0x94: {  	v25 =	vadd.s32 s10, v7;
	v24 =	vld [tilespmem:s26+$0xFFFFFF70];
	[tilespmem:v22+s19+$0x0] =	vst.idx.msk $0xffff, v21  }
.Ltmp0:
0x95: {  	v20 =	vadd.s32 s11, v7;
	v18 =	vld [tilespmem:s26+$0xFFFFFFF0];
	[tilespmem:v14+s19+$0x0] =	vst.idx.msk $0xffff, v11;
	(pc) =	sbr.rel @p0 .LBB2_2-.Ltmp0, $4  }
0x96: {  	v19 =	vadd.s32 s12, v7;
	v14 =	vld [tilespmem:s26+$0x70];
	[tilespmem:v15+s19+$0x0] =	vst.idx.msk $0xffff, v12  }
0x97: {  	[tilespmem:v23+s19+$0x0] =	vst.idx.msk $0xffff, v17;
	v11 =	vld [tilespmem:s26+$0xF0];
	v17 =	vadd.s32 s13, v7  }
0x98: {  	v15 =	vadd.s32 s14, v7;
	[tilespmem:v16+s19+$0x0] =	vst.idx.msk $0xffff, v13;
	v12 =	vld [tilespmem:s26+$0x170]  }
0x99: {  	s7 =	sadd.s32 $0x8, s7;
	s31 =	sadd.s32 $0x7, s22;
	v16 =	vadd.s32 s8, v7;
	v13 =	vld [tilespmem:s26+$0xFFFFFE70];
	[tilespmem:v25+s19+$0x0] =	vst.idx.msk $0xffff, v24;
	s26 =	sadd.s32 $0x400, s26  }
0x9a: {  	_ =	sdelay $0x3  }
0x9b: {  	s9 =	sadd.s32 $0x1, s22;
	v21 =	vld [tilespmem:s26+$0x180];
	v22 =	vadd.s32 s31, v0;
	[tilespmem:v20+s19+$0x0] =	vst.idx.msk $0xffff, v18  }
0x9c: {  	v18 =	vld [tilespmem:s26+$0xFFFFFE80];
	s11 =	sadd.s32 $0x2, s22;
	v20 =	vadd.s32 s9, v0;
	[tilespmem:v19+s19+$0x0] =	vst.idx.msk $0xffff, v14  }
0x9d: {  	s12 =	sadd.s32 $0x3, s22;
	v14 =	vld [tilespmem:s26+$0xFFFFFF00];
	v19 =	vadd.s32 s11, v0;
	[tilespmem:v17+s19+$0x0] =	vst.idx.msk $0xffff, v11  }
0x9e: {  	s10 =	sadd.s32 $0x4, s22;
	v11 =	vld [tilespmem:s26+$0xFFFFFF80];
	v17 =	vadd.s32 s12, v0;
	[tilespmem:v15+s19+$0x0] =	vst.idx.msk $0xffff, v12  }
0x9f: {  	s7 =	sadd.s32 $0x5, s22;
	v12 =	vld [tilespmem:s26+$0x0];
	v15 =	vadd.s32 s10, v0;
	[tilespmem:v16+s19+$0x0] =	vst.idx.msk $0xffff, v13  }
0xa0: {  	v13 =	vld [tilespmem:s26+$0x80];
	v16 =	vadd.s32 s7, v0;
	[tilespmem:v22+s19+$0x0] =	vst.idx.msk $0xffff, v21  }
0xa1: {  	s8 =	sadd.s32 $0x6, s22;
	[tilespmem:v20+s19+$0x0] =	vst.idx.msk $0xffff, v18;
	v18 =	vld [tilespmem:s26+$0x190];
	v20 =	vadd.s32 s31, v1  }
0xa2: {  	[tilespmem:v19+s19+$0x0] =	vst.idx.msk $0xffff, v14;
	v14 =	vld [tilespmem:s26+$0x100];
	v19 =	vadd.s32 s8, v0  }
0xa3: {  	v21 =	vld [tilespmem:s26+$0xFFFFFE00];
	v22 =	vadd.s32 s22, v0;
	[tilespmem:v17+s19+$0x0] =	vst.idx.msk $0xffff, v11  }
0xa4: {  	v11 =	vld [tilespmem:s26+$0xFFFFFE90];
	v17 =	vadd.s32 s9, v1;
	[tilespmem:v15+s19+$0x0] =	vst.idx.msk $0xffff, v12  }
0xa5: {  	v12 =	vld [tilespmem:s26+$0xFFFFFF10];
	v15 =	vadd.s32 s11, v1;
	[tilespmem:v16+s19+$0x0] =	vst.idx.msk $0xffff, v13  }
0xa6: {  	v13 =	vld [tilespmem:s26+$0xFFFFFF90];
	v16 =	vadd.s32 s12, v1;
	[tilespmem:v20+s19+$0x0] =	vst.idx.msk $0xffff, v18  }
0xa7: {  	[tilespmem:v19+s19+$0x0] =	vst.idx.msk $0xffff, v14;
	v19 =	vld [tilespmem:s26+$0x10];
	v20 =	vadd.s32 s10, v1  }
0xa8: {  	[tilespmem:v22+s19+$0x0] =	vst.idx.msk $0xffff, v21;
	v18 =	vadd.s32 s31, v2;
	v14 =	vld [tilespmem:s26+$0x1A0]  }
0xa9: {  	[tilespmem:v17+s19+$0x0] =	vst.idx.msk $0xffff, v11;
	v11 =	vld [tilespmem:s26+$0x90];
	v17 =	vadd.s32 s7, v1  }
0xaa: {  	v22 =	vadd.s32 s22, v1;
	v21 =	vld [tilespmem:s26+$0xFFFFFE10];
	[tilespmem:v15+s19+$0x0] =	vst.idx.msk $0xffff, v12  }
0xab: {  	v12 =	vld [tilespmem:s26+$0x110];
	v15 =	vadd.s32 s8, v1;
	[tilespmem:v16+s19+$0x0] =	vst.idx.msk $0xffff, v13  }
0xac: {  	v13 =	vld [tilespmem:s26+$0xFFFFFEA0];
	v16 =	vadd.s32 s9, v2;
	[tilespmem:v20+s19+$0x0] =	vst.idx.msk $0xffff, v19  }
0xad: {  	v19 =	vld [tilespmem:s26+$0xFFFFFF20];
	v20 =	vadd.s32 s11, v2;
	[tilespmem:v18+s19+$0x0] =	vst.idx.msk $0xffff, v14  }
0xae: {  	[tilespmem:v17+s19+$0x0] =	vst.idx.msk $0xffff, v11;
	v11 =	vld [tilespmem:s26+$0xFFFFFFA0];
	v17 =	vadd.s32 s12, v2  }
0xaf: {  	[tilespmem:v22+s19+$0x0] =	vst.idx.msk $0xffff, v21;
	v18 =	vadd.s32 s31, v3;
	v14 =	vld [tilespmem:s26+$0x1B0]  }
0xb0: {  	[tilespmem:v15+s19+$0x0] =	vst.idx.msk $0xffff, v12;
	v12 =	vld [tilespmem:s26+$0x20];
	v15 =	vadd.s32 s10, v2  }
0xb1: {  	[tilespmem:v16+s19+$0x0] =	vst.idx.msk $0xffff, v13;
	v13 =	vld [tilespmem:s26+$0xA0];
	v16 =	vadd.s32 s7, v2  }
0xb2: {  	v22 =	vadd.s32 s8, v2;
	v21 =	vld [tilespmem:s26+$0x120];
	[tilespmem:v20+s19+$0x0] =	vst.idx.msk $0xffff, v19  }
0xb3: {  	v19 =	vld [tilespmem:s26+$0xFFFFFE20];
	v20 =	vadd.s32 s22, v2;
	[tilespmem:v17+s19+$0x0] =	vst.idx.msk $0xffff, v11  }
0xb4: {  	v11 =	vld [tilespmem:s26+$0xFFFFFEB0];
	v17 =	vadd.s32 s9, v3;
	[tilespmem:v18+s19+$0x0] =	vst.idx.msk $0xffff, v14  }
0xb5: {  	[tilespmem:v15+s19+$0x0] =	vst.idx.msk $0xffff, v12;
	v12 =	vld [tilespmem:s26+$0xFFFFFF30];
	v15 =	vadd.s32 s11, v3  }
0xb6: {  	v18 =	vadd.s32 s31, v4;
	v14 =	vld [tilespmem:s26+$0x1C0];
	[tilespmem:v16+s19+$0x0] =	vst.idx.msk $0xffff, v13  }
0xb7: {  	v13 =	vld [tilespmem:s26+$0xFFFFFFB0];
	v16 =	vadd.s32 s12, v3;
	[tilespmem:v22+s19+$0x0] =	vst.idx.msk $0xffff, v21  }
0xb8: {  	v21 =	vld [tilespmem:s26+$0x30];
	v22 =	vadd.s32 s10, v3;
	[tilespmem:v20+s19+$0x0] =	vst.idx.msk $0xffff, v19  }
0xb9: {  	[tilespmem:v17+s19+$0x0] =	vst.idx.msk $0xffff, v11;
	v11 =	vld [tilespmem:s26+$0xB0];
	v17 =	vadd.s32 s7, v3  }
0xba: {  	[tilespmem:v15+s19+$0x0] =	vst.idx.msk $0xffff, v12;
	v12 =	vld [tilespmem:s26+$0x130];
	v15 =	vadd.s32 s8, v3  }
0xbb: {  	v20 =	vadd.s32 s22, v3;
	v19 =	vld [tilespmem:s26+$0xFFFFFE30];
	[tilespmem:v18+s19+$0x0] =	vst.idx.msk $0xffff, v14  }
0xbc: {  	v18 =	vadd.s32 s31, v5;
	[tilespmem:v16+s19+$0x0] =	vst.idx.msk $0xffff, v13;
	v14 =	vld [tilespmem:s26+$0x1D0]  }
0xbd: {  	v13 =	vld [tilespmem:s26+$0xFFFFFEC0];
	v16 =	vadd.s32 s9, v4;
	[tilespmem:v22+s19+$0x0] =	vst.idx.msk $0xffff, v21  }
0xbe: {  	v21 =	vld [tilespmem:s26+$0xFFFFFF40];
	v22 =	vadd.s32 s11, v4;
	[tilespmem:v17+s19+$0x0] =	vst.idx.msk $0xffff, v11  }
0xbf: {  	[tilespmem:v15+s19+$0x0] =	vst.idx.msk $0xffff, v12;
	v12 =	vld [tilespmem:s26+$0x40];
	v15 =	vadd.s32 s10, v4  }
0xc0: {  	[tilespmem:v20+s19+$0x0] =	vst.idx.msk $0xffff, v19;
	v20 =	vadd.s32 s8, v4;
	v19 =	vld [tilespmem:s26+$0x140]  }
0xc1: {  	v17 =	vld [tilespmem:s26+$0xFFFFFFC0];
	[tilespmem:v18+s19+$0x0] =	vst.idx.msk $0xffff, v14;
	v18 =	vadd.s32 s12, v4  }
0xc2: {  	[tilespmem:v16+s19+$0x0] =	vst.idx.msk $0xffff, v13;
	v14 =	vadd.s32 s31, v6;
	v11 =	vld [tilespmem:s26+$0x1E0]  }
0xc3: {  	v13 =	vld [tilespmem:s26+$0xC0];
	v16 =	vadd.s32 s7, v4;
	[tilespmem:v22+s19+$0x0] =	vst.idx.msk $0xffff, v21  }
0xc4: {  	v21 =	vld [tilespmem:s26+$0xFFFFFE40];
	v22 =	vadd.s32 s22, v4;
	[tilespmem:v15+s19+$0x0] =	vst.idx.msk $0xffff, v12  }
0xc5: {  	v12 =	vld [tilespmem:s26+$0xFFFFFF50];
	v15 =	vadd.s32 s11, v5;
	[tilespmem:v20+s19+$0x0] =	vst.idx.msk $0xffff, v19  }
0xc6: {  	[tilespmem:v18+s19+$0x0] =	vst.idx.msk $0xffff, v17;
	v17 =	vld [tilespmem:s26+$0xFFFFFED0];
	v18 =	vadd.s32 s9, v5  }
0xc7: {  	v19 =	vld [tilespmem:s26+$0x50];
	v20 =	vadd.s32 s10, v5;
	[tilespmem:v14+s19+$0x0] =	vst.idx.msk $0xffff, v11  }
0xc8: {  	[tilespmem:v16+s19+$0x0] =	vst.idx.msk $0xffff, v13;
	v14 =	vadd.s32 s31, v7;
	v11 =	vld [tilespmem:s26+$0x1F0]  }
0xc9: {  	v16 =	vadd.s32 s12, v5;
	[tilespmem:v22+s19+$0x0] =	vst.idx.msk $0xffff, v21;
	v13 =	vld [tilespmem:s26+$0xFFFFFFD0]  }
0xca: {  	v22 =	vadd.s32 s7, v5;
	v21 =	vld [tilespmem:s26+$0xD0];
	[tilespmem:v15+s19+$0x0] =	vst.idx.msk $0xffff, v12  }
0xcb: {  	[tilespmem:v18+s19+$0x0] =	vst.idx.msk $0xffff, v17;
	v17 =	vld [tilespmem:s26+$0xFFFFFE50];
	v18 =	vadd.s32 s22, v5  }
0xcc: {  	v15 =	vadd.s32 s9, v6;
	[tilespmem:v20+s19+$0x0] =	vst.idx.msk $0xffff, v19;
	v12 =	vld [tilespmem:s26+$0xFFFFFEE0]  }
0xcd: {  	[tilespmem:v14+s19+$0x0] =	vst.idx.msk $0xffff, v11;
	v11 =	vld [tilespmem:s26+$0x150];
	v14 =	vadd.s32 s8, v5  }
0xce: {  	[tilespmem:v16+s19+$0x0] =	vst.idx.msk $0xffff, v13;
	v13 =	vld [tilespmem:s26+$0xFFFFFF60];
	v16 =	vadd.s32 s11, v6  }
0xcf: {  	v20 =	vadd.s32 s12, v6;
	[tilespmem:v22+s19+$0x0] =	vst.idx.msk $0xffff, v21;
	v19 =	vld [tilespmem:s26+$0xFFFFFFE0]  }
0xd0: {  	v21 =	vld [tilespmem:s26+$0x60];
	v22 =	vadd.s32 s10, v6;
	[tilespmem:v18+s19+$0x0] =	vst.idx.msk $0xffff, v17  }
0xd1: {  	v18 =	vadd.s32 s22, v6;
	[tilespmem:v15+s19+$0x0] =	vst.idx.msk $0xffff, v12;
	v17 =	vld [tilespmem:s26+$0xFFFFFE60]  }
0xd2: {  	[tilespmem:v14+s19+$0x0] =	vst.idx.msk $0xffff, v11;
	v11 =	vld [tilespmem:s26+$0xE0];
	v14 =	vadd.s32 s7, v6  }
0xd3: {  	[tilespmem:v16+s19+$0x0] =	vst.idx.msk $0xffff, v13;
	v16 =	vadd.s32 s9, v7;
	v13 =	vld [tilespmem:s26+$0xFFFFFEF0]  }
0xd4: {  	v15 =	vadd.s32 s8, v6;
	[tilespmem:v20+s19+$0x0] =	vst.idx.msk $0xffff, v19;
	v12 =	vld [tilespmem:s26+$0x160]  }
0xd5: {  	[tilespmem:v22+s19+$0x0] =	vst.idx.msk $0xffff, v21;
	v22 =	vadd.s32 s12, v7;
	v21 =	vld [tilespmem:s26+$0xFFFFFFF0]  }
0xd6: {  	p1 =	por $0x0, $0x0;
	s9 =	simm.s32 $0xFFFFFF38;
	v19 =	vld [tilespmem:s26+$0xFFFFFF70];
	v20 =	vadd.s32 s11, v7;
	[tilespmem:v18+s19+$0x0] =	vst.idx.msk $0xffff, v17  }
0xd7: {  	s9 =	simm.s32 @!p1 $0x0;
	s11 =	simm.s32 $0x1;
	[tilespmem:v14+s19+$0x0] =	vst.idx.msk $0xffff, v11  }
0xd8: {  	v23 =	vadd.s32 s22, v7;
	s11 =	simm.s32 @!p1 $0x0;
	s12 =	sadd.s32 $0xFFFFFFF8, s9;
	v11 =	vld [tilespmem:s26+$0x70];
	v14 =	vadd.s32 s10, v7;
	[tilespmem:v16+s19+$0x0] =	vst.idx.msk $0xffff, v13  }
0xd9: {  	p0 =	por $0x0, $0x0;
	s14 =	sadd.s32 $0xA, s12;
	v17 =	vmov s11;
	s10 =	simm.s32 $0xFFFFFF38;
	v16 =	vadd.s32 s8, v7;
	v18 =	vld [tilespmem:s26+$0xFFFFFE70];
	[tilespmem:v15+s19+$0x0] =	vst.idx.msk $0xffff, v12  }
0xda: {  	s9 =	sadd.s32 $0xF, s12;
	v17 =	vmul.u32 $0x1900, v17;
	v12 =	vld [tilespmem:s26+$0xF0];
	v15 =	vadd.s32 s7, v7;
	s10 =	simm.s32 @!p0 $0x0;
	[tilespmem:v22+s19+$0x0] =	vst.idx.msk $0xffff, v21;
	v21 =	vmov s14;
	s7 =	sadd.s32 $0x8, s12  }
0xdb: {  	[tilespmem:v20+s19+$0x0] =	vst.idx.msk $0xffff, v19;
	v19 =	vmov s9;
	v13 =	vld [tilespmem:s26+$0x170];
	s13 =	sadd.s32 $0xFFFFFFF8, s10;
	v21 =	vshrl.u32 v21, $0x3;
	v22 =	vmov s7  }
0xdc: {  	s15 =	sadd.s32 $0xB, s12;
	s11 =	simm.s32 $0x1;
	v19 =	vshrl.u32 v19, $0x3;
	s8 =	sadd.s32 $0x9, s13;
	v21 =	vshll.u32 v21, v8;
	v22 =	vshrl.u32 v22, $0x3  }
0xdd: {  	s11 =	simm.s32 @!p0 $0x0;
	v20 =	vmov s8;
	v21 =	vbroadcast v21, $0x0;
	[tilespmem:v14+s19+$0x0] =	vst.idx.msk $0xffff, v11;
	v11 =	vmov s15  }
0xde: {  	s22 =	sadd.s32 $0xC, s12;
	s26 =	sadd.s32 $0xD, s12;
	v14 =	vbroadcast v17, $0x0;
	v17 =	vshll.u32 v19, v8;
	v19 =	vmov s11;
	[tilespmem:v23+s19+$0x0] =	vst.idx.msk $0xffff, v18  }
0xdf: {  	v18 =	vshrl.u32 v20, $0x3;
	[tilespmem:v15+s19+$0x0] =	vst.idx.msk $0xffff, v12;
	v12 =	vmov s22;
	v15 =	vmov s26  }
0xe0: {  	p1 =	por $0x0, $0x0;
	s31 =	sadd.s32 $0xE, s12;
	s8 =	simm.s32 $0xFFFFFF38;
	v17 =	vbroadcast v17, $0x0;
	v11 =	vshrl.u32 v11, $0x3;
	v19 =	vmul.u32 $0x1900, v19;
	[tilespmem:v16+s19+$0x0] =	vst.idx.msk $0xffff, v13  }
0xe1: {  	v18 =	vshll.u32 v18, v8;
	v13 =	vmov s31;
	v16 =	vadd.s32 v0, v14;
	[tilespmem:s21], [sflag:$0x1] =	stream.indirect.gather [hbm4b:s4+s20], $0x20, s19, s20, $0xb8;
	[tilespmem:$0x19000] =	vst v63  }
0xe2: {  	s12 =	simm.s32 $0x6590;
	s8 =	simm.s32 @!p1 $0x0;
	v14 =	vadd.s32 v1, v14;
	v12 =	vshrl.u32 v12, $0x3;
	v15 =	vshrl.u32 v15, $0x3  }
0xe3: {  	v11 =	vshll.u32 v11, v8;
	v20 =	vadd.s32 v16, v17;
	v17 =	vadd.s32 v14, v17;
	[tilespmem:s23], [sflag:$0x2] =	stream.indirect.gather [hbm4b:s4+s20], $0x20, s12, s20, $0xb8;
	[tilespmem:$0x19000] =	vst v63  }
0xe4: {  	s8 =	sadd.s32 $0x0, s8;
	v13 =	vshrl.u32 v13, $0x3;
	v12 =	vshll.u32 v12, v8;
	v15 =	vshll.u32 v15, v8;
	_ =	swait.ge [sflag:s24], $0x3200  }
0xe5: {  	s7 =	simm.s32 $0xC880;
	s14 =	sadd.s32 $0xA, s8;
	v18 =	vadd.s32 v19, v18;
	v19 =	vbroadcast v11, $0x0;
	v11 =	vshll.u32 v22, v8;
	[sflag:s24] =	ssyncset.done $0x0  }
0xe6: {  	s15 =	sadd.s32 $0xB, s8;
	s22 =	sadd.s32 $0xC, s8;
	v25 =	vadd.s32 v16, v21;
	v21 =	vadd.s32 v14, v21;
	v57 =	vmov s14;
	[sflag:s24] =	ssyncadd.s32 $0xFFFFCE00  }
0xe7: {  	v58 =	vmov s15;
	v36 =	vmov s22;
	v20 =	vor.u32 $0x7, v20;
	v24 =	vld [tilespmem:s7+$0x60]  }
0xe8: {  	v17 =	vor.u32 $0x7, v17;
	v23 =	vbroadcast v12, $0x0;
	v15 =	vbroadcast v15, $0x0;
	v22 =	vld [tilespmem:s7+$0x70]  }
0xe9: {  	v13 =	vshll.u32 v13, v8;
	v26 =	vbroadcast v11, $0x0;
	v18 =	vbroadcast v18, $0x0;
	v11 =	vld [tilespmem:s7+$0xFFFFFF80]  }
0xea: {  	v25 =	vor.u32 $0x2, v25;
	v13 =	vbroadcast v13, $0x0;
	v27 =	vadd.s32 v16, v19;
	v12 =	vld [tilespmem:s7+$0xFFFFFF90]  }
0xeb: {  	v19 =	vadd.s32 v14, v19;
	v28 =	vadd.s32 v16, v23;
	v31 =	vadd.s32 v9, v18;
	v30 =	vld [tilespmem:s7+$0xFFFFFFA0]  }
0xec: {  	s10 =	simm.s32 $0x1;
	v23 =	vadd.s32 v14, v23;
	v29 =	vadd.s32 v16, v15;
	v15 =	vadd.s32 v14, v15;
	v33 =	vld [tilespmem:s7+$0xFFFFFFB0]  }
0xed: {  	s10 =	simm.s32 @!p1 $0x0;
	v18 =	vadd.s32 v10, v18;
	v32 =	vadd.s32 v16, v13;
	v34 =	vadd.s32 v14, v13;
	v35 =	vld [tilespmem:s7+$0xFFFFFFC0]  }
0xee: {  	v13 =	vadd.s32 v16, v26;
	v16 =	vmov s10;
	v14 =	vadd.s32 v14, v26;
	v26 =	vld [tilespmem:s7+$0x0]  }
0xef: {  	s9 =	simm.s32 $0xFFFFFF38;
	p0 =	por $0x0, $0x0;
	v21 =	vor.u32 $0x2, v21;
	v27 =	vor.u32 $0x3, v27;
	v16 =	vmul.u32 $0x1900, v16;
	[tilespmem:v20+s25+$0x0] =	vst.idx.msk $0xffff, v24;
	v20 =	vld [tilespmem:s7+$0xFFFFFFD0]  }
0xf0: {  	s9 =	simm.s32 @!p0 $0x0;
	s13 =	sadd.s32 $0xF, s8;
	v19 =	vor.u32 $0x3, v19;
	v23 =	vor.u32 $0x4, v23;
	v40 =	vld [tilespmem:s7+$0x50];
	v24 =	vor.u32 $0x4, v28;
	[tilespmem:v31+s25+$0x0] =	vst.idx.msk $0xffff, v30  }
0xf1: {  	s9 =	sadd.s32 $0x0, s9;
	v56 =	vor.u32 $0x6, v34;
	v59 =	vbroadcast v16, $0x0;
	v31 =	vmov s13;
	[tilespmem:v17+s25+$0x0] =	vst.idx.msk $0xffff, v22;
	v17 =	vld [tilespmem:s7+$0xFFFFFFE0]  }
0xf2: {  	s9 =	sadd.s32 $0x9, s9;
	s31 =	sadd.s32 $0xE, s8;
	v28 =	vor.u32 $0x5, v29;
	v29 =	vor.u32 $0x6, v32;
	[tilespmem:v25+s25+$0x0] =	vst.idx.msk $0xffff, v35;
	v25 =	vld [tilespmem:s7+$0x20];
	v31 =	vshrl.u32 v31, $0x3  }
0xf3: {  	v30 =	vmov s9;
	[tilespmem:v18+s25+$0x0] =	vst.idx.msk $0xffff, v33;
	v18 =	vld [tilespmem:s7+$0x10];
	v16 =	vshll.u32 v31, v8;
	v31 =	vmov s31  }
0xf4: {  	v22 =	vor.u32 $0x5, v15;
	v15 =	vld [tilespmem:s7+$0xFFFFFFF0];
	v37 =	vbroadcast v16, $0x0;
	v31 =	vshrl.u32 v31, $0x3;
	[tilespmem:v21+s25+$0x0] =	vst.idx.msk $0xffff, v20  }
0xf5: {  	s11 =	simm.s32 $0x1;
	s26 =	sadd.s32 $0xD, s8;
	v30 =	vshrl.u32 v30, $0x3;
	v16 =	vadd.s32 v0, v59;
	v31 =	vshll.u32 v31, v8;
	v20 =	vld [tilespmem:s7+$0x30];
	[tilespmem:v24+s25+$0x0] =	vst.idx.msk $0xffff, v26  }
0xf6: {  	s11 =	simm.s32 @!p0 $0x0;
	s8 =	sadd.s32 $0x8, s8;
	v21 =	vmov s26;
	v60 =	vadd.s32 v16, v37;
	v24 =	vshrl.u32 v58, $0x3;
	[tilespmem:v27+s25+$0x0] =	vst.idx.msk $0xffff, v17;
	v27 =	vld [tilespmem:s7+$0x40];
	s7 =	simm.s32 $0xC980  }
0xf7: {  	[tilespmem:v28+s25+$0x0] =	vst.idx.msk $0xffff, v25;
	v25 =	vmov s8;
	v42 =	vbroadcast v31, $0x0;
	v17 =	vmov s11;
	v26 =	vld [tilespmem:s7+$0x60]  }
0xf8: {  	v33 =	vor.u32 $0x7, v60;
	[tilespmem:v23+s25+$0x0] =	vst.idx.msk $0xffff, v18;
	v23 =	vshrl.u32 v36, $0x3;
	v24 =	vshll.u32 v24, v8;
	v62 =	vld [tilespmem:s7+$0x70]  }
0xf9: {  	v21 =	vshrl.u32 v21, $0x3;
	[tilespmem:v19+s25+$0x0] =	vst.idx.msk $0xffff, v15;
	v15 =	vadd.s32 v1, v59;
	v18 =	vld [tilespmem:s7+$0xFFFFFF80];
	v24 =	vbroadcast v24, $0x0  }
0xfa: {  	v19 =	vshrl.u32 v57, $0x3;
	v28 =	vmul.u32 $0x1900, v17;
	v17 =	vld [tilespmem:s7+$0xFFFFFF90];
	v63 =	vshll.u32 v21, v8  }
0xfb: {  	v61 =	vadd.s32 v15, v37;
	v37 =	vadd.s32 v16, v24;
	v36 =	vadd.s32 v15, v24;
	v24 =	vld [tilespmem:s7+$0x0]  }
0xfc: {  	v41 =	vbroadcast v63, $0x0;
	[tilespmem:v22+s25+$0x0] =	vst.idx.msk $0xffff, v20;
	v22 =	vshll.u32 v30, v8;
	v30 =	vshll.u32 v19, v8;
	v19 =	vld [tilespmem:s7+$0xFFFFFFA0]  }
0xfd: {  	v23 =	vshll.u32 v23, v8;
	v21 =	vshrl.u32 v25, $0x3;
	v34 =	vor.u32 $0x7, v61;
	v20 =	vld [tilespmem:s7+$0xFFFFFFB0]  }
0xfe: {  	v32 =	vadd.s32 v16, v41;
	v25 =	vadd.s32 v28, v22;
	v28 =	vbroadcast v30, $0x0;
	v22 =	vld [tilespmem:s7+$0xFFFFFFD0];
	[tilespmem:v29+s25+$0x0] =	vst.idx.msk $0xffff, v27  }
0xff: {  	v31 =	vadd.s32 v15, v41;
	v30 =	vbroadcast v23, $0x0;
	v23 =	vld [tilespmem:s7+$0xFFFFFFF0];
	v29 =	vadd.s32 v16, v42;
	[tilespmem:v33+s25+$0x0] =	vst.idx.msk $0xffff, v26  }
0x100: {  	v26 =	vshll.u32 v21, v8;
	v21 =	vld [tilespmem:s7+$0xFFFFFFC0];
	v39 =	vbroadcast v25, $0x0;
	[tilespmem:v56+s25+$0x0] =	vst.idx.msk $0xffff, v40;
	v33 =	vadd.s32 v16, v28  }
0x101: {  	v25 =	vld [tilespmem:s7+$0x10];
	v38 =	vadd.s32 v15, v28;
	v35 =	vadd.s32 v16, v30;
	v28 =	vadd.s32 v15, v42  }
0x102: {  	s8 =	simm.s32 $0x8;
	v27 =	vbroadcast v26, $0x0;
	v26 =	vld [tilespmem:s7+$0xFFFFFFE0];
	[tilespmem:v34+s25+$0x0] =	vst.idx.msk $0xffff, v62;
	v34 =	vadd.s32 v15, v30;
	v30 =	vadd.s32 v9, v39  }
.LBB2_4:
0x103: {  	s9 =	smov.u32 s8;
	s8 =	sadd.s32 $0x8, s8  }
0x104: {  	v39 =	vadd.s32 v10, v39;
	v33 =	vor.u32 $0x2, v33;
	v38 =	vor.u32 $0x2, v38;
	v40 =	vld [tilespmem:s7+$0x20];
	[tilespmem:v13+s25+$0x0] =	vst.idx.msk $0xffff, v11;
	v11 =	vmovc v18;
	s10 =	simm.s32 $0xFFFFFF38;
	s11 =	simm.s32 $0xFFFFFF38;
	s12 =	simm.s32 $0x1  }
0x105: {  	v18 =	vor.u32 $0x3, v37;
	v36 =	vor.u32 $0x3, v36;
	v35 =	vor.u32 $0x4, v35;
	p2 =	sgt.u32 s8, $0xC7;
	p1 =	sgt.u32 s8, $0xC6;
	p0 =	slt.u32 s8, $0x188;
	v37 =	vld [tilespmem:s7+$0x30];
	[tilespmem:v14+s25+$0x0] =	vst.idx.msk $0xffff, v12;
	v12 =	vmovc v17  }
0x106: {  	v32 =	vor.u32 $0x5, v32;
	v31 =	vor.u32 $0x5, v31;
	s22 =	simm.s32 $0x1;
	v17 =	vor.u32 $0x4, v34;
	s10 =	simm.s32 @!p2 $0x0;
	s11 =	simm.s32 @!p1 $0x0;
	v34 =	vld [tilespmem:s7+$0x40]  }
0x107: {  	v13 =	vadd.s32 v16, v27;
	v29 =	vor.u32 $0x6, v29;
	v28 =	vor.u32 $0x6, v28;
	s12 =	simm.s32 @!p2 $0x0;
	s10 =	sadd.s32 s9, s10;
	s9 =	sadd.s32 s9, s11;
	v41 =	vld [tilespmem:s7+$0x50]  }
0x108: {  	v14 =	vadd.s32 v15, v27;
	v16 =	vmov s12;
	s9 =	sadd.s32 $0x9, s9;
	s11 =	sadd.s32 $0xA, s10;
	s12 =	sadd.s32 $0xF, s10;
	[tilespmem:v30+s25+$0x0] =	vst.idx.msk $0xffff, v19  }
0x109: {  	v15 =	vmul.u32 $0x1900, v16;
	s13 =	sadd.s32 $0xC, s10;
	s14 =	sadd.s32 $0xD, s10;
	v19 =	vmov s9;
	s9 =	sadd.s32 $0xB, s10;
	v16 =	vmov s12;
	[tilespmem:v39+s25+$0x0] =	vst.idx.msk $0xffff, v20  }
0x10a: {  	s22 =	simm.s32 @!p1 $0x0;
	s12 =	sadd.s32 $0x8, s10;
	v20 =	vmov s11;
	v27 =	vmov s9;
	s9 =	sadd.s32 $0xE, s10;
	v16 =	vshrl.u32 v16, $0x3;
	[tilespmem:v33+s25+$0x0] =	vst.idx.msk $0xffff, v21  }
0x10b: {  	v15 =	vbroadcast v15, $0x0;
	v21 =	vmov s13;
	v16 =	vshll.u32 v16, v8;
	[tilespmem:v38+s25+$0x0] =	vst.idx.msk $0xffff, v22  }
0x10c: {  	v22 =	vmov s14;
	v30 =	vmov s9;
	v33 =	vbroadcast v16, $0x0;
	[tilespmem:v18+s25+$0x0] =	vst.idx.msk $0xffff, v26  }
0x10d: {  	v19 =	vshrl.u32 v19, $0x3;
	v16 =	vadd.s32 v0, v15;
	v26 =	vmov s22;
	[tilespmem:v36+s25+$0x0] =	vst.idx.msk $0xffff, v23  }
0x10e: {  	s7 =	sadd.s32 $0x100, s7;
	v20 =	vshrl.u32 v20, $0x3;
	v15 =	vadd.s32 v1, v15;
	v18 =	vadd.s32 v16, v33;
	[tilespmem:v35+s25+$0x0] =	vst.idx.msk $0xffff, v24  }
0x10f: {  	v23 =	vshrl.u32 v27, $0x3;
	v24 =	vld [tilespmem:s7+$0x60];
	v27 =	vor.u32 $0x7, v18;
	v18 =	vadd.s32 v15, v33;
	[tilespmem:v17+s25+$0x0] =	vst.idx.msk $0xffff, v25  }
0x110: {  	v21 =	vshrl.u32 v21, $0x3;
	v22 =	vshrl.u32 v22, $0x3;
	v25 =	vld [tilespmem:s7+$0x70];
	v33 =	vor.u32 $0x7, v18;
	[tilespmem:v32+s25+$0x0] =	vst.idx.msk $0xffff, v40  }
0x111: {  	v30 =	vshrl.u32 v30, $0x3;
	v26 =	vmul.u32 $0x1900, v26;
	v32 =	vmov s12;
	v18 =	vld [tilespmem:s7+$0xFFFFFF80];
	[tilespmem:v31+s25+$0x0] =	vst.idx.msk $0xffff, v37  }
0x112: {  	v35 =	vshll.u32 v20, v8;
	v23 =	vshll.u32 v23, v8;
	v31 =	vshll.u32 v19, v8;
	v17 =	vld [tilespmem:s7+$0xFFFFFF90]  }
0x113: {  	v36 =	vshll.u32 v21, v8;
	v30 =	vshll.u32 v30, v8;
	v37 =	vshll.u32 v22, v8;
	v19 =	vld [tilespmem:s7+$0xFFFFFFA0]  }
0x114: {  	v21 =	vshrl.u32 v32, $0x3;
	v26 =	vadd.s32 v26, v31;
	v31 =	vbroadcast v35, $0x0;
	v20 =	vld [tilespmem:s7+$0xFFFFFFB0];
	[tilespmem:v27+s25+$0x0] =	vst.idx.msk $0xffff, v24  }
0x115: {  	v40 =	vbroadcast v36, $0x0;
	v32 =	vbroadcast v23, $0x0;
	v24 =	vshll.u32 v21, v8;
	v21 =	vld [tilespmem:s7+$0xFFFFFFC0];
	[tilespmem:v33+s25+$0x0] =	vst.idx.msk $0xffff, v25  }
.Ltmp1:
0x116: {  	v42 =	vbroadcast v30, $0x0;
	v33 =	vadd.s32 v16, v31;
	v25 =	vbroadcast v37, $0x0;
	v22 =	vld [tilespmem:s7+$0xFFFFFFD0];
	[tilespmem:v29+s25+$0x0] =	vst.idx.msk $0xffff, v34;
	(pc) =	sbr.rel @p0 .LBB2_4-.Ltmp1, $4  }
0x117: {  	v39 =	vbroadcast v26, $0x0;
	v38 =	vadd.s32 v15, v31;
	v27 =	vbroadcast v24, $0x0;
	v26 =	vld [tilespmem:s7+$0xFFFFFFE0];
	[tilespmem:v28+s25+$0x0] =	vst.idx.msk $0xffff, v41  }
0x118: {  	v35 =	vadd.s32 v16, v40;
	v36 =	vadd.s32 v15, v32;
	v37 =	vadd.s32 v16, v32;
	v23 =	vld [tilespmem:s7+$0xFFFFFFF0]  }
0x119: {  	v34 =	vadd.s32 v15, v40;
	v32 =	vadd.s32 v16, v25;
	v31 =	vadd.s32 v15, v25;
	v24 =	vld [tilespmem:s7+$0x0]  }
0x11a: {  	v30 =	vadd.s32 v9, v39;
	v29 =	vadd.s32 v16, v42;
	v28 =	vadd.s32 v15, v42;
	v25 =	vld [tilespmem:s7+$0x10]  }
0x11b: {  	_ =	sdelay $0x1  }
0x11c: {  	v39 =	vadd.s32 v10, v39  }
0x11d: {  	v33 =	vor.u32 $0x2, v33  }
0x11e: {  	[tilespmem:v13+s25+$0x0] =	vst.idx.msk $0xffff, v11;
	v11 =	vor.u32 $0x3, v37  }
0x11f: {  	[tilespmem:v30+s25+$0x0] =	vst.idx.msk $0xffff, v19;
	v13 =	vor.u32 $0x4, v35  }
0x120: {  	[tilespmem:v14+s25+$0x0] =	vst.idx.msk $0xffff, v12;
	v12 =	vor.u32 $0x3, v36  }
0x121: {  	v38 =	vor.u32 $0x2, v38;
	[tilespmem:v39+s25+$0x0] =	vst.idx.msk $0xffff, v20  }
0x122: {  	v19 =	vld [tilespmem:s7+$0x20];
	v14 =	vor.u32 $0x4, v34;
	[tilespmem:v33+s25+$0x0] =	vst.idx.msk $0xffff, v21  }
0x123: {  	v20 =	vor.u32 $0x5, v32;
	v21 =	vld [tilespmem:s7+$0x30];
	[tilespmem:v11+s25+$0x0] =	vst.idx.msk $0xffff, v26  }
0x124: {  	v11 =	vld [tilespmem:s7+$0x40];
	v26 =	vor.u32 $0x6, v29;
	[tilespmem:v13+s25+$0x0] =	vst.idx.msk $0xffff, v24  }
0x125: {  	p1 =	por $0x0, $0x0;
	p0 =	por $0x0, $0x0;
	v13 =	vadd.s32 v16, v27;
	[tilespmem:v12+s25+$0x0] =	vst.idx.msk $0xffff, v23;
	v12 =	vld [tilespmem:s7+$0x50];
	s7 =	simm.s32 $0xFFFFFF38  }
0x126: {  	s8 =	simm.s32 $0xFFFFFF38;
	s9 =	simm.s32 $0x1;
	[tilespmem:v38+s25+$0x0] =	vst.idx.msk $0xffff, v22;
	v23 =	vor.u32 $0x6, v28;
	s7 =	simm.s32 @!p1 $0x0  }
0x127: {  	s8 =	simm.s32 @!p0 $0x0;
	s9 =	simm.s32 @!p1 $0x0;
	[tilespmem:v14+s25+$0x0] =	vst.idx.msk $0xffff, v25;
	v14 =	vadd.s32 v15, v27;
	s7 =	sadd.s32 $0xFFFFFFF8, s7  }
0x128: {  	s11 =	simm.s32 $0x1;
	s8 =	sadd.s32 $0xFFFFFFF8, s8;
	v22 =	vor.u32 $0x5, v31;
	v15 =	vmov s9;
	s14 =	sadd.s32 $0xF, s7;
	[tilespmem:v20+s25+$0x0] =	vst.idx.msk $0xffff, v19  }
0x129: {  	s10 =	sadd.s32 $0xA, s7;
	s15 =	sadd.s32 $0xB, s7;
	s31 =	sadd.s32 $0xE, s7;
	[tilespmem:v26+s25+$0x0] =	vst.idx.msk $0xffff, v11;
	v11 =	vmul.u32 $0x1900, v15;
	v15 =	vmov s14  }
0x12a: {  	s11 =	simm.s32 @!p0 $0x0;
	s8 =	sadd.s32 $0x9, s8;
	v16 =	vmov s10;
	[tilespmem:v13+s25+$0x0] =	vst.idx.msk $0xffff, v18;
	v13 =	vmov s15;
	v18 =	vmov s31  }
0x12b: {  	s22 =	sadd.s32 $0xC, s7;
	s26 =	sadd.s32 $0xD, s7;
	v20 =	vmov s11;
	[tilespmem:v23+s25+$0x0] =	vst.idx.msk $0xffff, v12;
	v12 =	vmov s8;
	v15 =	vshrl.u32 v15, $0x3  }
0x12c: {  	[tilespmem:v14+s25+$0x0] =	vst.idx.msk $0xffff, v17;
	v14 =	vmov s22;
	v17 =	vmov s26;
	v16 =	vshrl.u32 v16, $0x3  }
0x12d: {  	s10 =	simm.s32 $0x6720;
	[tilespmem:v22+s25+$0x0] =	vst.idx.msk $0xffff, v21;
	v13 =	vshrl.u32 v13, $0x3;
	v20 =	vmul.u32 $0x1900, v20;
	v18 =	vshrl.u32 v18, $0x3  }
0x12e: {  	v11 =	vbroadcast v11, $0x0;
	v15 =	vshll.u32 v15, v8;
	[tilespmem:s21], [sflag:$0x1] =	stream.indirect.gather [hbm4b:s4+s20], $0x20, s10, s20, $0xb8;
	v12 =	vshrl.u32 v12, $0x3;
	[tilespmem:$0x19000] =	vst v63  }
0x12f: {  	v14 =	vshrl.u32 v14, $0x3;
	v16 =	vshll.u32 v16, v8;
	v13 =	vshll.u32 v13, v8  }
0x130: {  	v18 =	vshll.u32 v18, v8;
	v15 =	vbroadcast v15, $0x0;
	v12 =	vshll.u32 v12, v8;
	[hbm4b:s6+s3] =	stream.linear.scatter [tilespmem:s25], [sflag:$0x3], $0x1900, $0x38;
	[tilespmem:$0x19000] =	vst v63  }
0x131: {  	s12 =	rddreg [dreg:$0x5];
	v14 =	vshll.u32 v14, v8;
	v16 =	vbroadcast v16, $0x0;
	v13 =	vbroadcast v13, $0x0  }
0x132: {  	v18 =	vbroadcast v18, $0x0;
	v19 =	vadd.s32 v0, v11;
	v21 =	vadd.s32 v1, v11;
	[hbm4b:s12+s3] =	stream.linear.scatter [tilespmem:s28], [sflag:$0x3], $0x1900, $0x38;
	[tilespmem:$0x19000] =	vst v63  }
0x133: {  	v12 =	vadd.s32 v20, v12;
	v14 =	vbroadcast v14, $0x0;
	v11 =	vadd.s32 v19, v15;
	_ =	swait.ge [sflag:s29], $0x3200  }
0x134: {  	s13 =	simm.s32 $0xFAF0;
	s7 =	sadd.s32 $0x8, s7;
	v24 =	vadd.s32 v19, v16;
	v22 =	vor.u32 $0x7, v11;
	v11 =	vadd.s32 v21, v15;
	[sflag:s29] =	ssyncset.done $0x0  }
0x135: {  	p1 =	por $0x0, $0x0;
	s8 =	simm.s32 $0xFFFFFF38;
	v15 =	vshrl.u32 v17, $0x3;
	v17 =	vor.u32 $0x7, v11;
	v11 =	vmov s7;
	[sflag:s29] =	ssyncadd.s32 $0xFFFFCE00  }
0x136: {  	s8 =	simm.s32 @!p1 $0x0;
	v26 =	vbroadcast v12, $0x0;
	v16 =	vadd.s32 v21, v16;
	v11 =	vshrl.u32 v11, $0x3;
	v20 =	vld [tilespmem:s13+$0xFFFFFFF0]  }
0x137: {  	s8 =	sadd.s32 $0x0, s8;
	v27 =	vadd.s32 v19, v13;
	v13 =	vadd.s32 v21, v13;
	v11 =	vshll.u32 v11, v8;
	v23 =	vld [tilespmem:s13+$0x0]  }
0x138: {  	s26 =	sadd.s32 $0xC, s8;
	s31 =	sadd.s32 $0xD, s8;
	v53 =	vadd.s32 v19, v18;
	v18 =	vadd.s32 v21, v18;
	v25 =	vbroadcast v11, $0x0;
	v11 =	vld [tilespmem:s13+$0xFFFFFF10]  }
0x139: {  	v58 =	vmov s26;
	v59 =	vmov s31;
	v31 =	vadd.s32 v9, v26;
	v30 =	vld [tilespmem:s13+$0xFFFFFF30]  }
0x13a: {  	s10 =	simm.s32 $0x1;
	v28 =	vadd.s32 v19, v14;
	v14 =	vadd.s32 v21, v14;
	v24 =	vor.u32 $0x2, v24;
	v55 =	vld [tilespmem:s13+$0xFFFFFF50]  }
0x13b: {  	s10 =	simm.s32 @!p1 $0x0;
	v16 =	vor.u32 $0x2, v16;
	v57 =	vor.u32 $0x6, v18;
	v15 =	vshll.u32 v15, v8;
	v12 =	vld [tilespmem:s13+$0xFFFFFF20]  }
0x13c: {  	v18 =	vmov s10;
	s12 =	sadd.s32 $0xE, s8;
	v26 =	vadd.s32 v10, v26;
	v15 =	vbroadcast v15, $0x0;
	v54 =	vld [tilespmem:s13+$0xFFFFFF40]  }
0x13d: {  	v56 =	vor.u32 $0x3, v13;
	v18 =	vmul.u32 $0x1900, v18;
	v60 =	vmov s12;
	[tilespmem:v22+s30+$0x0] =	vst.idx.msk $0xffff, v20;
	v20 =	vld [tilespmem:s13+$0xFFFFFF60]  }
0x13e: {  	p0 =	por $0x0, $0x0;
	s9 =	simm.s32 $0xFFFFFF38;
	v29 =	vadd.s32 v19, v15;
	v13 =	vadd.s32 v19, v25;
	v19 =	vld [tilespmem:s13+$0xFFFFFF90];
	v22 =	vor.u32 $0x4, v28;
	[tilespmem:v31+s30+$0x0] =	vst.idx.msk $0xffff, v30  }
0x13f: {  	s9 =	simm.s32 @!p0 $0x0;
	v27 =	vor.u32 $0x3, v27;
	v63 =	vshrl.u32 v60, $0x3;
	v29 =	vor.u32 $0x5, v29;
	[tilespmem:v24+s30+$0x0] =	vst.idx.msk $0xffff, v55;
	v24 =	vld [tilespmem:s13+$0xFFFFFFB0]  }
0x140: {  	s9 =	sadd.s32 $0x0, s9;
	v32 =	vor.u32 $0x6, v53;
	v18 =	vbroadcast v18, $0x0;
	v34 =	vshll.u32 v63, v8;
	[tilespmem:v17+s30+$0x0] =	vst.idx.msk $0xffff, v23;
	v17 =	vld [tilespmem:s13+$0xFFFFFF70]  }
0x141: {  	s9 =	sadd.s32 $0x9, s9;
	s14 =	sadd.s32 $0xF, s8;
	v15 =	vadd.s32 v21, v15;
	v28 =	vor.u32 $0x4, v14;
	v14 =	vadd.s32 v21, v25;
	[tilespmem:v26+s30+$0x0] =	vst.idx.msk $0xffff, v54;
	v26 =	vld [tilespmem:s13+$0xFFFFFFA0]  }
0x142: {  	s15 =	sadd.s32 $0xA, s8;
	s22 =	sadd.s32 $0xB, s8;
	v21 =	vmov s9;
	v25 =	vmov s14;
	v23 =	vor.u32 $0x5, v15;
	v15 =	vld [tilespmem:s13+$0xFFFFFF80];
	[tilespmem:v16+s30+$0x0] =	vst.idx.msk $0xffff, v20  }
0x143: {  	v61 =	vld [tilespmem:s13+$0xFFFFFFE0];
	v30 =	vmov s15;
	v31 =	vmov s22;
	v25 =	vshrl.u32 v25, $0x3;
	[tilespmem:v22+s30+$0x0] =	vst.idx.msk $0xffff, v19  }
0x144: {  	s11 =	simm.s32 $0x1;
	s7 =	simm.s32 $0xFBF0;
	v21 =	vshrl.u32 v21, $0x3;
	v30 =	vshrl.u32 v30, $0x3;
	v25 =	vshll.u32 v25, v8;
	v20 =	vld [tilespmem:s13+$0xFFFFFFC0];
	[tilespmem:v29+s30+$0x0] =	vst.idx.msk $0xffff, v24  }
0x145: {  	s11 =	simm.s32 @!p0 $0x0;
	s8 =	sadd.s32 $0x8, s8;
	v21 =	vshll.u32 v21, v8;
	v25 =	vbroadcast v25, $0x0;
	v16 =	vadd.s32 v0, v18;
	v22 =	vld [tilespmem:s7+$0xFFFFFFF0];
	[tilespmem:v27+s30+$0x0] =	vst.idx.msk $0xffff, v17  }
0x146: {  	v19 =	vshrl.u32 v31, $0x3;
	v24 =	vmov s8;
	v27 =	vld [tilespmem:s13+$0xFFFFFFD0];
	v17 =	vmov s11;
	[tilespmem:v28+s30+$0x0] =	vst.idx.msk $0xffff, v26  }
0x147: {  	v26 =	vshrl.u32 v59, $0x3;
	v28 =	vld [tilespmem:s7+$0x0];
	[tilespmem:v56+s30+$0x0] =	vst.idx.msk $0xffff, v15;
	v15 =	vadd.s32 v1, v18;
	v18 =	vadd.s32 v16, v25  }
0x148: {  	v29 =	vmul.u32 $0x1900, v17;
	v17 =	vld [tilespmem:s7+$0xFFFFFF20];
	v31 =	vor.u32 $0x7, v18;
	v18 =	vadd.s32 v15, v25  }
0x149: {  	v24 =	vshrl.u32 v24, $0x3;
	v26 =	vshll.u32 v26, v8;
	v62 =	vor.u32 $0x7, v18;
	v18 =	vld [tilespmem:s7+$0xFFFFFF10]  }
0x14a: {  	v24 =	vshll.u32 v24, v8;
	v25 =	vshrl.u32 v58, $0x3;
	v29 =	vadd.s32 v29, v21;
	v21 =	vld [tilespmem:s7+$0xFFFFFF50]  }
0x14b: {  	v26 =	vbroadcast v26, $0x0;
	[tilespmem:v23+s30+$0x0] =	vst.idx.msk $0xffff, v20;
	v23 =	vshll.u32 v30, v8;
	v30 =	vshll.u32 v19, v8;
	v19 =	vld [tilespmem:s7+$0xFFFFFF30]  }
0x14c: {  	v25 =	vshll.u32 v25, v8;
	v20 =	vld [tilespmem:s7+$0xFFFFFF40];
	v39 =	vbroadcast v29, $0x0;
	v23 =	vbroadcast v23, $0x0;
	[tilespmem:v32+s30+$0x0] =	vst.idx.msk $0xffff, v27  }
0x14d: {  	v30 =	vbroadcast v30, $0x0;
	v27 =	vbroadcast v24, $0x0;
	v24 =	vld [tilespmem:s7+$0xFFFFFF90];
	v32 =	vadd.s32 v16, v26;
	[tilespmem:v57+s30+$0x0] =	vst.idx.msk $0xffff, v61  }
0x14e: {  	[tilespmem:v31+s30+$0x0] =	vst.idx.msk $0xffff, v22;
	v31 =	vbroadcast v25, $0x0;
	v22 =	vld [tilespmem:s7+$0xFFFFFF60];
	v33 =	vadd.s32 v16, v23;
	v38 =	vadd.s32 v15, v23  }
0x14f: {  	v25 =	vld [tilespmem:s7+$0xFFFFFF70];
	v37 =	vadd.s32 v16, v30;
	v36 =	vadd.s32 v15, v30;
	[tilespmem:v62+s30+$0x0] =	vst.idx.msk $0xffff, v28;
	v28 =	vbroadcast v34, $0x0  }
0x150: {  	v23 =	vld [tilespmem:s7+$0xFFFFFF80];
	v30 =	vadd.s32 v9, v39;
	v35 =	vadd.s32 v16, v31;
	v34 =	vadd.s32 v15, v31  }
0x151: {  	s8 =	simm.s32 $0x8;
	v31 =	vadd.s32 v15, v26;
	v26 =	vld [tilespmem:s7+$0xFFFFFFA0];
	v29 =	vadd.s32 v16, v28;
	v28 =	vadd.s32 v15, v28  }
.LBB2_6:
0x152: {  	s9 =	smov.u32 s8;
	s8 =	sadd.s32 $0x8, s8  }
0x153: {  	v39 =	vadd.s32 v10, v39;
	v33 =	vor.u32 $0x2, v33;
	v38 =	vor.u32 $0x2, v38;
	v40 =	vld [tilespmem:s7+$0xFFFFFFB0];
	[tilespmem:v13+s30+$0x0] =	vst.idx.msk $0xffff, v11;
	v11 =	vmovc v18;
	s10 =	simm.s32 $0xFFFFFF38;
	s11 =	simm.s32 $0xFFFFFF38;
	s12 =	simm.s32 $0x1  }
0x154: {  	v18 =	vor.u32 $0x3, v37;
	v36 =	vor.u32 $0x3, v36;
	v35 =	vor.u32 $0x4, v35;
	p2 =	sgt.u32 s8, $0xC7;
	p1 =	sgt.u32 s8, $0xC6;
	p0 =	slt.u32 s8, $0x188;
	v37 =	vld [tilespmem:s7+$0xFFFFFFC0];
	[tilespmem:v14+s30+$0x0] =	vst.idx.msk $0xffff, v12;
	v12 =	vmovc v17  }
0x155: {  	v32 =	vor.u32 $0x5, v32;
	v31 =	vor.u32 $0x5, v31;
	s22 =	simm.s32 $0x1;
	v17 =	vor.u32 $0x4, v34;
	s10 =	simm.s32 @!p2 $0x0;
	s11 =	simm.s32 @!p1 $0x0;
	v34 =	vld [tilespmem:s7+$0xFFFFFFD0]  }
0x156: {  	v13 =	vadd.s32 v16, v27;
	v29 =	vor.u32 $0x6, v29;
	v28 =	vor.u32 $0x6, v28;
	s12 =	simm.s32 @!p2 $0x0;
	s10 =	sadd.s32 s9, s10;
	s9 =	sadd.s32 s9, s11;
	v41 =	vld [tilespmem:s7+$0xFFFFFFE0]  }
0x157: {  	v14 =	vadd.s32 v15, v27;
	v16 =	vmov s12;
	s9 =	sadd.s32 $0x9, s9;
	s11 =	sadd.s32 $0xA, s10;
	s12 =	sadd.s32 $0xF, s10;
	[tilespmem:v30+s30+$0x0] =	vst.idx.msk $0xffff, v19  }
0x158: {  	v15 =	vmul.u32 $0x1900, v16;
	s13 =	sadd.s32 $0xC, s10;
	s14 =	sadd.s32 $0xD, s10;
	v19 =	vmov s9;
	s9 =	sadd.s32 $0xB, s10;
	v16 =	vmov s12;
	[tilespmem:v39+s30+$0x0] =	vst.idx.msk $0xffff, v20  }
0x159: {  	s22 =	simm.s32 @!p1 $0x0;
	s12 =	sadd.s32 $0x8, s10;
	v20 =	vmov s11;
	v27 =	vmov s9;
	s9 =	sadd.s32 $0xE, s10;
	v16 =	vshrl.u32 v16, $0x3;
	[tilespmem:v33+s30+$0x0] =	vst.idx.msk $0xffff, v21  }
0x15a: {  	v15 =	vbroadcast v15, $0x0;
	v21 =	vmov s13;
	v16 =	vshll.u32 v16, v8;
	[tilespmem:v38+s30+$0x0] =	vst.idx.msk $0xffff, v22  }
0x15b: {  	v22 =	vmov s14;
	v30 =	vmov s9;
	v33 =	vbroadcast v16, $0x0;
	[tilespmem:v18+s30+$0x0] =	vst.idx.msk $0xffff, v25  }
0x15c: {  	v19 =	vshrl.u32 v19, $0x3;
	v16 =	vadd.s32 v0, v15;
	v25 =	vmov s22;
	[tilespmem:v36+s30+$0x0] =	vst.idx.msk $0xffff, v23  }
0x15d: {  	s7 =	sadd.s32 $0x100, s7;
	v20 =	vshrl.u32 v20, $0x3;
	v15 =	vadd.s32 v1, v15;
	v18 =	vadd.s32 v16, v33;
	[tilespmem:v35+s30+$0x0] =	vst.idx.msk $0xffff, v24  }
0x15e: {  	v23 =	vshrl.u32 v27, $0x3;
	v24 =	vld [tilespmem:s7+$0xFFFFFFF0];
	v27 =	vor.u32 $0x7, v18;
	v18 =	vadd.s32 v15, v33;
	[tilespmem:v17+s30+$0x0] =	vst.idx.msk $0xffff, v26  }
0x15f: {  	v21 =	vshrl.u32 v21, $0x3;
	v22 =	vshrl.u32 v22, $0x3;
	v26 =	vld [tilespmem:s7+$0x0];
	v33 =	vor.u32 $0x7, v18;
	[tilespmem:v32+s30+$0x0] =	vst.idx.msk $0xffff, v40  }
0x160: {  	v30 =	vshrl.u32 v30, $0x3;
	v25 =	vmul.u32 $0x1900, v25;
	v32 =	vmov s12;
	v18 =	vld [tilespmem:s7+$0xFFFFFF10];
	[tilespmem:v31+s30+$0x0] =	vst.idx.msk $0xffff, v37  }
0x161: {  	v35 =	vshll.u32 v20, v8;
	v23 =	vshll.u32 v23, v8;
	v31 =	vshll.u32 v19, v8;
	v17 =	vld [tilespmem:s7+$0xFFFFFF20]  }
0x162: {  	v36 =	vshll.u32 v21, v8;
	v30 =	vshll.u32 v30, v8;
	v37 =	vshll.u32 v22, v8;
	v19 =	vld [tilespmem:s7+$0xFFFFFF30]  }
0x163: {  	v21 =	vshrl.u32 v32, $0x3;
	v25 =	vadd.s32 v25, v31;
	v31 =	vbroadcast v35, $0x0;
	v20 =	vld [tilespmem:s7+$0xFFFFFF40];
	[tilespmem:v27+s30+$0x0] =	vst.idx.msk $0xffff, v24  }
0x164: {  	v40 =	vbroadcast v36, $0x0;
	v32 =	vbroadcast v23, $0x0;
	v24 =	vshll.u32 v21, v8;
	v21 =	vld [tilespmem:s7+$0xFFFFFF50];
	[tilespmem:v33+s30+$0x0] =	vst.idx.msk $0xffff, v26  }
.Ltmp2:
0x165: {  	v42 =	vbroadcast v30, $0x0;
	v33 =	vadd.s32 v16, v31;
	v26 =	vbroadcast v37, $0x0;
	v22 =	vld [tilespmem:s7+$0xFFFFFF60];
	[tilespmem:v29+s30+$0x0] =	vst.idx.msk $0xffff, v34;
	(pc) =	sbr.rel @p0 .LBB2_6-.Ltmp2, $4  }
0x166: {  	v39 =	vbroadcast v25, $0x0;
	v38 =	vadd.s32 v15, v31;
	v27 =	vbroadcast v24, $0x0;
	v25 =	vld [tilespmem:s7+$0xFFFFFF70];
	[tilespmem:v28+s30+$0x0] =	vst.idx.msk $0xffff, v41  }
0x167: {  	v35 =	vadd.s32 v16, v40;
	v36 =	vadd.s32 v15, v32;
	v37 =	vadd.s32 v16, v32;
	v23 =	vld [tilespmem:s7+$0xFFFFFF80]  }
0x168: {  	v34 =	vadd.s32 v15, v40;
	v32 =	vadd.s32 v16, v26;
	v31 =	vadd.s32 v15, v26;
	v24 =	vld [tilespmem:s7+$0xFFFFFF90]  }
0x169: {  	v30 =	vadd.s32 v9, v39;
	v29 =	vadd.s32 v16, v42;
	v28 =	vadd.s32 v15, v42;
	v26 =	vld [tilespmem:s7+$0xFFFFFFA0]  }
0x16a: {  	_ =	sdelay $0x1  }
0x16b: {  	v39 =	vadd.s32 v10, v39  }
0x16c: {  	v33 =	vor.u32 $0x2, v33  }
0x16d: {  	[tilespmem:v13+s30+$0x0] =	vst.idx.msk $0xffff, v11;
	v11 =	vor.u32 $0x3, v37  }
0x16e: {  	[tilespmem:v30+s30+$0x0] =	vst.idx.msk $0xffff, v19;
	v53 =	vor.u32 $0x4, v35  }
0x16f: {  	v55 =	vld [tilespmem:s7+$0xFFFFFFB0];
	v56 =	vor.u32 $0x5, v32;
	[tilespmem:v14+s30+$0x0] =	vst.idx.msk $0xffff, v12  }
0x170: {  	v62 =	vadd.s32 v16, v27;
	[tilespmem:v39+s30+$0x0] =	vst.idx.msk $0xffff, v20  }
0x171: {  	v38 =	vor.u32 $0x2, v38;
	[tilespmem:v33+s30+$0x0] =	vst.idx.msk $0xffff, v21  }
0x172: {  	v52 =	vor.u32 $0x3, v36;
	[tilespmem:v11+s30+$0x0] =	vst.idx.msk $0xffff, v25  }
0x173: {  	v54 =	vor.u32 $0x4, v34;
	[tilespmem:v53+s30+$0x0] =	vst.idx.msk $0xffff, v24  }
0x174: {  	v57 =	vld [tilespmem:s7+$0xFFFFFFC0];
	v58 =	vor.u32 $0x5, v31;
	[tilespmem:v56+s30+$0x0] =	vst.idx.msk $0xffff, v55  }
0x175: {  	v63 =	vadd.s32 v15, v27;
	[tilespmem:v62+s30+$0x0] =	vst.idx.msk $0xffff, v18  }
0x176: {  	v59 =	vor.u32 $0x6, v29;
	v11 =	vld [tilespmem:s7+$0xFFFFFFD0];
	[tilespmem:v38+s30+$0x0] =	vst.idx.msk $0xffff, v22  }
0x177: {  	v60 =	vld [tilespmem:s7+$0xFFFFFFE0];
	v61 =	vor.u32 $0x6, v28;
	[tilespmem:v52+s30+$0x0] =	vst.idx.msk $0xffff, v23  }
0x178: {  	[tilespmem:v54+s30+$0x0] =	vst.idx.msk $0xffff, v26  }
0x179: {  	[tilespmem:v58+s30+$0x0] =	vst.idx.msk $0xffff, v57  }
0x17a: {  	[tilespmem:v63+s30+$0x0] =	vst.idx.msk $0xffff, v17  }
0x17b: {  	[tilespmem:v59+s30+$0x0] =	vst.idx.msk $0xffff, v11  }
0x17c: {  	s22 =	simm.s32 $0x68B0;
	[tilespmem:v61+s30+$0x0] =	vst.idx.msk $0xffff, v60  }
0x17d: {  	[tilespmem:s23], [sflag:$0x2] =	stream.indirect.gather [hbm4b:s4+s20], $0x20, s22, s20, $0xb8;
	[tilespmem:$0x19000] =	vst v63  }
0x17e: {  	s26 =	rddreg [dreg:$0x6]  }
0x17f: {  	[hbm4b:s26+s3] =	stream.linear.scatter [tilespmem:s30], [sflag:$0x4], $0x1900, $0x38;
	[tilespmem:$0x19000] =	vst v63  }
0x180: {  	s31 =	rddreg [dreg:$0x7];
	s22 =	simm.s32 $0x1  }
0x181: {  	[hbm4b:s31+s3] =	stream.linear.scatter [tilespmem:s0], [sflag:$0x4], $0x1900, $0x38;
	[tilespmem:$0x19000] =	vst v63  }
.LBB2_8:
0x182: {  	p1 =	por $0x0, $0x0  }
0x183: {  	p0 =	por $0x0, $0x0;
	s7 =	simm.s32 $0xFFFFFF38;
	s8 =	simm.s32 $0xFFFFFF38  }
0x184: {  	s9 =	simm.s32 $0x1;
	s11 =	simm.s32 $0x1;
	s7 =	simm.s32 @!p1 $0x0  }
0x185: {  	s8 =	simm.s32 @!p0 $0x0;
	s9 =	simm.s32 @!p1 $0x0;
	s11 =	simm.s32 @!p0 $0x0  }
0x186: {  	s7 =	sadd.s32 $0xFFFFFFF8, s7;
	s8 =	sadd.s32 $0xFFFFFFF8, s8;
	v11 =	vmov s9;
	v20 =	vmov s11  }
0x187: {  	s14 =	sadd.s32 $0xF, s7;
	s8 =	sadd.s32 $0x9, s8;
	s10 =	sadd.s32 $0xA, s7;
	v11 =	vmul.u32 $0x1900, v11;
	v20 =	vmul.u32 $0x1900, v20  }
0x188: {  	s15 =	sadd.s32 $0xB, s7;
	s26 =	sadd.s32 $0xC, s7;
	s31 =	sadd.s32 $0xD, s7;
	v12 =	vmov s14;
	v13 =	vmov s8;
	v14 =	vmov s10  }
0x189: {  	s12 =	sadd.s32 $0xE, s7;
	v15 =	vmov s15;
	v16 =	vmov s26;
	v17 =	vmov s31  }
0x18a: {  	v18 =	vmov s12;
	v12 =	vshrl.u32 v12, $0x3;
	v11 =	vbroadcast v11, $0x0  }
0x18b: {  	v13 =	vshrl.u32 v13, $0x3;
	v14 =	vshrl.u32 v14, $0x3;
	v15 =	vshrl.u32 v15, $0x3  }
0x18c: {  	p1 =	por $0x0, $0x0;
	s8 =	simm.s32 $0xFFFFFF38;
	v18 =	vshrl.u32 v18, $0x3;
	v12 =	vshll.u32 v12, v8;
	v13 =	vshll.u32 v13, v8  }
0x18d: {  	s8 =	simm.s32 @!p1 $0x0;
	v14 =	vshll.u32 v14, v8;
	v15 =	vshll.u32 v15, v8;
	v18 =	vshll.u32 v18, v8  }
0x18e: {  	_ =	swait.ge [sflag:s24], $0x3200;
	s8 =	sadd.s32 $0x0, s8;
	v12 =	vbroadcast v12, $0x0;
	v19 =	vadd.s32 v0, v11;
	v21 =	vadd.s32 v1, v11  }
0x18f: {  	[sflag:s24] =	ssyncset.done $0x0;
	v14 =	vbroadcast v14, $0x0;
	v13 =	vadd.s32 v20, v13;
	v15 =	vbroadcast v15, $0x0;
	s15 =	sadd.s32 $0xB, s8  }
0x190: {  	[sflag:s24] =	ssyncadd.s32 $0xFFFFCE00;
	v18 =	vbroadcast v18, $0x0;
	s26 =	sadd.s32 $0xC, s8;
	s12 =	sadd.s32 $0xE, s8;
	v13 =	vbroadcast v13, $0x0;
	v56 =	vmov s15  }
0x191: {  	_ =	swait.ge [sflag:s1], $0x3200;
	v58 =	vmov s26;
	v59 =	vmov s12;
	v11 =	vadd.s32 v19, v12  }
0x192: {  	s7 =	sadd.s32 $0x8, s7;
	[sflag:s1] =	ssyncset.done $0x0;
	v22 =	vor.u32 $0x7, v11;
	v11 =	vadd.s32 v21, v12;
	v12 =	vshrl.u32 v16, $0x3  }
0x193: {  	[sflag:s1] =	ssyncadd.s32 $0xFFFFCE00;
	v16 =	vshrl.u32 v17, $0x3;
	v17 =	vor.u32 $0x7, v11;
	v11 =	vmov s7;
	s7 =	simm.s32 $0xC880  }
0x194: {  	v25 =	vadd.s32 v19, v14;
	v14 =	vadd.s32 v21, v14;
	v27 =	vadd.s32 v19, v15;
	v23 =	vld [tilespmem:s7+$0x60]  }
0x195: {  	v15 =	vadd.s32 v21, v15;
	v32 =	vadd.s32 v19, v18;
	v12 =	vshll.u32 v12, v8;
	v24 =	vld [tilespmem:s7+$0x70]  }
0x196: {  	v18 =	vadd.s32 v21, v18;
	v62 =	vshrl.u32 v59, $0x3;
	v20 =	vbroadcast v12, $0x0;
	v12 =	vld [tilespmem:s7+$0xFFFFFF90]  }
0x197: {  	v31 =	vadd.s32 v9, v13;
	v34 =	vadd.s32 v10, v13;
	v25 =	vor.u32 $0x2, v25;
	v30 =	vld [tilespmem:s7+$0xFFFFFFA0]  }
0x198: {  	v36 =	vor.u32 $0x2, v14;
	v27 =	vor.u32 $0x3, v27;
	v16 =	vshll.u32 v16, v8;
	v35 =	vld [tilespmem:s7+$0xFFFFFFC0]  }
0x199: {  	v15 =	vor.u32 $0x3, v15;
	v11 =	vshrl.u32 v11, $0x3;
	v16 =	vbroadcast v16, $0x0;
	v33 =	vld [tilespmem:s7+$0xFFFFFFB0]  }
0x19a: {  	p0 =	por $0x0, $0x0;
	s9 =	simm.s32 $0xFFFFFF38;
	v55 =	vor.u32 $0x6, v18;
	v18 =	vld [tilespmem:s7+$0x0];
	v11 =	vshll.u32 v11, v8;
	v28 =	vadd.s32 v19, v20  }
0x19b: {  	s9 =	simm.s32 @!p0 $0x0;
	v26 =	vbroadcast v11, $0x0;
	v20 =	vadd.s32 v21, v20;
	v29 =	vadd.s32 v19, v16;
	[tilespmem:v22+s25+$0x0] =	vst.idx.msk $0xffff, v23;
	v22 =	vld [tilespmem:s7+$0xFFFFFFD0]  }
0x19c: {  	s9 =	sadd.s32 $0x0, s9;
	v40 =	vld [tilespmem:s7+$0x50];
	v16 =	vadd.s32 v21, v16;
	v20 =	vor.u32 $0x4, v20;
	v23 =	vor.u32 $0x4, v28  }
0x19d: {  	s10 =	simm.s32 $0x1;
	s9 =	sadd.s32 $0x9, s9;
	s13 =	sadd.s32 $0xF, s8;
	v13 =	vadd.s32 v19, v26;
	v14 =	vadd.s32 v21, v26;
	v28 =	vor.u32 $0x5, v29;
	[tilespmem:v25+s25+$0x0] =	vst.idx.msk $0xffff, v35;
	v25 =	vld [tilespmem:s7+$0x20]  }
0x19e: {  	s10 =	simm.s32 @!p1 $0x0;
	s14 =	sadd.s32 $0xA, s8;
	v21 =	vmov s9;
	v26 =	vmov s13;
	v29 =	vor.u32 $0x6, v32;
	[tilespmem:v17+s25+$0x0] =	vst.idx.msk $0xffff, v24;
	v17 =	vld [tilespmem:s7+$0xFFFFFFE0]  }
0x19f: {  	[tilespmem:v31+s25+$0x0] =	vst.idx.msk $0xffff, v30;
	v30 =	vld [tilespmem:s7+$0x10];
	v31 =	vmov s14;
	v24 =	vor.u32 $0x5, v16;
	v16 =	vmov s10  }
0x1a0: {  	v19 =	vld [tilespmem:s7+$0xFFFFFFF0];
	v21 =	vshrl.u32 v21, $0x3;
	v35 =	vshll.u32 v62, v8;
	v16 =	vmul.u32 $0x1900, v16;
	[tilespmem:v36+s25+$0x0] =	vst.idx.msk $0xffff, v22  }
0x1a1: {  	s31 =	sadd.s32 $0xD, s8;
	v11 =	vld [tilespmem:s7+$0xFFFFFF80];
	v26 =	vshrl.u32 v26, $0x3;
	v21 =	vshll.u32 v21, v8;
	v42 =	vbroadcast v35, $0x0;
	[tilespmem:v23+s25+$0x0] =	vst.idx.msk $0xffff, v18  }
0x1a2: {  	s11 =	simm.s32 $0x1;
	v57 =	vbroadcast v16, $0x0;
	v16 =	vshll.u32 v26, v8;
	v26 =	vmov s31;
	v22 =	vld [tilespmem:s7+$0x30];
	[tilespmem:v28+s25+$0x0] =	vst.idx.msk $0xffff, v25  }
0x1a3: {  	s11 =	simm.s32 @!p0 $0x0;
	s8 =	sadd.s32 $0x8, s8;
	v37 =	vbroadcast v16, $0x0;
	v23 =	vshrl.u32 v56, $0x3;
	v26 =	vshrl.u32 v26, $0x3;
	[tilespmem:v27+s25+$0x0] =	vst.idx.msk $0xffff, v17;
	v27 =	vld [tilespmem:s7+$0x40];
	s7 =	simm.s32 $0xC980  }
0x1a4: {  	v25 =	vmov s8;
	v16 =	vadd.s32 v0, v57;
	v17 =	vmov s11;
	[tilespmem:v20+s25+$0x0] =	vst.idx.msk $0xffff, v30;
	v60 =	vld [tilespmem:s7+$0x60]  }
0x1a5: {  	v23 =	vshll.u32 v23, v8;
	[tilespmem:v15+s25+$0x0] =	vst.idx.msk $0xffff, v19;
	v15 =	vadd.s32 v1, v57;
	v19 =	vshrl.u32 v31, $0x3;
	v30 =	vld [tilespmem:s7+$0x70]  }
0x1a6: {  	v31 =	vadd.s32 v16, v37;
	v28 =	vmul.u32 $0x1900, v17;
	v17 =	vld [tilespmem:s7+$0xFFFFFF90];
	v18 =	vadd.s32 v15, v37  }
0x1a7: {  	v26 =	vshll.u32 v26, v8;
	v31 =	vor.u32 $0x7, v31;
	v61 =	vor.u32 $0x7, v18;
	v18 =	vld [tilespmem:s7+$0xFFFFFF80]  }
0x1a8: {  	[tilespmem:v34+s25+$0x0] =	vst.idx.msk $0xffff, v33;
	v25 =	vshrl.u32 v25, $0x3;
	v26 =	vbroadcast v26, $0x0;
	v28 =	vadd.s32 v28, v21;
	v21 =	vld [tilespmem:s7+$0xFFFFFFC0]  }
0x1a9: {  	v20 =	vshrl.u32 v58, $0x3;
	v25 =	vshll.u32 v25, v8;
	[tilespmem:v24+s25+$0x0] =	vst.idx.msk $0xffff, v22;
	v22 =	vshll.u32 v19, v8;
	v19 =	vld [tilespmem:s7+$0xFFFFFFA0]  }
0x1aa: {  	v32 =	vadd.s32 v16, v26;
	v24 =	vshll.u32 v20, v8;
	v20 =	vld [tilespmem:s7+$0xFFFFFFB0];
	v39 =	vbroadcast v28, $0x0;
	[tilespmem:v29+s25+$0x0] =	vst.idx.msk $0xffff, v27  }
0x1ab: {  	v28 =	vadd.s32 v15, v42;
	v63 =	vbroadcast v22, $0x0;
	v41 =	vbroadcast v24, $0x0;
	v22 =	vld [tilespmem:s7+$0xFFFFFFD0];
	[tilespmem:v55+s25+$0x0] =	vst.idx.msk $0xffff, v40  }
0x1ac: {  	v27 =	vbroadcast v25, $0x0;
	v25 =	vld [tilespmem:s7+$0xFFFFFFE0];
	v29 =	vadd.s32 v16, v42;
	[tilespmem:v31+s25+$0x0] =	vst.idx.msk $0xffff, v60;
	v31 =	vbroadcast v23, $0x0  }
0x1ad: {  	v24 =	vld [tilespmem:s7+$0x0];
	v33 =	vadd.s32 v16, v63;
	v38 =	vadd.s32 v15, v63;
	v35 =	vadd.s32 v16, v41  }
0x1ae: {  	v23 =	vld [tilespmem:s7+$0xFFFFFFF0];
	v34 =	vadd.s32 v15, v41;
	[tilespmem:v61+s25+$0x0] =	vst.idx.msk $0xffff, v30;
	v30 =	vadd.s32 v9, v39  }
0x1af: {  	s8 =	simm.s32 $0x8;
	v37 =	vadd.s32 v16, v31;
	v36 =	vadd.s32 v15, v31;
	v31 =	vadd.s32 v15, v26;
	v26 =	vld [tilespmem:s7+$0x10]  }
.LBB2_9:
0x1b0: {  	s9 =	smov.u32 s8;
	s8 =	sadd.s32 $0x8, s8  }
0x1b1: {  	v39 =	vadd.s32 v10, v39;
	v33 =	vor.u32 $0x2, v33;
	v38 =	vor.u32 $0x2, v38;
	v40 =	vld [tilespmem:s7+$0x20];
	[tilespmem:v13+s25+$0x0] =	vst.idx.msk $0xffff, v11;
	v11 =	vmovc v18;
	s10 =	simm.s32 $0xFFFFFF38;
	s11 =	simm.s32 $0xFFFFFF38;
	s12 =	simm.s32 $0x1  }
0x1b2: {  	v18 =	vor.u32 $0x3, v37;
	v36 =	vor.u32 $0x3, v36;
	v35 =	vor.u32 $0x4, v35;
	p2 =	sgt.u32 s8, $0xC7;
	p1 =	sgt.u32 s8, $0xC6;
	p0 =	slt.u32 s8, $0x188;
	v37 =	vld [tilespmem:s7+$0x30];
	[tilespmem:v14+s25+$0x0] =	vst.idx.msk $0xffff, v12;
	v12 =	vmovc v17  }
0x1b3: {  	v32 =	vor.u32 $0x5, v32;
	v31 =	vor.u32 $0x5, v31;
	s26 =	simm.s32 $0x1;
	v17 =	vor.u32 $0x4, v34;
	s10 =	simm.s32 @!p2 $0x0;
	s11 =	simm.s32 @!p1 $0x0;
	v34 =	vld [tilespmem:s7+$0x40]  }
0x1b4: {  	v13 =	vadd.s32 v16, v27;
	v29 =	vor.u32 $0x6, v29;
	v28 =	vor.u32 $0x6, v28;
	s12 =	simm.s32 @!p2 $0x0;
	s10 =	sadd.s32 s9, s10;
	s9 =	sadd.s32 s9, s11;
	v41 =	vld [tilespmem:s7+$0x50]  }
0x1b5: {  	v14 =	vadd.s32 v15, v27;
	v16 =	vmov s12;
	s9 =	sadd.s32 $0x9, s9;
	s11 =	sadd.s32 $0xA, s10;
	s12 =	sadd.s32 $0xF, s10;
	[tilespmem:v30+s25+$0x0] =	vst.idx.msk $0xffff, v19  }
0x1b6: {  	v15 =	vmul.u32 $0x1900, v16;
	s13 =	sadd.s32 $0xC, s10;
	s14 =	sadd.s32 $0xD, s10;
	v19 =	vmov s9;
	s9 =	sadd.s32 $0xB, s10;
	v16 =	vmov s12;
	[tilespmem:v39+s25+$0x0] =	vst.idx.msk $0xffff, v20  }
0x1b7: {  	s26 =	simm.s32 @!p1 $0x0;
	s12 =	sadd.s32 $0x8, s10;
	v20 =	vmov s11;
	v27 =	vmov s9;
	s9 =	sadd.s32 $0xE, s10;
	v16 =	vshrl.u32 v16, $0x3;
	[tilespmem:v33+s25+$0x0] =	vst.idx.msk $0xffff, v21  }
0x1b8: {  	v15 =	vbroadcast v15, $0x0;
	v21 =	vmov s13;
	v16 =	vshll.u32 v16, v8;
	[tilespmem:v38+s25+$0x0] =	vst.idx.msk $0xffff, v22  }
0x1b9: {  	v22 =	vmov s14;
	v30 =	vmov s9;
	v33 =	vbroadcast v16, $0x0;
	[tilespmem:v18+s25+$0x0] =	vst.idx.msk $0xffff, v25  }
0x1ba: {  	v19 =	vshrl.u32 v19, $0x3;
	v16 =	vadd.s32 v0, v15;
	v25 =	vmov s26;
	[tilespmem:v36+s25+$0x0] =	vst.idx.msk $0xffff, v23  }
0x1bb: {  	s7 =	sadd.s32 $0x100, s7;
	v20 =	vshrl.u32 v20, $0x3;
	v15 =	vadd.s32 v1, v15;
	v18 =	vadd.s32 v16, v33;
	[tilespmem:v35+s25+$0x0] =	vst.idx.msk $0xffff, v24  }
0x1bc: {  	v23 =	vshrl.u32 v27, $0x3;
	v24 =	vld [tilespmem:s7+$0x60];
	v27 =	vor.u32 $0x7, v18;
	v18 =	vadd.s32 v15, v33;
	[tilespmem:v17+s25+$0x0] =	vst.idx.msk $0xffff, v26  }
0x1bd: {  	v21 =	vshrl.u32 v21, $0x3;
	v22 =	vshrl.u32 v22, $0x3;
	v26 =	vld [tilespmem:s7+$0x70];
	v33 =	vor.u32 $0x7, v18;
	[tilespmem:v32+s25+$0x0] =	vst.idx.msk $0xffff, v40  }
0x1be: {  	v30 =	vshrl.u32 v30, $0x3;
	v25 =	vmul.u32 $0x1900, v25;
	v32 =	vmov s12;
	v18 =	vld [tilespmem:s7+$0xFFFFFF80];
	[tilespmem:v31+s25+$0x0] =	vst.idx.msk $0xffff, v37  }
0x1bf: {  	v35 =	vshll.u32 v20, v8;
	v23 =	vshll.u32 v23, v8;
	v31 =	vshll.u32 v19, v8;
	v17 =	vld [tilespmem:s7+$0xFFFFFF90]  }
0x1c0: {  	v36 =	vshll.u32 v21, v8;
	v30 =	vshll.u32 v30, v8;
	v37 =	vshll.u32 v22, v8;
	v19 =	vld [tilespmem:s7+$0xFFFFFFA0]  }
0x1c1: {  	v21 =	vshrl.u32 v32, $0x3;
	v25 =	vadd.s32 v25, v31;
	v31 =	vbroadcast v35, $0x0;
	v20 =	vld [tilespmem:s7+$0xFFFFFFB0];
	[tilespmem:v27+s25+$0x0] =	vst.idx.msk $0xffff, v24  }
0x1c2: {  	v40 =	vbroadcast v36, $0x0;
	v32 =	vbroadcast v23, $0x0;
	v24 =	vshll.u32 v21, v8;
	v21 =	vld [tilespmem:s7+$0xFFFFFFC0];
	[tilespmem:v33+s25+$0x0] =	vst.idx.msk $0xffff, v26  }
.Ltmp3:
0x1c3: {  	v42 =	vbroadcast v30, $0x0;
	v33 =	vadd.s32 v16, v31;
	v26 =	vbroadcast v37, $0x0;
	v22 =	vld [tilespmem:s7+$0xFFFFFFD0];
	[tilespmem:v29+s25+$0x0] =	vst.idx.msk $0xffff, v34;
	(pc) =	sbr.rel @p0 .LBB2_9-.Ltmp3, $4  }
0x1c4: {  	v39 =	vbroadcast v25, $0x0;
	v38 =	vadd.s32 v15, v31;
	v27 =	vbroadcast v24, $0x0;
	v25 =	vld [tilespmem:s7+$0xFFFFFFE0];
	[tilespmem:v28+s25+$0x0] =	vst.idx.msk $0xffff, v41  }
0x1c5: {  	v35 =	vadd.s32 v16, v40;
	v36 =	vadd.s32 v15, v32;
	v37 =	vadd.s32 v16, v32;
	v23 =	vld [tilespmem:s7+$0xFFFFFFF0]  }
0x1c6: {  	v34 =	vadd.s32 v15, v40;
	v32 =	vadd.s32 v16, v26;
	v31 =	vadd.s32 v15, v26;
	v24 =	vld [tilespmem:s7+$0x0]  }
0x1c7: {  	v30 =	vadd.s32 v9, v39;
	v29 =	vadd.s32 v16, v42;
	v28 =	vadd.s32 v15, v42;
	v26 =	vld [tilespmem:s7+$0x10]  }
0x1c8: {  	_ =	sdelay $0x1  }
0x1c9: {  	v39 =	vadd.s32 v10, v39  }
0x1ca: {  	v33 =	vor.u32 $0x2, v33  }
0x1cb: {  	[tilespmem:v13+s25+$0x0] =	vst.idx.msk $0xffff, v11;
	v11 =	vor.u32 $0x3, v37  }
0x1cc: {  	[tilespmem:v30+s25+$0x0] =	vst.idx.msk $0xffff, v19;
	v13 =	vor.u32 $0x4, v35  }
0x1cd: {  	v38 =	vor.u32 $0x2, v38;
	[tilespmem:v14+s25+$0x0] =	vst.idx.msk $0xffff, v12  }
0x1ce: {  	v12 =	vor.u32 $0x3, v36;
	[tilespmem:v39+s25+$0x0] =	vst.idx.msk $0xffff, v20  }
0x1cf: {  	v14 =	vor.u32 $0x4, v34;
	[tilespmem:v33+s25+$0x0] =	vst.idx.msk $0xffff, v21  }
0x1d0: {  	v19 =	vld [tilespmem:s7+$0x20];
	v20 =	vor.u32 $0x5, v32;
	[tilespmem:v11+s25+$0x0] =	vst.idx.msk $0xffff, v25  }
0x1d1: {  	v11 =	vld [tilespmem:s7+$0x40];
	v25 =	vor.u32 $0x6, v29;
	[tilespmem:v13+s25+$0x0] =	vst.idx.msk $0xffff, v24  }
0x1d2: {  	v13 =	vadd.s32 v16, v27;
	[tilespmem:v38+s25+$0x0] =	vst.idx.msk $0xffff, v22  }
0x1d3: {  	v21 =	vld [tilespmem:s7+$0x30];
	v22 =	vor.u32 $0x5, v31;
	[tilespmem:v12+s25+$0x0] =	vst.idx.msk $0xffff, v23  }
0x1d4: {  	v12 =	vld [tilespmem:s7+$0x50];
	v23 =	vor.u32 $0x6, v28;
	[tilespmem:v14+s25+$0x0] =	vst.idx.msk $0xffff, v26  }
0x1d5: {  	s8 =	sshll.u32 s22, $0x2;
	v14 =	vadd.s32 v15, v27;
	[tilespmem:v20+s25+$0x0] =	vst.idx.msk $0xffff, v19  }
0x1d6: {  	s10 =	smul.u32 $0xC80, s22;
	s31 =	sor.u32 s5, s8;
	[tilespmem:v25+s25+$0x0] =	vst.idx.msk $0xffff, v11  }
0x1d7: {  	s8 =	smul.u32 $0x320, s31;
	[tilespmem:v13+s25+$0x0] =	vst.idx.msk $0xffff, v18  }
0x1d8: {  	p1 =	por $0x0, $0x0;
	p0 =	por $0x0, $0x0;
	s9 =	simm.s32 $0x1;
	[tilespmem:v22+s25+$0x0] =	vst.idx.msk $0xffff, v21  }
0x1d9: {  	s26 =	sshra.s32 s10, $0x2;
	s11 =	sadd.s32 s2, s8;
	s8 =	simm.s32 $0xFFFFFF38;
	[tilespmem:v23+s25+$0x0] =	vst.idx.msk $0xffff, v12  }
0x1da: {  	s9 =	simm.s32 @!p1 $0x0;
	s8 =	simm.s32 @!p0 $0x0;
	s7 =	sadd.s32 $0x6720, s26;
	[tilespmem:v14+s25+$0x0] =	vst.idx.msk $0xffff, v17  }
0x1db: {  	v11 =	vmov s9;
	[tilespmem:s21], [sflag:$0x1] =	stream.indirect.gather [hbm4b:s4+s20], $0x20, s7, s20, $0xb8;
	[tilespmem:$0x19000] =	vst v63  }
0x1dc: {  	s8 =	sadd.s32 $0xFFFFFFF8, s8;
	v11 =	vmul.u32 $0x1900, v11;
	s7 =	simm.s32 $0xFFFFFF38  }
0x1dd: {  	s13 =	smul.u32 $0x1900, s31;
	s8 =	sadd.s32 $0x9, s8;
	s7 =	simm.s32 @!p1 $0x0  }
0x1de: {  	v13 =	vmov s8;
	v11 =	vbroadcast v11, $0x0;
	[hbm4b:s11+s3] =	stream.linear.scatter [tilespmem:s25], [sflag:$0x3], $0x1900, $0x38;
	[tilespmem:$0x19000] =	vst v63  }
0x1df: {  	s9 =	sshrl.u32 s13, $0x3;
	v13 =	vshrl.u32 v13, $0x3;
	s7 =	sadd.s32 $0xFFFFFFF8, s7  }
0x1e0: {  	s8 =	sadd.s32 s2, s9;
	v13 =	vshll.u32 v13, v8;
	s12 =	sadd.s32 $0xF, s7;
	s10 =	sadd.s32 $0xA, s7;
	v19 =	vadd.s32 v0, v11  }
0x1e1: {  	s14 =	sadd.s32 $0xB, s7;
	s15 =	sadd.s32 $0xC, s7;
	s11 =	sadd.s32 $0xD, s7;
	v21 =	vadd.s32 v1, v11;
	v12 =	vmov s12;
	v14 =	vmov s10  }
0x1e2: {  	s8 =	sadd.s32 $0x320, s8;
	s13 =	sadd.s32 $0xE, s7;
	s12 =	simm.s32 $0x1;
	v15 =	vmov s14;
	v16 =	vmov s15;
	v17 =	vmov s11  }
0x1e3: {  	v18 =	vmov s13;
	[hbm4b:s8+s3] =	stream.linear.scatter [tilespmem:s28], [sflag:$0x3], $0x1900, $0x38;
	v12 =	vshrl.u32 v12, $0x3;
	v14 =	vshrl.u32 v14, $0x3;
	[tilespmem:$0x19000] =	vst v63  }
0x1e4: {  	p1 =	por $0x0, $0x0;
	s8 =	simm.s32 $0xFFFFFF38;
	s12 =	simm.s32 @!p0 $0x0;
	v15 =	vshrl.u32 v15, $0x3;
	v18 =	vshrl.u32 v18, $0x3;
	v12 =	vshll.u32 v12, v8  }
0x1e5: {  	s8 =	simm.s32 @!p1 $0x0;
	v20 =	vmov s12;
	v14 =	vshll.u32 v14, v8;
	v15 =	vshll.u32 v15, v8  }
0x1e6: {  	_ =	swait.ge [sflag:s29], $0x3200;
	v18 =	vshll.u32 v18, v8;
	s8 =	sadd.s32 $0x0, s8;
	v12 =	vbroadcast v12, $0x0;
	v14 =	vbroadcast v14, $0x0  }
0x1e7: {  	[sflag:s29] =	ssyncset.done $0x0;
	v20 =	vmul.u32 $0x1900, v20;
	v15 =	vbroadcast v15, $0x0;
	v18 =	vbroadcast v18, $0x0;
	s12 =	sadd.s32 $0xB, s8;
	s13 =	sadd.s32 $0xC, s8  }
0x1e8: {  	[sflag:s29] =	ssyncadd.s32 $0xFFFFCE00;
	v55 =	vmov s12;
	v57 =	vmov s13;
	v11 =	vadd.s32 v19, v12  }
0x1e9: {  	_ =	swait.ge [sflag:s16], $0x3200;
	v13 =	vadd.s32 v20, v13;
	v25 =	vadd.s32 v19, v14;
	v14 =	vadd.s32 v21, v14  }
0x1ea: {  	s7 =	sadd.s32 $0x8, s7;
	[sflag:s16] =	ssyncset.done $0x0;
	v22 =	vor.u32 $0x7, v11;
	v11 =	vadd.s32 v21, v12;
	v12 =	vshrl.u32 v16, $0x3  }
0x1eb: {  	v16 =	vshrl.u32 v17, $0x3;
	[sflag:s16] =	ssyncadd.s32 $0xFFFFCE00;
	v17 =	vor.u32 $0x7, v11;
	v11 =	vmov s7;
	s7 =	simm.s32 $0xFAF0  }
0x1ec: {  	v27 =	vadd.s32 v19, v15;
	v15 =	vadd.s32 v21, v15;
	v49 =	vadd.s32 v19, v18;
	v23 =	vld [tilespmem:s7+$0xFFFFFFF0]  }
0x1ed: {  	v18 =	vadd.s32 v21, v18;
	v13 =	vbroadcast v13, $0x0;
	v12 =	vshll.u32 v12, v8;
	v24 =	vld [tilespmem:s7+$0x0]  }
0x1ee: {  	v25 =	vor.u32 $0x2, v25;
	v53 =	vor.u32 $0x2, v14;
	v20 =	vbroadcast v12, $0x0;
	v12 =	vld [tilespmem:s7+$0xFFFFFF20]  }
0x1ef: {  	v27 =	vor.u32 $0x3, v27;
	v15 =	vor.u32 $0x3, v15;
	v30 =	vld [tilespmem:s7+$0xFFFFFF30];
	v31 =	vadd.s32 v9, v13  }
0x1f0: {  	v54 =	vor.u32 $0x6, v18;
	v16 =	vshll.u32 v16, v8;
	v11 =	vshrl.u32 v11, $0x3;
	v52 =	vld [tilespmem:s7+$0xFFFFFF50]  }
0x1f1: {  	s9 =	simm.s32 $0xFFFFFF38;
	p0 =	por $0x0, $0x0;
	v16 =	vbroadcast v16, $0x0;
	v50 =	vld [tilespmem:s7+$0xFFFFFF40];
	v51 =	vadd.s32 v10, v13;
	v11 =	vshll.u32 v11, v8  }
0x1f2: {  	s9 =	simm.s32 @!p0 $0x0;
	v18 =	vld [tilespmem:s7+$0xFFFFFF90];
	v26 =	vbroadcast v11, $0x0;
	v28 =	vadd.s32 v19, v20;
	v20 =	vadd.s32 v21, v20  }
0x1f3: {  	s9 =	sadd.s32 $0x0, s9;
	v29 =	vadd.s32 v19, v16;
	v16 =	vadd.s32 v21, v16;
	v20 =	vor.u32 $0x4, v20;
	[tilespmem:v22+s30+$0x0] =	vst.idx.msk $0xffff, v23;
	v22 =	vld [tilespmem:s7+$0xFFFFFF60]  }
0x1f4: {  	s10 =	simm.s32 $0x1;
	s14 =	sadd.s32 $0xF, s8;
	s9 =	sadd.s32 $0x9, s9;
	v40 =	vld [tilespmem:s7+$0xFFFFFFE0];
	v13 =	vadd.s32 v19, v26;
	v14 =	vadd.s32 v21, v26;
	v23 =	vor.u32 $0x4, v28;
	[tilespmem:v31+s30+$0x0] =	vst.idx.msk $0xffff, v30  }
0x1f5: {  	s10 =	simm.s32 @!p1 $0x0;
	s15 =	sadd.s32 $0xA, s8;
	v21 =	vmov s9;
	v26 =	vmov s14;
	v28 =	vor.u32 $0x5, v29;
	[tilespmem:v25+s30+$0x0] =	vst.idx.msk $0xffff, v52;
	v25 =	vld [tilespmem:s7+$0xFFFFFFB0]  }
0x1f6: {  	v31 =	vmov s15;
	s15 =	sadd.s32 $0xE, s8;
	[tilespmem:v17+s30+$0x0] =	vst.idx.msk $0xffff, v24;
	v17 =	vld [tilespmem:s7+$0xFFFFFF70];
	v24 =	vor.u32 $0x5, v16;
	v16 =	vmov s10  }
0x1f7: {  	v29 =	vor.u32 $0x6, v49;
	v30 =	vld [tilespmem:s7+$0xFFFFFFA0];
	v58 =	vmov s15;
	v16 =	vmul.u32 $0x1900, v16  }
0x1f8: {  	v19 =	vld [tilespmem:s7+$0xFFFFFF80];
	v26 =	vshrl.u32 v26, $0x3;
	v21 =	vshrl.u32 v21, $0x3;
	v62 =	vshrl.u32 v58, $0x3;
	[tilespmem:v53+s30+$0x0] =	vst.idx.msk $0xffff, v22  }
0x1f9: {  	v11 =	vld [tilespmem:s7+$0xFFFFFF10];
	s14 =	sadd.s32 $0xD, s8;
	v21 =	vshll.u32 v21, v8;
	v35 =	vshll.u32 v62, v8;
	v56 =	vbroadcast v16, $0x0;
	[tilespmem:v23+s30+$0x0] =	vst.idx.msk $0xffff, v18  }
0x1fa: {  	s11 =	simm.s32 $0x1;
	v16 =	vshll.u32 v26, v8;
	v26 =	vmov s14;
	v42 =	vbroadcast v35, $0x0;
	v22 =	vld [tilespmem:s7+$0xFFFFFFC0];
	[tilespmem:v28+s30+$0x0] =	vst.idx.msk $0xffff, v25  }
0x1fb: {  	s11 =	simm.s32 @!p0 $0x0;
	s8 =	sadd.s32 $0x8, s8;
	v59 =	vbroadcast v16, $0x0;
	v23 =	vshrl.u32 v55, $0x3;
	v26 =	vshrl.u32 v26, $0x3;
	[tilespmem:v27+s30+$0x0] =	vst.idx.msk $0xffff, v17;
	v27 =	vld [tilespmem:s7+$0xFFFFFFD0];
	s7 =	simm.s32 $0xFBF0  }
0x1fc: {  	v25 =	vmov s8;
	v16 =	vadd.s32 v0, v56;
	v17 =	vmov s11;
	[tilespmem:v20+s30+$0x0] =	vst.idx.msk $0xffff, v30;
	v60 =	vld [tilespmem:s7+$0xFFFFFFF0]  }
0x1fd: {  	v23 =	vshll.u32 v23, v8;
	[tilespmem:v15+s30+$0x0] =	vst.idx.msk $0xffff, v19;
	v15 =	vadd.s32 v1, v56;
	v19 =	vshrl.u32 v31, $0x3;
	v30 =	vld [tilespmem:s7+$0x0]  }
0x1fe: {  	v31 =	vadd.s32 v16, v59;
	v28 =	vmul.u32 $0x1900, v17;
	v17 =	vld [tilespmem:s7+$0xFFFFFF20];
	v18 =	vadd.s32 v15, v59  }
0x1ff: {  	v26 =	vshll.u32 v26, v8;
	v31 =	vor.u32 $0x7, v31;
	v61 =	vor.u32 $0x7, v18;
	v18 =	vld [tilespmem:s7+$0xFFFFFF10]  }
0x200: {  	[tilespmem:v51+s30+$0x0] =	vst.idx.msk $0xffff, v50;
	v25 =	vshrl.u32 v25, $0x3;
	v26 =	vbroadcast v26, $0x0;
	v28 =	vadd.s32 v28, v21;
	v21 =	vld [tilespmem:s7+$0xFFFFFF50]  }
0x201: {  	v20 =	vshrl.u32 v57, $0x3;
	v25 =	vshll.u32 v25, v8;
	[tilespmem:v24+s30+$0x0] =	vst.idx.msk $0xffff, v22;
	v22 =	vshll.u32 v19, v8;
	v19 =	vld [tilespmem:s7+$0xFFFFFF30]  }
0x202: {  	v32 =	vadd.s32 v16, v26;
	v24 =	vshll.u32 v20, v8;
	v20 =	vld [tilespmem:s7+$0xFFFFFF40];
	v39 =	vbroadcast v28, $0x0;
	[tilespmem:v29+s30+$0x0] =	vst.idx.msk $0xffff, v27  }
0x203: {  	v28 =	vadd.s32 v15, v42;
	v63 =	vbroadcast v22, $0x0;
	v41 =	vbroadcast v24, $0x0;
	v22 =	vld [tilespmem:s7+$0xFFFFFF60];
	[tilespmem:v54+s30+$0x0] =	vst.idx.msk $0xffff, v40  }
0x204: {  	v27 =	vbroadcast v25, $0x0;
	v25 =	vld [tilespmem:s7+$0xFFFFFF70];
	v29 =	vadd.s32 v16, v42;
	[tilespmem:v31+s30+$0x0] =	vst.idx.msk $0xffff, v60;
	v31 =	vbroadcast v23, $0x0  }
0x205: {  	v24 =	vld [tilespmem:s7+$0xFFFFFF90];
	v33 =	vadd.s32 v16, v63;
	v38 =	vadd.s32 v15, v63;
	v35 =	vadd.s32 v16, v41  }
0x206: {  	v23 =	vld [tilespmem:s7+$0xFFFFFF80];
	v34 =	vadd.s32 v15, v41;
	[tilespmem:v61+s30+$0x0] =	vst.idx.msk $0xffff, v30;
	v30 =	vadd.s32 v9, v39  }
0x207: {  	s8 =	simm.s32 $0x8;
	v37 =	vadd.s32 v16, v31;
	v36 =	vadd.s32 v15, v31;
	v31 =	vadd.s32 v15, v26;
	v26 =	vld [tilespmem:s7+$0xFFFFFFA0]  }
.LBB2_11:
0x208: {  	s9 =	smov.u32 s8;
	s8 =	sadd.s32 $0x8, s8  }
0x209: {  	v39 =	vadd.s32 v10, v39;
	v33 =	vor.u32 $0x2, v33;
	v38 =	vor.u32 $0x2, v38;
	v40 =	vld [tilespmem:s7+$0xFFFFFFB0];
	[tilespmem:v13+s30+$0x0] =	vst.idx.msk $0xffff, v11;
	v11 =	vmovc v18;
	s10 =	simm.s32 $0xFFFFFF38;
	s11 =	simm.s32 $0xFFFFFF38;
	s12 =	simm.s32 $0x1  }
0x20a: {  	v18 =	vor.u32 $0x3, v37;
	v36 =	vor.u32 $0x3, v36;
	v35 =	vor.u32 $0x4, v35;
	p2 =	sgt.u32 s8, $0xC7;
	p1 =	sgt.u32 s8, $0xC6;
	p0 =	slt.u32 s8, $0x188;
	v37 =	vld [tilespmem:s7+$0xFFFFFFC0];
	[tilespmem:v14+s30+$0x0] =	vst.idx.msk $0xffff, v12;
	v12 =	vmovc v17  }
0x20b: {  	v32 =	vor.u32 $0x5, v32;
	v31 =	vor.u32 $0x5, v31;
	s15 =	simm.s32 $0x1;
	v17 =	vor.u32 $0x4, v34;
	s10 =	simm.s32 @!p2 $0x0;
	s11 =	simm.s32 @!p1 $0x0;
	v34 =	vld [tilespmem:s7+$0xFFFFFFD0]  }
0x20c: {  	v13 =	vadd.s32 v16, v27;
	v29 =	vor.u32 $0x6, v29;
	v28 =	vor.u32 $0x6, v28;
	s12 =	simm.s32 @!p2 $0x0;
	s10 =	sadd.s32 s9, s10;
	s9 =	sadd.s32 s9, s11;
	v41 =	vld [tilespmem:s7+$0xFFFFFFE0]  }
0x20d: {  	v14 =	vadd.s32 v15, v27;
	v16 =	vmov s12;
	s9 =	sadd.s32 $0x9, s9;
	s11 =	sadd.s32 $0xA, s10;
	s12 =	sadd.s32 $0xF, s10;
	[tilespmem:v30+s30+$0x0] =	vst.idx.msk $0xffff, v19  }
0x20e: {  	v15 =	vmul.u32 $0x1900, v16;
	s13 =	sadd.s32 $0xC, s10;
	s14 =	sadd.s32 $0xD, s10;
	v19 =	vmov s9;
	s9 =	sadd.s32 $0xB, s10;
	v16 =	vmov s12;
	[tilespmem:v39+s30+$0x0] =	vst.idx.msk $0xffff, v20  }
0x20f: {  	s15 =	simm.s32 @!p1 $0x0;
	s12 =	sadd.s32 $0x8, s10;
	v20 =	vmov s11;
	v27 =	vmov s9;
	s9 =	sadd.s32 $0xE, s10;
	v16 =	vshrl.u32 v16, $0x3;
	[tilespmem:v33+s30+$0x0] =	vst.idx.msk $0xffff, v21  }
0x210: {  	v15 =	vbroadcast v15, $0x0;
	v21 =	vmov s13;
	v16 =	vshll.u32 v16, v8;
	[tilespmem:v38+s30+$0x0] =	vst.idx.msk $0xffff, v22  }
0x211: {  	v22 =	vmov s14;
	v30 =	vmov s9;
	v33 =	vbroadcast v16, $0x0;
	[tilespmem:v18+s30+$0x0] =	vst.idx.msk $0xffff, v25  }
0x212: {  	v19 =	vshrl.u32 v19, $0x3;
	v16 =	vadd.s32 v0, v15;
	v25 =	vmov s15;
	[tilespmem:v36+s30+$0x0] =	vst.idx.msk $0xffff, v23  }
0x213: {  	s7 =	sadd.s32 $0x100, s7;
	v20 =	vshrl.u32 v20, $0x3;
	v15 =	vadd.s32 v1, v15;
	v18 =	vadd.s32 v16, v33;
	[tilespmem:v35+s30+$0x0] =	vst.idx.msk $0xffff, v24  }
0x214: {  	v23 =	vshrl.u32 v27, $0x3;
	v24 =	vld [tilespmem:s7+$0xFFFFFFF0];
	v27 =	vor.u32 $0x7, v18;
	v18 =	vadd.s32 v15, v33;
	[tilespmem:v17+s30+$0x0] =	vst.idx.msk $0xffff, v26  }
0x215: {  	v21 =	vshrl.u32 v21, $0x3;
	v22 =	vshrl.u32 v22, $0x3;
	v26 =	vld [tilespmem:s7+$0x0];
	v33 =	vor.u32 $0x7, v18;
	[tilespmem:v32+s30+$0x0] =	vst.idx.msk $0xffff, v40  }
0x216: {  	v30 =	vshrl.u32 v30, $0x3;
	v25 =	vmul.u32 $0x1900, v25;
	v32 =	vmov s12;
	v18 =	vld [tilespmem:s7+$0xFFFFFF10];
	[tilespmem:v31+s30+$0x0] =	vst.idx.msk $0xffff, v37  }
0x217: {  	v35 =	vshll.u32 v20, v8;
	v23 =	vshll.u32 v23, v8;
	v31 =	vshll.u32 v19, v8;
	v17 =	vld [tilespmem:s7+$0xFFFFFF20]  }
0x218: {  	v36 =	vshll.u32 v21, v8;
	v30 =	vshll.u32 v30, v8;
	v37 =	vshll.u32 v22, v8;
	v19 =	vld [tilespmem:s7+$0xFFFFFF30]  }
0x219: {  	v21 =	vshrl.u32 v32, $0x3;
	v25 =	vadd.s32 v25, v31;
	v31 =	vbroadcast v35, $0x0;
	v20 =	vld [tilespmem:s7+$0xFFFFFF40];
	[tilespmem:v27+s30+$0x0] =	vst.idx.msk $0xffff, v24  }
0x21a: {  	v40 =	vbroadcast v36, $0x0;
	v32 =	vbroadcast v23, $0x0;
	v24 =	vshll.u32 v21, v8;
	v21 =	vld [tilespmem:s7+$0xFFFFFF50];
	[tilespmem:v33+s30+$0x0] =	vst.idx.msk $0xffff, v26  }
.Ltmp4:
0x21b: {  	v42 =	vbroadcast v30, $0x0;
	v33 =	vadd.s32 v16, v31;
	v26 =	vbroadcast v37, $0x0;
	v22 =	vld [tilespmem:s7+$0xFFFFFF60];
	[tilespmem:v29+s30+$0x0] =	vst.idx.msk $0xffff, v34;
	(pc) =	sbr.rel @p0 .LBB2_11-.Ltmp4, $4  }
0x21c: {  	v39 =	vbroadcast v25, $0x0;
	v38 =	vadd.s32 v15, v31;
	v27 =	vbroadcast v24, $0x0;
	v25 =	vld [tilespmem:s7+$0xFFFFFF70];
	[tilespmem:v28+s30+$0x0] =	vst.idx.msk $0xffff, v41  }
0x21d: {  	v35 =	vadd.s32 v16, v40;
	v36 =	vadd.s32 v15, v32;
	v37 =	vadd.s32 v16, v32;
	v23 =	vld [tilespmem:s7+$0xFFFFFF80]  }
0x21e: {  	v34 =	vadd.s32 v15, v40;
	v32 =	vadd.s32 v16, v26;
	v31 =	vadd.s32 v15, v26;
	v24 =	vld [tilespmem:s7+$0xFFFFFF90]  }
0x21f: {  	v30 =	vadd.s32 v9, v39;
	v29 =	vadd.s32 v16, v42;
	v28 =	vadd.s32 v15, v42;
	v26 =	vld [tilespmem:s7+$0xFFFFFFA0]  }
0x220: {  	_ =	sdelay $0x1  }
0x221: {  	v39 =	vadd.s32 v10, v39  }
0x222: {  	v33 =	vor.u32 $0x2, v33  }
0x223: {  	[tilespmem:v13+s30+$0x0] =	vst.idx.msk $0xffff, v11;
	v11 =	vor.u32 $0x3, v37  }
0x224: {  	[tilespmem:v30+s30+$0x0] =	vst.idx.msk $0xffff, v19;
	v53 =	vor.u32 $0x4, v35  }
0x225: {  	v55 =	vld [tilespmem:s7+$0xFFFFFFB0];
	v56 =	vor.u32 $0x5, v32;
	[tilespmem:v14+s30+$0x0] =	vst.idx.msk $0xffff, v12  }
0x226: {  	v62 =	vadd.s32 v16, v27;
	[tilespmem:v39+s30+$0x0] =	vst.idx.msk $0xffff, v20  }
0x227: {  	v38 =	vor.u32 $0x2, v38;
	[tilespmem:v33+s30+$0x0] =	vst.idx.msk $0xffff, v21  }
0x228: {  	v52 =	vor.u32 $0x3, v36;
	[tilespmem:v11+s30+$0x0] =	vst.idx.msk $0xffff, v25  }
0x229: {  	v54 =	vor.u32 $0x4, v34;
	[tilespmem:v53+s30+$0x0] =	vst.idx.msk $0xffff, v24  }
0x22a: {  	v57 =	vld [tilespmem:s7+$0xFFFFFFC0];
	v58 =	vor.u32 $0x5, v31;
	[tilespmem:v56+s30+$0x0] =	vst.idx.msk $0xffff, v55  }
0x22b: {  	v63 =	vadd.s32 v15, v27;
	[tilespmem:v62+s30+$0x0] =	vst.idx.msk $0xffff, v18  }
0x22c: {  	v59 =	vor.u32 $0x6, v29;
	v11 =	vld [tilespmem:s7+$0xFFFFFFD0];
	[tilespmem:v38+s30+$0x0] =	vst.idx.msk $0xffff, v22  }
0x22d: {  	v60 =	vld [tilespmem:s7+$0xFFFFFFE0];
	v61 =	vor.u32 $0x6, v28;
	[tilespmem:v52+s30+$0x0] =	vst.idx.msk $0xffff, v23  }
0x22e: {  	[tilespmem:v54+s30+$0x0] =	vst.idx.msk $0xffff, v26  }
0x22f: {  	[tilespmem:v58+s30+$0x0] =	vst.idx.msk $0xffff, v57  }
0x230: {  	s15 =	sor.u32 $0x2, s31;
	[tilespmem:v63+s30+$0x0] =	vst.idx.msk $0xffff, v17  }
0x231: {  	s22 =	sadd.s32 $0x1, s22;
	s9 =	smul.u32 $0x320, s15;
	[tilespmem:v59+s30+$0x0] =	vst.idx.msk $0xffff, v11  }
0x232: {  	s8 =	sadd.s32 $0x68B0, s26;
	p0 =	sne.s32 s22, $0x1F;
	s7 =	smul.u32 $0x1900, s15;
	[tilespmem:v61+s30+$0x0] =	vst.idx.msk $0xffff, v60  }
0x233: {  	[tilespmem:s23], [sflag:$0x2] =	stream.indirect.gather [hbm4b:s4+s20], $0x20, s8, s20, $0xb8;
	[tilespmem:$0x19000] =	vst v63  }
.Ltmp5:
0x234: {  	s7 =	sshrl.u32 s7, $0x3;
	(pc) =	sbr.rel @p0 .LBB2_8-.Ltmp5, $4  }
0x235: {  	s31 =	sadd.s32 s2, s9;
	s7 =	sadd.s32 s2, s7  }
0x236: {  	[hbm4b:s31+s3] =	stream.linear.scatter [tilespmem:s30], [sflag:$0x4], $0x1900, $0x38;
	[tilespmem:$0x19000] =	vst v63  }
0x237: {  	s7 =	sadd.s32 $0x320, s7  }
0x238: {  	[hbm4b:s7+s3] =	stream.linear.scatter [tilespmem:s0], [sflag:$0x4], $0x1900, $0x38;
	[tilespmem:$0x19000] =	vst v63  }
0x239: {  	p1 =	por $0x0, $0x0;
	p0 =	por $0x0, $0x0;
	s7 =	simm.s32 $0xFFFFFF38  }
0x23a: {  	s8 =	simm.s32 $0xFFFFFF38;
	s9 =	simm.s32 $0x1;
	s11 =	simm.s32 $0x1  }
0x23b: {  	s7 =	simm.s32 @!p1 $0x0;
	s8 =	simm.s32 @!p0 $0x0;
	s9 =	simm.s32 @!p1 $0x0  }
0x23c: {  	s11 =	simm.s32 @!p0 $0x0;
	s7 =	sadd.s32 $0xFFFFFFF8, s7;
	s8 =	sadd.s32 $0xFFFFFFF8, s8;
	v11 =	vmov s9  }
0x23d: {  	v20 =	vmov s11;
	s15 =	sadd.s32 $0xF, s7;
	s8 =	sadd.s32 $0x9, s8;
	v11 =	vmul.u32 $0x1900, v11  }
0x23e: {  	s10 =	sadd.s32 $0xA, s7;
	s22 =	sadd.s32 $0xB, s7;
	s26 =	sadd.s32 $0xC, s7;
	v20 =	vmul.u32 $0x1900, v20;
	v12 =	vmov s15;
	v13 =	vmov s8  }
0x23f: {  	s31 =	sadd.s32 $0xD, s7;
	s12 =	sadd.s32 $0xE, s7;
	v14 =	vmov s10;
	v15 =	vmov s22;
	v16 =	vmov s26  }
0x240: {  	v17 =	vmov s31;
	v18 =	vmov s12;
	v12 =	vshrl.u32 v12, $0x3  }
0x241: {  	v11 =	vbroadcast v11, $0x0;
	v13 =	vshrl.u32 v13, $0x3;
	v14 =	vshrl.u32 v14, $0x3  }
0x242: {  	v15 =	vshrl.u32 v15, $0x3;
	v18 =	vshrl.u32 v18, $0x3;
	v12 =	vshll.u32 v12, v8  }
0x243: {  	_ =	swait.ge [sflag:s24], $0x3200;
	p1 =	por $0x0, $0x0;
	s8 =	simm.s32 $0xFFFFFF38;
	v13 =	vshll.u32 v13, v8;
	v14 =	vshll.u32 v14, v8;
	v15 =	vshll.u32 v15, v8  }
0x244: {  	[sflag:s24] =	ssyncset.done $0x0;
	s8 =	simm.s32 @!p1 $0x0;
	v18 =	vshll.u32 v18, v8;
	v12 =	vbroadcast v12, $0x0;
	v19 =	vadd.s32 v0, v11  }
0x245: {  	[sflag:s24] =	ssyncadd.s32 $0xFFFFCE00;
	s8 =	sadd.s32 $0x0, s8;
	v14 =	vbroadcast v14, $0x0;
	v13 =	vadd.s32 v20, v13;
	v15 =	vbroadcast v15, $0x0  }
0x246: {  	v21 =	vadd.s32 v1, v11;
	v18 =	vbroadcast v18, $0x0;
	s22 =	sadd.s32 $0xB, s8;
	s26 =	sadd.s32 $0xC, s8;
	s12 =	sadd.s32 $0xE, s8;
	v13 =	vbroadcast v13, $0x0  }
0x247: {  	_ =	swait.ge [sflag:s1], $0x3200;
	v56 =	vmov s22;
	v58 =	vmov s26;
	v59 =	vmov s12  }
0x248: {  	[sflag:s1] =	ssyncset.done $0x0;
	v11 =	vadd.s32 v19, v12;
	v25 =	vadd.s32 v19, v14;
	v14 =	vadd.s32 v21, v14  }
0x249: {  	s13 =	simm.s32 $0xC880;
	[sflag:s1] =	ssyncadd.s32 $0xFFFFCE00;
	v27 =	vadd.s32 v19, v15;
	v15 =	vadd.s32 v21, v15;
	v32 =	vadd.s32 v19, v18  }
0x24a: {  	v23 =	vld [tilespmem:s13+$0x60];
	v18 =	vadd.s32 v21, v18;
	v62 =	vshrl.u32 v59, $0x3;
	v22 =	vor.u32 $0x7, v11  }
0x24b: {  	v24 =	vld [tilespmem:s13+$0x70];
	v11 =	vadd.s32 v21, v12;
	v12 =	vshrl.u32 v16, $0x3;
	v16 =	vshrl.u32 v17, $0x3  }
0x24c: {  	v30 =	vld [tilespmem:s13+$0xFFFFFFA0];
	v31 =	vadd.s32 v9, v13;
	v34 =	vadd.s32 v10, v13;
	v25 =	vor.u32 $0x2, v25  }
0x24d: {  	s7 =	sadd.s32 $0x8, s7;
	v33 =	vld [tilespmem:s13+$0xFFFFFFB0];
	v36 =	vor.u32 $0x2, v14;
	v27 =	vor.u32 $0x3, v27;
	v15 =	vor.u32 $0x3, v15  }
0x24e: {  	v35 =	vld [tilespmem:s13+$0xFFFFFFC0];
	v17 =	vor.u32 $0x7, v11;
	v11 =	vmov s7;
	v12 =	vshll.u32 v12, v8  }
0x24f: {  	v40 =	vld [tilespmem:s13+$0x50];
	v16 =	vshll.u32 v16, v8;
	v11 =	vshrl.u32 v11, $0x3;
	v20 =	vbroadcast v12, $0x0  }
0x250: {  	v55 =	vor.u32 $0x6, v18;
	v18 =	vld [tilespmem:s13+$0x0];
	v16 =	vbroadcast v16, $0x0;
	v11 =	vshll.u32 v11, v8  }
0x251: {  	v26 =	vbroadcast v11, $0x0;
	v28 =	vadd.s32 v19, v20;
	v20 =	vadd.s32 v21, v20;
	[tilespmem:v22+s25+$0x0] =	vst.idx.msk $0xffff, v23;
	v22 =	vld [tilespmem:s13+$0xFFFFFFD0]  }
0x252: {  	p0 =	por $0x0, $0x0;
	s9 =	simm.s32 $0xFFFFFF38;
	v12 =	vld [tilespmem:s13+$0xFFFFFF90];
	v29 =	vadd.s32 v19, v16;
	v16 =	vadd.s32 v21, v16;
	v23 =	vor.u32 $0x4, v28;
	[tilespmem:v31+s25+$0x0] =	vst.idx.msk $0xffff, v30  }
0x253: {  	s9 =	simm.s32 @!p0 $0x0;
	s10 =	simm.s32 $0x1;
	s15 =	sadd.s32 $0xA, s8;
	v20 =	vor.u32 $0x4, v20;
	v28 =	vor.u32 $0x5, v29;
	v29 =	vor.u32 $0x6, v32;
	[tilespmem:v25+s25+$0x0] =	vst.idx.msk $0xffff, v35;
	v25 =	vld [tilespmem:s13+$0x20]  }
0x254: {  	s9 =	sadd.s32 $0x0, s9;
	s10 =	simm.s32 @!p1 $0x0;
	v31 =	vmov s15;
	v35 =	vshll.u32 v62, v8;
	[tilespmem:v17+s25+$0x0] =	vst.idx.msk $0xffff, v24;
	v17 =	vld [tilespmem:s13+$0xFFFFFFE0];
	v24 =	vor.u32 $0x5, v16  }
0x255: {  	s9 =	sadd.s32 $0x9, s9;
	s14 =	sadd.s32 $0xF, s8;
	v30 =	vld [tilespmem:s13+$0x10];
	v13 =	vadd.s32 v19, v26;
	v16 =	vmov s10;
	v14 =	vadd.s32 v21, v26  }
0x256: {  	s7 =	simm.s32 $0xC980;
	v19 =	vld [tilespmem:s13+$0xFFFFFFF0];
	v21 =	vmov s9;
	v26 =	vmov s14;
	v16 =	vmul.u32 $0x1900, v16;
	[tilespmem:v36+s25+$0x0] =	vst.idx.msk $0xffff, v22  }
0x257: {  	v60 =	vld [tilespmem:s7+$0x60];
	v42 =	vbroadcast v35, $0x0;
	v26 =	vshrl.u32 v26, $0x3;
	v21 =	vshrl.u32 v21, $0x3;
	[tilespmem:v23+s25+$0x0] =	vst.idx.msk $0xffff, v18  }
0x258: {  	s31 =	sadd.s32 $0xD, s8;
	v21 =	vshll.u32 v21, v8;
	v57 =	vbroadcast v16, $0x0;
	v16 =	vshll.u32 v26, v8;
	v22 =	vld [tilespmem:s13+$0x30];
	[tilespmem:v28+s25+$0x0] =	vst.idx.msk $0xffff, v25  }
0x259: {  	s11 =	simm.s32 $0x1;
	s8 =	sadd.s32 $0x8, s8;
	v11 =	vld [tilespmem:s13+$0xFFFFFF80];
	v26 =	vmov s31;
	v37 =	vbroadcast v16, $0x0;
	v23 =	vshrl.u32 v56, $0x3;
	[tilespmem:v27+s25+$0x0] =	vst.idx.msk $0xffff, v17  }
0x25a: {  	s11 =	simm.s32 @!p0 $0x0;
	v26 =	vshrl.u32 v26, $0x3;
	v25 =	vmov s8;
	v27 =	vld [tilespmem:s13+$0x40];
	v16 =	vadd.s32 v0, v57;
	[tilespmem:v20+s25+$0x0] =	vst.idx.msk $0xffff, v30  }
0x25b: {  	v17 =	vmov s11;
	v30 =	vld [tilespmem:s7+$0x70];
	[tilespmem:v15+s25+$0x0] =	vst.idx.msk $0xffff, v19;
	v15 =	vadd.s32 v1, v57;
	v19 =	vshrl.u32 v31, $0x3  }
0x25c: {  	v31 =	vadd.s32 v16, v37;
	v28 =	vmul.u32 $0x1900, v17;
	v17 =	vld [tilespmem:s7+$0xFFFFFF90];
	v18 =	vadd.s32 v15, v37  }
0x25d: {  	v23 =	vshll.u32 v23, v8;
	v31 =	vor.u32 $0x7, v31;
	v61 =	vor.u32 $0x7, v18;
	v18 =	vld [tilespmem:s7+$0xFFFFFF80]  }
0x25e: {  	[tilespmem:v34+s25+$0x0] =	vst.idx.msk $0xffff, v33;
	v26 =	vshll.u32 v26, v8;
	v25 =	vshrl.u32 v25, $0x3;
	v28 =	vadd.s32 v28, v21;
	v21 =	vld [tilespmem:s7+$0xFFFFFFC0]  }
0x25f: {  	v20 =	vshrl.u32 v58, $0x3;
	v25 =	vshll.u32 v25, v8;
	[tilespmem:v24+s25+$0x0] =	vst.idx.msk $0xffff, v22;
	v22 =	vshll.u32 v19, v8;
	v19 =	vld [tilespmem:s7+$0xFFFFFFA0]  }
0x260: {  	v24 =	vshll.u32 v20, v8;
	v20 =	vld [tilespmem:s7+$0xFFFFFFB0];
	v39 =	vbroadcast v28, $0x0;
	v63 =	vbroadcast v22, $0x0;
	[tilespmem:v29+s25+$0x0] =	vst.idx.msk $0xffff, v27  }
0x261: {  	v28 =	vadd.s32 v15, v42;
	v41 =	vbroadcast v24, $0x0;
	v22 =	vld [tilespmem:s7+$0xFFFFFFD0];
	v27 =	vbroadcast v25, $0x0;
	[tilespmem:v55+s25+$0x0] =	vst.idx.msk $0xffff, v40  }
0x262: {  	v24 =	vld [tilespmem:s7+$0x0];
	v29 =	vadd.s32 v16, v42;
	[tilespmem:v31+s25+$0x0] =	vst.idx.msk $0xffff, v60;
	v31 =	vbroadcast v23, $0x0;
	v33 =	vadd.s32 v16, v63  }
0x263: {  	v25 =	vld [tilespmem:s7+$0x10];
	v38 =	vadd.s32 v15, v63;
	v35 =	vadd.s32 v16, v41;
	[tilespmem:v61+s25+$0x0] =	vst.idx.msk $0xffff, v30;
	v30 =	vbroadcast v26, $0x0  }
0x264: {  	v23 =	vld [tilespmem:s7+$0xFFFFFFF0];
	v34 =	vadd.s32 v15, v41;
	v37 =	vadd.s32 v16, v31;
	v36 =	vadd.s32 v15, v31  }
0x265: {  	s8 =	simm.s32 $0x8;
	v26 =	vld [tilespmem:s7+$0xFFFFFFE0];
	v32 =	vadd.s32 v16, v30;
	v31 =	vadd.s32 v15, v30;
	v30 =	vadd.s32 v9, v39  }
.LBB2_14:
0x266: {  	s9 =	smov.u32 s8;
	s8 =	sadd.s32 $0x8, s8  }
0x267: {  	v39 =	vadd.s32 v10, v39;
	v33 =	vor.u32 $0x2, v33;
	v38 =	vor.u32 $0x2, v38;
	v40 =	vld [tilespmem:s7+$0x20];
	[tilespmem:v13+s25+$0x0] =	vst.idx.msk $0xffff, v11;
	v11 =	vmovc v18;
	s10 =	simm.s32 $0xFFFFFF38;
	s11 =	simm.s32 $0xFFFFFF38;
	s12 =	simm.s32 $0x1  }
0x268: {  	v18 =	vor.u32 $0x3, v37;
	v36 =	vor.u32 $0x3, v36;
	v35 =	vor.u32 $0x4, v35;
	p2 =	sgt.u32 s8, $0xC7;
	p1 =	sgt.u32 s8, $0xC6;
	p0 =	slt.u32 s8, $0x188;
	v37 =	vld [tilespmem:s7+$0x30];
	[tilespmem:v14+s25+$0x0] =	vst.idx.msk $0xffff, v12;
	v12 =	vmovc v17  }
0x269: {  	v32 =	vor.u32 $0x5, v32;
	v31 =	vor.u32 $0x5, v31;
	s15 =	simm.s32 $0x1;
	v17 =	vor.u32 $0x4, v34;
	s10 =	simm.s32 @!p2 $0x0;
	s11 =	simm.s32 @!p1 $0x0;
	v34 =	vld [tilespmem:s7+$0x40]  }
0x26a: {  	v13 =	vadd.s32 v16, v27;
	v29 =	vor.u32 $0x6, v29;
	v28 =	vor.u32 $0x6, v28;
	s12 =	simm.s32 @!p2 $0x0;
	s10 =	sadd.s32 s9, s10;
	s9 =	sadd.s32 s9, s11;
	v41 =	vld [tilespmem:s7+$0x50]  }
0x26b: {  	v14 =	vadd.s32 v15, v27;
	v16 =	vmov s12;
	s9 =	sadd.s32 $0x9, s9;
	s11 =	sadd.s32 $0xA, s10;
	s12 =	sadd.s32 $0xF, s10;
	[tilespmem:v30+s25+$0x0] =	vst.idx.msk $0xffff, v19  }
0x26c: {  	v15 =	vmul.u32 $0x1900, v16;
	s13 =	sadd.s32 $0xC, s10;
	s14 =	sadd.s32 $0xD, s10;
	v19 =	vmov s9;
	s9 =	sadd.s32 $0xB, s10;
	v16 =	vmov s12;
	[tilespmem:v39+s25+$0x0] =	vst.idx.msk $0xffff, v20  }
0x26d: {  	s15 =	simm.s32 @!p1 $0x0;
	s12 =	sadd.s32 $0x8, s10;
	v20 =	vmov s11;
	v27 =	vmov s9;
	s9 =	sadd.s32 $0xE, s10;
	v16 =	vshrl.u32 v16, $0x3;
	[tilespmem:v33+s25+$0x0] =	vst.idx.msk $0xffff, v21  }
0x26e: {  	v15 =	vbroadcast v15, $0x0;
	v21 =	vmov s13;
	v16 =	vshll.u32 v16, v8;
	[tilespmem:v38+s25+$0x0] =	vst.idx.msk $0xffff, v22  }
0x26f: {  	v22 =	vmov s14;
	v30 =	vmov s9;
	v33 =	vbroadcast v16, $0x0;
	[tilespmem:v18+s25+$0x0] =	vst.idx.msk $0xffff, v26  }
0x270: {  	v19 =	vshrl.u32 v19, $0x3;
	v16 =	vadd.s32 v0, v15;
	v26 =	vmov s15;
	[tilespmem:v36+s25+$0x0] =	vst.idx.msk $0xffff, v23  }
0x271: {  	s7 =	sadd.s32 $0x100, s7;
	v20 =	vshrl.u32 v20, $0x3;
	v15 =	vadd.s32 v1, v15;
	v18 =	vadd.s32 v16, v33;
	[tilespmem:v35+s25+$0x0] =	vst.idx.msk $0xffff, v24  }
0x272: {  	v23 =	vshrl.u32 v27, $0x3;
	v24 =	vld [tilespmem:s7+$0x60];
	v27 =	vor.u32 $0x7, v18;
	v18 =	vadd.s32 v15, v33;
	[tilespmem:v17+s25+$0x0] =	vst.idx.msk $0xffff, v25  }
0x273: {  	v21 =	vshrl.u32 v21, $0x3;
	v22 =	vshrl.u32 v22, $0x3;
	v25 =	vld [tilespmem:s7+$0x70];
	v33 =	vor.u32 $0x7, v18;
	[tilespmem:v32+s25+$0x0] =	vst.idx.msk $0xffff, v40  }
0x274: {  	v30 =	vshrl.u32 v30, $0x3;
	v26 =	vmul.u32 $0x1900, v26;
	v32 =	vmov s12;
	v18 =	vld [tilespmem:s7+$0xFFFFFF80];
	[tilespmem:v31+s25+$0x0] =	vst.idx.msk $0xffff, v37  }
0x275: {  	v35 =	vshll.u32 v20, v8;
	v23 =	vshll.u32 v23, v8;
	v31 =	vshll.u32 v19, v8;
	v17 =	vld [tilespmem:s7+$0xFFFFFF90]  }
0x276: {  	v36 =	vshll.u32 v21, v8;
	v30 =	vshll.u32 v30, v8;
	v37 =	vshll.u32 v22, v8;
	v19 =	vld [tilespmem:s7+$0xFFFFFFA0]  }
0x277: {  	v21 =	vshrl.u32 v32, $0x3;
	v26 =	vadd.s32 v26, v31;
	v31 =	vbroadcast v35, $0x0;
	v20 =	vld [tilespmem:s7+$0xFFFFFFB0];
	[tilespmem:v27+s25+$0x0] =	vst.idx.msk $0xffff, v24  }
0x278: {  	v40 =	vbroadcast v36, $0x0;
	v32 =	vbroadcast v23, $0x0;
	v24 =	vshll.u32 v21, v8;
	v21 =	vld [tilespmem:s7+$0xFFFFFFC0];
	[tilespmem:v33+s25+$0x0] =	vst.idx.msk $0xffff, v25  }
.Ltmp6:
0x279: {  	v42 =	vbroadcast v30, $0x0;
	v33 =	vadd.s32 v16, v31;
	v25 =	vbroadcast v37, $0x0;
	v22 =	vld [tilespmem:s7+$0xFFFFFFD0];
	[tilespmem:v29+s25+$0x0] =	vst.idx.msk $0xffff, v34;
	(pc) =	sbr.rel @p0 .LBB2_14-.Ltmp6, $4  }
0x27a: {  	v39 =	vbroadcast v26, $0x0;
	v38 =	vadd.s32 v15, v31;
	v27 =	vbroadcast v24, $0x0;
	v26 =	vld [tilespmem:s7+$0xFFFFFFE0];
	[tilespmem:v28+s25+$0x0] =	vst.idx.msk $0xffff, v41  }
0x27b: {  	v35 =	vadd.s32 v16, v40;
	v36 =	vadd.s32 v15, v32;
	v37 =	vadd.s32 v16, v32;
	v23 =	vld [tilespmem:s7+$0xFFFFFFF0]  }
0x27c: {  	v34 =	vadd.s32 v15, v40;
	v32 =	vadd.s32 v16, v25;
	v31 =	vadd.s32 v15, v25;
	v24 =	vld [tilespmem:s7+$0x0]  }
0x27d: {  	v30 =	vadd.s32 v9, v39;
	v29 =	vadd.s32 v16, v42;
	v28 =	vadd.s32 v15, v42;
	v25 =	vld [tilespmem:s7+$0x10]  }
0x27e: {  	_ =	sdelay $0x1  }
0x27f: {  	v39 =	vadd.s32 v10, v39  }
0x280: {  	v33 =	vor.u32 $0x2, v33  }
0x281: {  	[tilespmem:v13+s25+$0x0] =	vst.idx.msk $0xffff, v11;
	v11 =	vor.u32 $0x3, v37  }
0x282: {  	[tilespmem:v30+s25+$0x0] =	vst.idx.msk $0xffff, v19;
	v13 =	vor.u32 $0x4, v35  }
0x283: {  	v38 =	vor.u32 $0x2, v38;
	[tilespmem:v14+s25+$0x0] =	vst.idx.msk $0xffff, v12  }
0x284: {  	v12 =	vor.u32 $0x3, v36;
	[tilespmem:v39+s25+$0x0] =	vst.idx.msk $0xffff, v20  }
0x285: {  	v14 =	vor.u32 $0x4, v34;
	[tilespmem:v33+s25+$0x0] =	vst.idx.msk $0xffff, v21  }
0x286: {  	v19 =	vld [tilespmem:s7+$0x20];
	v20 =	vor.u32 $0x5, v32;
	[tilespmem:v11+s25+$0x0] =	vst.idx.msk $0xffff, v26  }
0x287: {  	v11 =	vld [tilespmem:s7+$0x40];
	v26 =	vor.u32 $0x6, v29;
	[tilespmem:v13+s25+$0x0] =	vst.idx.msk $0xffff, v24  }
0x288: {  	v13 =	vadd.s32 v16, v27;
	[tilespmem:v38+s25+$0x0] =	vst.idx.msk $0xffff, v22  }
0x289: {  	v21 =	vld [tilespmem:s7+$0x30];
	v22 =	vor.u32 $0x5, v31;
	[tilespmem:v12+s25+$0x0] =	vst.idx.msk $0xffff, v23  }
0x28a: {  	p1 =	por $0x0, $0x0;
	p0 =	por $0x0, $0x0;
	v12 =	vld [tilespmem:s7+$0x50];
	v23 =	vor.u32 $0x6, v28;
	s7 =	simm.s32 $0xFFFFFF38;
	[tilespmem:v14+s25+$0x0] =	vst.idx.msk $0xffff, v25  }
0x28b: {  	s8 =	simm.s32 $0xFFFFFF38;
	s9 =	simm.s32 $0x1;
	v14 =	vadd.s32 v15, v27;
	s7 =	simm.s32 @!p1 $0x0;
	[tilespmem:v20+s25+$0x0] =	vst.idx.msk $0xffff, v19  }
0x28c: {  	s8 =	simm.s32 @!p0 $0x0;
	s9 =	simm.s32 @!p1 $0x0;
	s7 =	sadd.s32 $0xFFFFFFF8, s7;
	[tilespmem:v26+s25+$0x0] =	vst.idx.msk $0xffff, v11  }
0x28d: {  	s11 =	simm.s32 $0x1;
	s8 =	sadd.s32 $0xFFFFFFF8, s8;
	v15 =	vmov s9;
	s14 =	sadd.s32 $0xF, s7;
	[tilespmem:v13+s25+$0x0] =	vst.idx.msk $0xffff, v18  }
0x28e: {  	s10 =	sadd.s32 $0xA, s7;
	s15 =	sadd.s32 $0xB, s7;
	s31 =	sadd.s32 $0xE, s7;
	v11 =	vmul.u32 $0x1900, v15;
	v15 =	vmov s14;
	[tilespmem:v22+s25+$0x0] =	vst.idx.msk $0xffff, v21  }
0x28f: {  	s11 =	simm.s32 @!p0 $0x0;
	s8 =	sadd.s32 $0x9, s8;
	v16 =	vmov s10;
	v13 =	vmov s15;
	v18 =	vmov s31;
	[tilespmem:v23+s25+$0x0] =	vst.idx.msk $0xffff, v12  }
0x290: {  	s22 =	sadd.s32 $0xC, s7;
	s26 =	sadd.s32 $0xD, s7;
	v20 =	vmov s11;
	v12 =	vmov s8;
	v15 =	vshrl.u32 v15, $0x3;
	[tilespmem:v14+s25+$0x0] =	vst.idx.msk $0xffff, v17  }
0x291: {  	v14 =	vmov s22;
	v17 =	vmov s26;
	v16 =	vshrl.u32 v16, $0x3;
	s10 =	rddreg [dreg:$0x8]  }
0x292: {  	v13 =	vshrl.u32 v13, $0x3;
	v20 =	vmul.u32 $0x1900, v20;
	v18 =	vshrl.u32 v18, $0x3;
	[hbm4b:s10+s3] =	stream.linear.scatter [tilespmem:s25], [sflag:$0x3], $0x1900, $0x38;
	[tilespmem:$0x19000] =	vst v63  }
0x293: {  	v11 =	vbroadcast v11, $0x0;
	v15 =	vshll.u32 v15, v8;
	v12 =	vshrl.u32 v12, $0x3;
	s12 =	rddreg [dreg:$0x9]  }
0x294: {  	v14 =	vshrl.u32 v14, $0x3;
	v16 =	vshll.u32 v16, v8;
	v13 =	vshll.u32 v13, v8;
	[hbm4b:s12+s3] =	stream.linear.scatter [tilespmem:s28], [sflag:$0x3], $0x1900, $0x38;
	[tilespmem:$0x19000] =	vst v63  }
0x295: {  	v18 =	vshll.u32 v18, v8;
	v15 =	vbroadcast v15, $0x0;
	v12 =	vshll.u32 v12, v8;
	_ =	swait.ge [sflag:s29], $0x3200  }
0x296: {  	v14 =	vshll.u32 v14, v8;
	v16 =	vbroadcast v16, $0x0;
	v13 =	vbroadcast v13, $0x0;
	[sflag:s29] =	ssyncset.done $0x0  }
0x297: {  	v18 =	vbroadcast v18, $0x0;
	v19 =	vadd.s32 v0, v11;
	v21 =	vadd.s32 v1, v11;
	[sflag:s29] =	ssyncadd.s32 $0xFFFFCE00  }
0x298: {  	v12 =	vadd.s32 v20, v12;
	v14 =	vbroadcast v14, $0x0;
	v11 =	vadd.s32 v19, v15;
	_ =	swait.ge [sflag:s16], $0x3200  }
0x299: {  	s13 =	simm.s32 $0xFAF0;
	s7 =	sadd.s32 $0x8, s7;
	v24 =	vadd.s32 v19, v16;
	v22 =	vor.u32 $0x7, v11;
	v11 =	vadd.s32 v21, v15;
	[sflag:s16] =	ssyncset.done $0x0  }
0x29a: {  	p1 =	por $0x0, $0x0;
	s8 =	simm.s32 $0xFFFFFF38;
	v15 =	vshrl.u32 v17, $0x3;
	v17 =	vor.u32 $0x7, v11;
	v11 =	vmov s7;
	[sflag:s16] =	ssyncadd.s32 $0xFFFFCE00  }
0x29b: {  	s8 =	simm.s32 @!p1 $0x0;
	v26 =	vbroadcast v12, $0x0;
	v16 =	vadd.s32 v21, v16;
	v11 =	vshrl.u32 v11, $0x3;
	v20 =	vld [tilespmem:s13+$0xFFFFFFF0]  }
0x29c: {  	s8 =	sadd.s32 $0x0, s8;
	v27 =	vadd.s32 v19, v13;
	v13 =	vadd.s32 v21, v13;
	v11 =	vshll.u32 v11, v8;
	v23 =	vld [tilespmem:s13+$0x0]  }
0x29d: {  	s26 =	sadd.s32 $0xC, s8;
	s31 =	sadd.s32 $0xD, s8;
	v53 =	vadd.s32 v19, v18;
	v18 =	vadd.s32 v21, v18;
	v25 =	vbroadcast v11, $0x0;
	v11 =	vld [tilespmem:s13+$0xFFFFFF10]  }
0x29e: {  	v58 =	vmov s26;
	v59 =	vmov s31;
	v31 =	vadd.s32 v9, v26;
	v30 =	vld [tilespmem:s13+$0xFFFFFF30]  }
0x29f: {  	s10 =	simm.s32 $0x1;
	v28 =	vadd.s32 v19, v14;
	v14 =	vadd.s32 v21, v14;
	v24 =	vor.u32 $0x2, v24;
	v55 =	vld [tilespmem:s13+$0xFFFFFF50]  }
0x2a0: {  	s10 =	simm.s32 @!p1 $0x0;
	v16 =	vor.u32 $0x2, v16;
	v57 =	vor.u32 $0x6, v18;
	v15 =	vshll.u32 v15, v8;
	v12 =	vld [tilespmem:s13+$0xFFFFFF20]  }
0x2a1: {  	s12 =	sadd.s32 $0xE, s8;
	v18 =	vmov s10;
	v26 =	vadd.s32 v10, v26;
	v15 =	vbroadcast v15, $0x0;
	v54 =	vld [tilespmem:s13+$0xFFFFFF40]  }
0x2a2: {  	v56 =	vor.u32 $0x3, v13;
	v60 =	vmov s12;
	v18 =	vmul.u32 $0x1900, v18;
	[tilespmem:v22+s30+$0x0] =	vst.idx.msk $0xffff, v20;
	v20 =	vld [tilespmem:s13+$0xFFFFFF60]  }
0x2a3: {  	p0 =	por $0x0, $0x0;
	s9 =	simm.s32 $0xFFFFFF38;
	v29 =	vadd.s32 v19, v15;
	v13 =	vadd.s32 v19, v25;
	v19 =	vld [tilespmem:s13+$0xFFFFFF90];
	v22 =	vor.u32 $0x4, v28;
	[tilespmem:v31+s30+$0x0] =	vst.idx.msk $0xffff, v30  }
0x2a4: {  	s9 =	simm.s32 @!p0 $0x0;
	v27 =	vor.u32 $0x3, v27;
	v63 =	vshrl.u32 v60, $0x3;
	v29 =	vor.u32 $0x5, v29;
	[tilespmem:v24+s30+$0x0] =	vst.idx.msk $0xffff, v55;
	v24 =	vld [tilespmem:s13+$0xFFFFFFB0]  }
0x2a5: {  	s9 =	sadd.s32 $0x0, s9;
	v32 =	vor.u32 $0x6, v53;
	v34 =	vshll.u32 v63, v8;
	v18 =	vbroadcast v18, $0x0;
	[tilespmem:v17+s30+$0x0] =	vst.idx.msk $0xffff, v23;
	v17 =	vld [tilespmem:s13+$0xFFFFFF70]  }
0x2a6: {  	s9 =	sadd.s32 $0x9, s9;
	s14 =	sadd.s32 $0xF, s8;
	v15 =	vadd.s32 v21, v15;
	v28 =	vor.u32 $0x4, v14;
	v14 =	vadd.s32 v21, v25;
	[tilespmem:v26+s30+$0x0] =	vst.idx.msk $0xffff, v54;
	v26 =	vld [tilespmem:s13+$0xFFFFFFA0]  }
0x2a7: {  	s15 =	sadd.s32 $0xA, s8;
	s22 =	sadd.s32 $0xB, s8;
	v21 =	vmov s9;
	v25 =	vmov s14;
	v23 =	vor.u32 $0x5, v15;
	v15 =	vld [tilespmem:s13+$0xFFFFFF80];
	[tilespmem:v16+s30+$0x0] =	vst.idx.msk $0xffff, v20  }
0x2a8: {  	v61 =	vld [tilespmem:s13+$0xFFFFFFE0];
	v30 =	vmov s15;
	v31 =	vmov s22;
	v25 =	vshrl.u32 v25, $0x3;
	[tilespmem:v22+s30+$0x0] =	vst.idx.msk $0xffff, v19  }
0x2a9: {  	s11 =	simm.s32 $0x1;
	s7 =	simm.s32 $0xFBF0;
	v21 =	vshrl.u32 v21, $0x3;
	v30 =	vshrl.u32 v30, $0x3;
	v25 =	vshll.u32 v25, v8;
	v20 =	vld [tilespmem:s13+$0xFFFFFFC0];
	[tilespmem:v29+s30+$0x0] =	vst.idx.msk $0xffff, v24  }
0x2aa: {  	s11 =	simm.s32 @!p0 $0x0;
	s8 =	sadd.s32 $0x8, s8;
	v21 =	vshll.u32 v21, v8;
	v25 =	vbroadcast v25, $0x0;
	v16 =	vadd.s32 v0, v18;
	v22 =	vld [tilespmem:s7+$0xFFFFFFF0];
	[tilespmem:v27+s30+$0x0] =	vst.idx.msk $0xffff, v17  }
0x2ab: {  	v19 =	vshrl.u32 v31, $0x3;
	v24 =	vmov s8;
	v27 =	vld [tilespmem:s13+$0xFFFFFFD0];
	v17 =	vmov s11;
	[tilespmem:v28+s30+$0x0] =	vst.idx.msk $0xffff, v26  }
0x2ac: {  	v26 =	vshrl.u32 v59, $0x3;
	v28 =	vld [tilespmem:s7+$0x0];
	[tilespmem:v56+s30+$0x0] =	vst.idx.msk $0xffff, v15;
	v15 =	vadd.s32 v1, v18;
	v18 =	vadd.s32 v16, v25  }
0x2ad: {  	v29 =	vmul.u32 $0x1900, v17;
	v17 =	vld [tilespmem:s7+$0xFFFFFF20];
	v31 =	vor.u32 $0x7, v18;
	v18 =	vadd.s32 v15, v25  }
0x2ae: {  	v24 =	vshrl.u32 v24, $0x3;
	v26 =	vshll.u32 v26, v8;
	v62 =	vor.u32 $0x7, v18;
	v18 =	vld [tilespmem:s7+$0xFFFFFF10]  }
0x2af: {  	v24 =	vshll.u32 v24, v8;
	v25 =	vshrl.u32 v58, $0x3;
	v29 =	vadd.s32 v29, v21;
	v21 =	vld [tilespmem:s7+$0xFFFFFF50]  }
0x2b0: {  	v26 =	vbroadcast v26, $0x0;
	[tilespmem:v23+s30+$0x0] =	vst.idx.msk $0xffff, v20;
	v23 =	vshll.u32 v30, v8;
	v30 =	vshll.u32 v19, v8;
	v19 =	vld [tilespmem:s7+$0xFFFFFF30]  }
0x2b1: {  	v25 =	vshll.u32 v25, v8;
	v20 =	vld [tilespmem:s7+$0xFFFFFF40];
	v39 =	vbroadcast v29, $0x0;
	v23 =	vbroadcast v23, $0x0;
	[tilespmem:v32+s30+$0x0] =	vst.idx.msk $0xffff, v27  }
0x2b2: {  	v30 =	vbroadcast v30, $0x0;
	v27 =	vbroadcast v24, $0x0;
	v24 =	vld [tilespmem:s7+$0xFFFFFF90];
	v32 =	vadd.s32 v16, v26;
	[tilespmem:v57+s30+$0x0] =	vst.idx.msk $0xffff, v61  }
0x2b3: {  	[tilespmem:v31+s30+$0x0] =	vst.idx.msk $0xffff, v22;
	v31 =	vbroadcast v25, $0x0;
	v22 =	vld [tilespmem:s7+$0xFFFFFF60];
	v33 =	vadd.s32 v16, v23;
	v38 =	vadd.s32 v15, v23  }
0x2b4: {  	v25 =	vld [tilespmem:s7+$0xFFFFFF70];
	v37 =	vadd.s32 v16, v30;
	v36 =	vadd.s32 v15, v30;
	[tilespmem:v62+s30+$0x0] =	vst.idx.msk $0xffff, v28;
	v28 =	vbroadcast v34, $0x0  }
0x2b5: {  	v23 =	vld [tilespmem:s7+$0xFFFFFF80];
	v30 =	vadd.s32 v9, v39;
	v35 =	vadd.s32 v16, v31;
	v34 =	vadd.s32 v15, v31  }
0x2b6: {  	s8 =	simm.s32 $0x8;
	v31 =	vadd.s32 v15, v26;
	v26 =	vld [tilespmem:s7+$0xFFFFFFA0];
	v29 =	vadd.s32 v16, v28;
	v28 =	vadd.s32 v15, v28  }
.LBB2_16:
0x2b7: {  	s9 =	smov.u32 s8;
	s8 =	sadd.s32 $0x8, s8  }
0x2b8: {  	v39 =	vadd.s32 v10, v39;
	v33 =	vor.u32 $0x2, v33;
	v38 =	vor.u32 $0x2, v38;
	v40 =	vld [tilespmem:s7+$0xFFFFFFB0];
	[tilespmem:v13+s30+$0x0] =	vst.idx.msk $0xffff, v11;
	v11 =	vmovc v18;
	s10 =	simm.s32 $0xFFFFFF38;
	s11 =	simm.s32 $0xFFFFFF38;
	s12 =	simm.s32 $0x1  }
0x2b9: {  	v18 =	vor.u32 $0x3, v37;
	v36 =	vor.u32 $0x3, v36;
	v35 =	vor.u32 $0x4, v35;
	p2 =	sgt.u32 s8, $0xC7;
	p1 =	sgt.u32 s8, $0xC6;
	p0 =	slt.u32 s8, $0x188;
	v37 =	vld [tilespmem:s7+$0xFFFFFFC0];
	[tilespmem:v14+s30+$0x0] =	vst.idx.msk $0xffff, v12;
	v12 =	vmovc v17  }
0x2ba: {  	v32 =	vor.u32 $0x5, v32;
	v31 =	vor.u32 $0x5, v31;
	s15 =	simm.s32 $0x1;
	v17 =	vor.u32 $0x4, v34;
	s10 =	simm.s32 @!p2 $0x0;
	s11 =	simm.s32 @!p1 $0x0;
	v34 =	vld [tilespmem:s7+$0xFFFFFFD0]  }
0x2bb: {  	v13 =	vadd.s32 v16, v27;
	v29 =	vor.u32 $0x6, v29;
	v28 =	vor.u32 $0x6, v28;
	s12 =	simm.s32 @!p2 $0x0;
	s10 =	sadd.s32 s9, s10;
	s9 =	sadd.s32 s9, s11;
	v41 =	vld [tilespmem:s7+$0xFFFFFFE0]  }
0x2bc: {  	v14 =	vadd.s32 v15, v27;
	v16 =	vmov s12;
	s9 =	sadd.s32 $0x9, s9;
	s11 =	sadd.s32 $0xA, s10;
	s12 =	sadd.s32 $0xF, s10;
	[tilespmem:v30+s30+$0x0] =	vst.idx.msk $0xffff, v19  }
0x2bd: {  	v15 =	vmul.u32 $0x1900, v16;
	s13 =	sadd.s32 $0xC, s10;
	s14 =	sadd.s32 $0xD, s10;
	v19 =	vmov s9;
	s9 =	sadd.s32 $0xB, s10;
	v16 =	vmov s12;
	[tilespmem:v39+s30+$0x0] =	vst.idx.msk $0xffff, v20  }
0x2be: {  	s15 =	simm.s32 @!p1 $0x0;
	s12 =	sadd.s32 $0x8, s10;
	v20 =	vmov s11;
	v27 =	vmov s9;
	s9 =	sadd.s32 $0xE, s10;
	v16 =	vshrl.u32 v16, $0x3;
	[tilespmem:v33+s30+$0x0] =	vst.idx.msk $0xffff, v21  }
0x2bf: {  	v15 =	vbroadcast v15, $0x0;
	v21 =	vmov s13;
	v16 =	vshll.u32 v16, v8;
	[tilespmem:v38+s30+$0x0] =	vst.idx.msk $0xffff, v22  }
0x2c0: {  	v22 =	vmov s14;
	v30 =	vmov s9;
	v33 =	vbroadcast v16, $0x0;
	[tilespmem:v18+s30+$0x0] =	vst.idx.msk $0xffff, v25  }
0x2c1: {  	v19 =	vshrl.u32 v19, $0x3;
	v16 =	vadd.s32 v0, v15;
	v25 =	vmov s15;
	[tilespmem:v36+s30+$0x0] =	vst.idx.msk $0xffff, v23  }
0x2c2: {  	s7 =	sadd.s32 $0x100, s7;
	v20 =	vshrl.u32 v20, $0x3;
	v15 =	vadd.s32 v1, v15;
	v18 =	vadd.s32 v16, v33;
	[tilespmem:v35+s30+$0x0] =	vst.idx.msk $0xffff, v24  }
0x2c3: {  	v23 =	vshrl.u32 v27, $0x3;
	v24 =	vld [tilespmem:s7+$0xFFFFFFF0];
	v27 =	vor.u32 $0x7, v18;
	v18 =	vadd.s32 v15, v33;
	[tilespmem:v17+s30+$0x0] =	vst.idx.msk $0xffff, v26  }
0x2c4: {  	v21 =	vshrl.u32 v21, $0x3;
	v22 =	vshrl.u32 v22, $0x3;
	v26 =	vld [tilespmem:s7+$0x0];
	v33 =	vor.u32 $0x7, v18;
	[tilespmem:v32+s30+$0x0] =	vst.idx.msk $0xffff, v40  }
0x2c5: {  	v30 =	vshrl.u32 v30, $0x3;
	v25 =	vmul.u32 $0x1900, v25;
	v32 =	vmov s12;
	v18 =	vld [tilespmem:s7+$0xFFFFFF10];
	[tilespmem:v31+s30+$0x0] =	vst.idx.msk $0xffff, v37  }
0x2c6: {  	v35 =	vshll.u32 v20, v8;
	v23 =	vshll.u32 v23, v8;
	v31 =	vshll.u32 v19, v8;
	v17 =	vld [tilespmem:s7+$0xFFFFFF20]  }
0x2c7: {  	v36 =	vshll.u32 v21, v8;
	v30 =	vshll.u32 v30, v8;
	v37 =	vshll.u32 v22, v8;
	v19 =	vld [tilespmem:s7+$0xFFFFFF30]  }
0x2c8: {  	v21 =	vshrl.u32 v32, $0x3;
	v25 =	vadd.s32 v25, v31;
	v31 =	vbroadcast v35, $0x0;
	v20 =	vld [tilespmem:s7+$0xFFFFFF40];
	[tilespmem:v27+s30+$0x0] =	vst.idx.msk $0xffff, v24  }
0x2c9: {  	v40 =	vbroadcast v36, $0x0;
	v32 =	vbroadcast v23, $0x0;
	v24 =	vshll.u32 v21, v8;
	v21 =	vld [tilespmem:s7+$0xFFFFFF50];
	[tilespmem:v33+s30+$0x0] =	vst.idx.msk $0xffff, v26  }
.Ltmp7:
0x2ca: {  	v42 =	vbroadcast v30, $0x0;
	v33 =	vadd.s32 v16, v31;
	v26 =	vbroadcast v37, $0x0;
	v22 =	vld [tilespmem:s7+$0xFFFFFF60];
	[tilespmem:v29+s30+$0x0] =	vst.idx.msk $0xffff, v34;
	(pc) =	sbr.rel @p0 .LBB2_16-.Ltmp7, $4  }
0x2cb: {  	v39 =	vbroadcast v25, $0x0;
	v38 =	vadd.s32 v15, v31;
	v27 =	vbroadcast v24, $0x0;
	v25 =	vld [tilespmem:s7+$0xFFFFFF70];
	[tilespmem:v28+s30+$0x0] =	vst.idx.msk $0xffff, v41  }
0x2cc: {  	v35 =	vadd.s32 v16, v40;
	v36 =	vadd.s32 v15, v32;
	v37 =	vadd.s32 v16, v32;
	v23 =	vld [tilespmem:s7+$0xFFFFFF80]  }
0x2cd: {  	v34 =	vadd.s32 v15, v40;
	v32 =	vadd.s32 v16, v26;
	v31 =	vadd.s32 v15, v26;
	v24 =	vld [tilespmem:s7+$0xFFFFFF90]  }
0x2ce: {  	v30 =	vadd.s32 v9, v39;
	v29 =	vadd.s32 v16, v42;
	v28 =	vadd.s32 v15, v42;
	v26 =	vld [tilespmem:s7+$0xFFFFFFA0]  }
0x2cf: {  	_ =	sdelay $0x1  }
0x2d0: {  	v39 =	vadd.s32 v10, v39  }
0x2d1: {  	v33 =	vor.u32 $0x2, v33  }
0x2d2: {  	[tilespmem:v13+s30+$0x0] =	vst.idx.msk $0xffff, v11;
	v11 =	vor.u32 $0x3, v37  }
0x2d3: {  	[tilespmem:v30+s30+$0x0] =	vst.idx.msk $0xffff, v19;
	v53 =	vor.u32 $0x4, v35  }
0x2d4: {  	v55 =	vld [tilespmem:s7+$0xFFFFFFB0];
	v56 =	vor.u32 $0x5, v32;
	[tilespmem:v14+s30+$0x0] =	vst.idx.msk $0xffff, v12  }
0x2d5: {  	v62 =	vadd.s32 v16, v27;
	[tilespmem:v39+s30+$0x0] =	vst.idx.msk $0xffff, v20  }
0x2d6: {  	v38 =	vor.u32 $0x2, v38;
	[tilespmem:v33+s30+$0x0] =	vst.idx.msk $0xffff, v21  }
0x2d7: {  	v52 =	vor.u32 $0x3, v36;
	[tilespmem:v11+s30+$0x0] =	vst.idx.msk $0xffff, v25  }
0x2d8: {  	v54 =	vor.u32 $0x4, v34;
	[tilespmem:v53+s30+$0x0] =	vst.idx.msk $0xffff, v24  }
0x2d9: {  	v57 =	vld [tilespmem:s7+$0xFFFFFFC0];
	v58 =	vor.u32 $0x5, v31;
	[tilespmem:v56+s30+$0x0] =	vst.idx.msk $0xffff, v55  }
0x2da: {  	v63 =	vadd.s32 v15, v27;
	[tilespmem:v62+s30+$0x0] =	vst.idx.msk $0xffff, v18  }
0x2db: {  	v59 =	vor.u32 $0x6, v29;
	v11 =	vld [tilespmem:s7+$0xFFFFFFD0];
	[tilespmem:v38+s30+$0x0] =	vst.idx.msk $0xffff, v22  }
0x2dc: {  	v60 =	vld [tilespmem:s7+$0xFFFFFFE0];
	v61 =	vor.u32 $0x6, v28;
	[tilespmem:v52+s30+$0x0] =	vst.idx.msk $0xffff, v23  }
0x2dd: {  	[tilespmem:v54+s30+$0x0] =	vst.idx.msk $0xffff, v26  }
0x2de: {  	[tilespmem:v58+s30+$0x0] =	vst.idx.msk $0xffff, v57  }
0x2df: {  	[tilespmem:v63+s30+$0x0] =	vst.idx.msk $0xffff, v17  }
0x2e0: {  	[tilespmem:v59+s30+$0x0] =	vst.idx.msk $0xffff, v11  }
0x2e1: {  	[tilespmem:v61+s30+$0x0] =	vst.idx.msk $0xffff, v60  }
0x2e2: {  	s22 =	rddreg [dreg:$0xa]  }
0x2e3: {  	[hbm4b:s22+s3] =	stream.linear.scatter [tilespmem:s30], [sflag:$0x4], $0x1900, $0x38;
	[tilespmem:$0x19000] =	vst v63  }
0x2e4: {  	s26 =	rddreg [dreg:$0xb]  }
0x2e5: {  	[hbm4b:s26+s3] =	stream.linear.scatter [tilespmem:s0], [sflag:$0x4], $0x1900, $0x38;
	[tilespmem:$0x19000] =	vst v63  }
0x2e6: {  	_ =	swait.ge [sflag:s1], $0x3200  }
0x2e7: {  	[sflag:s1] =	ssyncset.done $0x0  }
0x2e8: {  	[sflag:s1] =	ssyncadd.s32 $0xFFFFCE00  }
0x2e9: {  	_ =	swait.ge [sflag:s16], $0x3200  }
0x2ea: {  	s17 =	sadd.s32 $0x1, s17;
	s31 =	rddreg [dreg:$0xc]  }
0x2eb: {  	p0 =	sne.s32 s17, s31  }
.Ltmp8:
0x2ec: {  	_ = 	snop;
	(pc) =	sbr.rel @p0 .LBB2_1-.Ltmp8, $3  }
0x2ed: {  	_ =	sdelay $0x1  }
0x2ee: {  	[sflag:s16] =	ssyncset.done $0x0  }
0x2ef: {  	[sflag:s16] =	ssyncadd.s32 $0xFFFFCE00  }
0x2f0: {  	_ =	sfence.sel $0x180000  }
0x2f1: {  	[bflag:$0x0] =	sbarrier.arrive $0xFFFF  }
0x2f2: {  	_ =	strace $0x90000047  }
0x2f3: {  	s0 =	stileid.u32;
	[bflag:$0x2] =	sbarrier.arrive $0xFFFF  }
0x2f4: {  	p0 =	sne.s32 s0, $0x0;
	s0 =	rddreg [dreg:$0x3]  }
0x2f5: {  	s0 =	sadd.s32 @!p0 $0x100000, s0  }
0x2f6: {  	[sflag:s0] =	ssyncadd.tile.s32 @!p0 $0x1;
	_ =	shalt  }
.Lfunc_end2:
_tile_overlayer_lowered:
.L_overlay_start_2:
0x2f7: {  	(tag) =	ssettag $0x2  }
0x2f8: {  	s0 =	rddreg [dreg:$0x0];
	s2 =	stileid.u32  }
0x2f9: {  	s1 =	rddreg [dreg:$0x1];
	p0 =	sne.s32 s2, $0x0  }
0x2fa: {  	s3 =	rddreg [dreg:$0x2];
	[bflag:$0x3] =	sbarrier.arrive $0xFFFF;
	s2 =	simm.s32 @!p0 $0x1C05  }
0x2fb: {  	[timem:s3], [sflag:s2] =	dma.local @!p0 [hbm:s0], s1  }
0x2fc: {  	s0 =	simm.s32 @!p0 $0x5  }
0x2fd: {  	_ =	swait.ge @!p0 [sflag:s0], s1  }
0x2fe: {  	s1 =	ssub.s32 @!p0 $0x0, s1;
	[sflag:s0] =	ssyncset.done @!p0 $0x0  }
0x2ff: {  	[sflag:s0] =	ssyncadd.s32 @!p0 s1  }
0x300: {  	[bflag:$0x3] =	sbarrier.arrive $0xFFFF  }
0x301: {  	_ =	shalt  }

// kernel: sparse-core-data-format-call.cloned.1.call-start
scs
called_computation_lowered:
.L_overlay_start_0:
0x0: {  	s2 =	sld [smem:$0x3FD9]  }
0x1: {  	s3 =	sld [smem:$0x3FFE];
	_ =	sdelay $0x1  }
0x2: {  	s1 =	srdreg.scid  }
0x3: {  	s0 =	sand.u32 $0x1, s1  }
0x4: {  	s18 =	sshll.u32 s0, $0xA;
	s2 =	sadd.s32 s3, s2  }
0x5: {  	s2 =	sadd.s32 s2, s18  }
0x6: {  	[smem:$0x3FC6] =	sst s2  }
0x7: {  	_ = 	snop  }
0x8: {  	s2 =	sld [smem:$0x3FD0];
	(tm) =	ssettm $0x1  }
0x9: {  	s19 =	sld [smem:$0x3FFB];
	_ =	sdelay $0x3  }
0xa: {  	_ =	strace s19  }
0xb: {  	s3 =	sld [smem:$0x3FFC];
	_ =	sdelay $0x3  }
0xc: {  	_ =	strace s3  }
0xd: {  	s3 =	sld [smem:$0x3FFD];
	_ =	sdelay $0x3  }
0xe: {  	_ =	strace s3  }
0xf: {  	_ =	strace $0x8FFFFFFF  }
0x10: {  	s20 =	sld [smem:$0x3FDB];
	_ =	sdelay $0x1  }
0x11: {  	s4 =	simm.s32 $_scs_section_size  }
0x12: {  	s5 =	simm.s32 $_size__tile_overlayer_lowered;
	s6 =	simm.s32 $_tile_overlayer_lowered  }
0x13: {  	s23 =	simm.s32 $0x1BFF;
	s22 =	sshll.u32 s6, $0x1;
	s3 =	sadd.s32 s4, s20  }
0x14: {  	s7 =	simm.s32 $0x0;
	s21 =	sshll.u32 s5, $0x1;
	s5 =	sadd.s32 s22, s3  }
0x15: {  	[timem:s7], [sflag:s23] =	dma.local [hbm:s5], s21  }
0x16: {  	_ =	swait.ge [sflag:s23], s21  }
0x17: {  	s4 =	ssub.s32 $0x0, s21;
	[sflag:s23] =	ssyncset.done $0x0  }
0x18: {  	[sflag:s23] =	ssyncadd.s32 s4;
	_ =	sdelay $0x1  }
0x19: {  	s24 =	simm.s32 $0x1B8B  }
0x1a: {  	_ =	swait.ge [sflag:s24], $0x1  }
0x1b: {  	[sflag:s24] =	ssyncset.done $0x0  }
0x1c: {  	s26 =	simm.s32 $0x1B8E;
	s25 =	sld [smem:$0x3FFE];
	[sflag:s24] =	ssyncadd.s32 $0xFFFFFFFF  }
0x1d: {  	s27 =	simm.s32 $execute0_lowered;
	[smem:$0x3FD2] =	sst s26  }
0x1e: {  	s5 =	sshll.u32 s27, $0x1;
	_ =	strace $0x80000049;
	[dreg:$0x1] =	wrdreg $0xFFFFFFFF  }
0x1f: {  	s28 =	simm.s32 $_size_execute0_lowered;
	s3 =	sadd.s32 s3, s5;
	[dreg:$0x0] =	wrdreg $0x0  }
0x20: {  	s5 =	sshll.u32 s28, $0x1;
	[dreg:$0x2] =	wrdreg s3  }
0x21: {  	[dreg:$0x3] =	wrdreg s5  }
0x22: {  	[dreg:$0x4] =	wrdreg $0xC0  }
0x23: {  	_ =	task [dreg:s7], $0x5FFFF  }
0x24: {  	[dreg:$0x1] =	wrdreg $0xFFFFFFFF  }
0x25: {  	[dreg:$0x0] =	wrdreg $0x60  }
0x26: {  	[dreg:$0x2] =	wrdreg s25  }
0x27: {  	[dreg:$0x3] =	wrdreg s2  }
0x28: {  	[dreg:$0x4] =	wrdreg $0x9  }
0x29: {  	_ =	task.clear_ibuf [dreg:s7], $0x5FFFF;
	_ =	strace $0x90000049  }
0x2a: {  	s29 =	simm.s32 $0x9;
	_ =	strace $0x8000004B  }
0x2b: {  	_ =	swait.ge [sflag:s29], $0x1  }
0x2c: {  	[sflag:s29] =	ssyncadd.s32 $0xFFFFFFFF  }
0x2d: {  	_ =	strace $0x9000004B  }
0x2e: {  	_ =	sfence  }
0x2f: {  	s30 =	sld [smem:$0x0];
	_ =	sdelay $0x2  }
0x30: {  	s31 =	sshll.u32 s1, $0xD;
	s1 =	sshrl.u32 s1, $0x2  }
0x31: {  	s3 =	sand.u32 $0x4000, s31;
	s1 =	sadd.s32 s1, s30  }
0x32: {  	s0 =	sor.u32 s3, s0;
	s1 =	sshll.u32 s1, $0x11  }
0x33: {  	s0 =	sor.u32 s1, s0  }
0x34: {  	s0 =	sadd.s32 $0x8F2B, s0  }
0x35: {  	[sflag:s0] =	ssyncadd.remote.s32 $0x1  }
0x36: {  	_ =	sfence.sel $0xFFFF  }
0x37: {  	[dreg:$0x0] =	wrdreg $0xFFFFFFFF;
	(pc) =	sbr.abs _section_cstart, $3  }
0x38: {  	[dreg:$0x1] =	wrdreg $0xFFFFFFFF  }
0x39: {  	_ =	task.clear_ibuf [dreg:s7], $0x2FFFF;
	_ =	strace $0x9FFFFFFF  }
0x3a: {  	(tm) =	ssettm $0x7FFFFFFF  }
0x3b: {  	_ =	shalt  }
tec
execute0_lowered:
.L_overlay_start_1:
0x0: {  	(tag) =	ssettag $0x1  }
0x1: {  	s5 =	rddreg [dreg:$0x0]  }
0x2: {  	s0 =	srdreg.scid;
	s3 =	rddreg [dreg:$0x1];
	s7 =	simm.s32 $0x1  }
0x3: {  	s8 =	simm.s32 $0x2;
	s16 =	simm.s32 $0x0;
	s1 =	sshll.u32 s0, $0x4  }
0x4: {  	s18 =	simm.s32 $0x0;
	s0 =	stileid.u32;
	s1 =	sand.u32 $0x10, s1  }
0x5: {  	s17 =	simm.s32 $0x0;
	s9 =	simm.s32 $0x0;
	s1 =	sor.u32 s0, s1  }
0x6: {  	s10 =	simm.s32 $0x0;
	s11 =	simm.s32 $0x0;
	s2 =	sshll.u32 s1, $0x7  }
0x7: {  	s12 =	simm.s32 $0x0;
	s13 =	simm.s32 $0x0;
	s6 =	ssub.s32 $0x1000, s2  }
0x8: {  	s15 =	simm.s32 $0x0;
	s5 =	sadd.s32 $0x800, s5;
	s4 =	sand.u32 $0xF80, s6  }
.Ltmp0:
0x9: {  	s1 =	rddreg [dreg:$0x2];
	p0 =	sne.s32 s4, $0x0;
	(pc) =	sbr.rel .LBB1_1-.Ltmp0, $4  }
0xa: {  	_ =	strace $0x8000004A;
	s6 =	sshrl.u32 s6, $0xC;
	s7 =	simm.s32 @!p0 $0x0  }
0xb: {  	s14 =	smov.u32 s2;
	s4 =	simm.s32 $0x1;
	s6 =	sadd.s32 s7, s6  }
0xc: {  	[sflag:s4] =	ssyncpa.u1 $0x0;
	p0 =	por $0x0, $0x0;
	s6 =	sshll.u32 s6, $0x6  }
0xd: {  	[sflag:s8] =	ssyncpa.u1 $0x0;
	s8 =	simm.s32 $0x8000;
	s7 =	sor.u32 $0x1, s6  }
.LBB1_4:
0xe: {  	s23 =	sshra.s32 s23, $0x2;
	s30 =	sshll.u32 s9, $0xC  }
0xf: {  	p1 =	sgt.s32 s10, $0x1F;
	s24 =	smov.u32 s10;
	s25 =	sshra.s32 s10, $0x1F  }
0x10: {  	s26 =	sshll.u32 s11, $0x3;
	s28 =	smov.u32 s11;
	s29 =	sshra.s32 s11, $0x1F  }
0x11: {  	s22 =	sadd.s32 s23, s22;
	s24 =	simm.s32 @!p1 $0x1F;
	s25 =	sand.u32 s25, s10  }
0x12: {  	s23 =	sand.u32 $0xFFFF8000, s30;
	s27 =	sand.u32 $0xFFFFFC00, s26;
	p1 =	sgt.s32 s9, $0x48  }
0x13: {  	s31 =	sand.u32 s29, s11;
	s29 =	sshll.u32 s9, $0x7;
	s30 =	sshra.s32 s9, $0x1F  }
0x14: {  	[tilespmem:s21+$0x2040 ss:$0x81] =	vst.msk $0xffff, v4;
	s24 =	ssub.s32 s24, s25;
	s23 =	sadd.s32 s27, s23;
	s27 =	smov.u32 s9  }
0x15: {  	[tilespmem:s21+$0x2850 ss:$0x81] =	vst.msk $0xffff, v3;
	s29 =	sand.u32 $0x380, s29;
	s25 =	sadd.s32 $0xFFFFFFE1, s24;
	s27 =	simm.s32 @!p1 $0x48  }
0x16: {  	v5 =	vld [tilespmem:s20+$0xFFFFFFD0];
	[tilespmem:s21+$0x3060 ss:$0x81] =	vst.msk $0xffff, v2;
	p1 =	sgt.s32 s11, $0xF80;
	s23 =	sshrl.u32 s23, $0xC;
	s24 =	ssub.s32 $0x20, s24  }
0x17: {  	v58 =	vld [tilespmem:s20+$0xFFFFFFE0];
	[tilespmem:s21+$0x0 ss:$0x81] =	vst.msk $0xffff, v1;
	s28 =	simm.s32 @!p1 $0xF80;
	p1 =	sgt.s32 s25, $0x0;
	s21 =	smulhi.u32 $0x147AE15, s23  }
0x18: {  	v59 =	vld [tilespmem:s20+$0xFFFFFFF0];
	s25 =	ssub.s32 s28, s31;
	s28 =	sand.u32 s30, s9;
	s24 =	simm.s32 @p1 $0x0  }
0x19: {  	v60 =	vld [tilespmem:s20+$0x0];
	s27 =	ssub.s32 s27, s28;
	s31 =	sadd.s32 $0xFFFFF080, s25;
	s25 =	ssub.s32 $0x1000, s25  }
0x1a: {  	v61 =	vld [tilespmem:s20+$0x10];
	[tilespmem:s22+$0x3870 ss:$0x81] =	vst.msk $0xffff, v0;
	s21 =	smul.u32 $0xC8, s21;
	s28 =	sand.u32 $0x7, s11;
	p1 =	sgt.s32 s31, $0x7F  }
0x1b: {  	v62 =	vld [tilespmem:s20+$0x20];
	[tilespmem:s22+$0x810 ss:$0x81] =	vst.msk $0xffff, v5;
	s30 =	sadd.s32 $0xFFFFFFB8, s27;
	s31 =	sand.u32 $0x78, s11;
	s25 =	simm.s32 @p1 $0x0  }
0x1c: {  	v63 =	vld [tilespmem:s20+$0xFFFFFFC0];
	[tilespmem:s22+$0x1020 ss:$0x81] =	vst.msk $0xffff, v58;
	p1 =	sgt.s32 s30, $0x7F;
	s30 =	sand.u32 $0xC00, s26;
	s24 =	smul.u32 s25, s24  }
0x1d: {  	[tilespmem:s22+$0x1830 ss:$0x81] =	vst.msk $0xffff, v59;
	s26 =	ssub.s32 $0xC8, s27;
	s20 =	sor.u32 s31, s30;
	s31 =	smul.u32 $0x19000, s10  }
0x1e: {  	[tilespmem:s22+$0x2040 ss:$0x81] =	vst.msk $0xffff, v60;
	s21 =	ssub.s32 s23, s21;
	s26 =	simm.s32 @p1 $0x0;
	s20 =	sor.u32 s29, s20  }
0x1f: {  	[tilespmem:s22+$0x2850 ss:$0x81] =	vst.msk $0xffff, v61;
	s26 =	smul.u32 s26, s24;
	s20 =	sshrl.u32 s20, $0x3;
	s27 =	sadd.s32 s3, s31  }
0x20: {  	[tilespmem:s22+$0x3060 ss:$0x81] =	vst.msk $0xffff, v62;
	s21 =	sshll.u32 s21, $0x9;
	s29 =	sshll.u32 s28, $0x12;
	s20 =	sadd.s32 s20, s27  }
0x21: {  	[tilespmem:s22+$0x0 ss:$0x81] =	vst.msk $0xffff, v63;
	s31 =	sor.u32 $0x400, s29;
	s30 =	sand.u32 $0x3FFFFFFF, s26;
	s20 =	sadd.s32 s21, s20  }
0x22: {  	[hbm4b:s20+s31] =	stream.strided.scatter [tilespmem:s19], [sflag:$0x2], s30, s8, s31, $0x20;
	[tilespmem:$0x10100] =	vst v63  }
.LBB1_5:
0x23: {  	p1 =	slt.u32 s15, $0x2  }
0x24: {  	p2 =	sgt.s32 @!p1 s18, $0x1F  }
0x25: {  	s19 =	smov.u32 s18;
	s20 =	sshra.s32 @!p1 s18, $0x1F;
	p2 =	por !p2, p1  }
0x26: {  	s18 =	sand.u32 @!p1 s20, s18;
	s19 =	simm.s32 @p2 $0x1F  }
0x27: {  	p3 =	sgt.s32 @!p1 s16, $0x48;
	s18 =	ssub.s32 @!p1 s19, s18  }
0x28: {  	p4 =	sgt.s32 @!p1 s17, $0xF80;
	s21 =	sshra.s32 @!p1 s17, $0x1F;
	s19 =	sadd.s32 @!p1 $0xFFFFFFE1, s18  }
0x29: {  	s20 =	smov.u32 s16;
	p2 =	sgt.s32 @!p1 s19, $0x0;
	s19 =	sshra.s32 @!p1 s16, $0x1F  }
0x2a: {  	p4 =	por !p4, p1;
	s16 =	sand.u32 @!p1 s19, s16;
	s19 =	smov.u32 s17  }
0x2b: {  	p3 =	por !p3, p1;
	s17 =	sand.u32 @!p1 s21, s17;
	s19 =	simm.s32 @p4 $0xF80  }
0x2c: {  	s20 =	simm.s32 @p3 $0x48;
	s18 =	ssub.s32 @!p1 $0x20, s18;
	s17 =	ssub.s32 @!p1 s19, s17  }
0x2d: {  	p2 =	por !p2, p1;
	s16 =	ssub.s32 @!p1 s20, s16;
	s20 =	sadd.s32 @!p1 $0xFFFFF080, s17  }
0x2e: {  	s18 =	simm.s32 @!p2 $0x0;
	p3 =	sgt.s32 @!p1 s20, $0x7F  }
0x2f: {  	s19 =	sadd.s32 @!p1 $0xFFFFFFB8, s16;
	s17 =	ssub.s32 @!p1 $0x1000, s17;
	p3 =	por !p3, p1  }
0x30: {  	p2 =	sgt.s32 @!p1 s19, $0x7F;
	s19 =	sadd.s32 $0x80, s12;
	s17 =	simm.s32 @!p3 $0x0  }
0x31: {  	p3 =	sgt.s32 s19, $0xC7;
	s17 =	smul.u32 @!p1 s17, s18;
	s18 =	simm.s32 $0x1  }
0x32: {  	s16 =	ssub.s32 @!p1 $0xC8, s16;
	p2 =	por !p2, p1;
	s18 =	simm.s32 @!p3 $0x0  }
0x33: {  	s21 =	smov.u32 s14;
	s16 =	simm.s32 @!p2 $0x0;
	s20 =	sadd.s32 s18, s13  }
0x34: {  	s16 =	smul.u32 @!p1 s16, s17;
	s17 =	sadd.s32 $0x1000, s14;
	p2 =	sgt.s32 s20, $0x1F  }
0x35: {  	p0 =	por !p0, !p0;
	s22 =	simm.s32 @!p1 $0x2;
	s21 =	smov.u32 @p2 s17  }
0x36: {  	s19 =	simm.s32 @p3 $0x0;
	s20 =	simm.s32 @p2 $0x0;
	p2 =	sgt.s32 s21, $0xFFF  }
0x37: {  	s18 =	smov.u32 s10;
	s21 =	smov.u32 @p2 s2;
	p2 =	sne.s32 s15, s7  }
.Ltmp1:
0x38: {  	s10 =	smov.u32 s13;
	s16 =	sand.u32 @!p1 $0x3FFFFFFF, s16;
	(pc) =	sbr.rel @!p2 .LBB1_6-.Ltmp1, $4  }
0x39: {  	s17 =	smov.u32 s11;
	s11 =	smov.u32 s14;
	_ =	swait.ge @!p1 [sflag:s22], s16  }
0x3a: {  	s23 =	ssub.s32 @!p1 $0x0, s16;
	s16 =	smov.u32 s9;
	s9 =	smov.u32 s12  }
0x3b: {  	s12 =	smov.u32 s19;
	s13 =	smov.u32 s20;
	[sflag:s22] =	ssyncset.done @!p1 $0x0  }
0x3c: {  	s15 =	sadd.s32 $0x1, s15;
	[sflag:s22] =	ssyncadd.s32 @!p1 s23;
	s14 =	smov.u32 s21  }
.LBB1_1:
0x3d: {  	p1 =	sge.u32 s15, s6  }
0x3e: {  	s31 =	sadd.s32 $0xFFFFFFFF, s15;
	s19 =	sxor.u32 @!p1 $0xFFFFFFFF, s15  }
0x3f: {  	s20 =	sshll.u32 @!p1 s13, $0x8;
	s21 =	sshll.u32 @!p1 s12, $0x3;
	s22 =	sshll.u32 @!p1 s13, $0x7  }
0x40: {  	s23 =	sand.u32 @!p1 $0x78, s12;
	s20 =	sand.u32 @!p1 $0x1800, s20;
	s21 =	sand.u32 @!p1 $0x1C00, s21  }
0x41: {  	s19 =	sshll.u32 @!p1 s19, $0xE;
	s20 =	sadd.s32 @!p1 s20, s21;
	s21 =	sand.u32 @!p1 $0x300, s22  }
0x42: {  	s19 =	sand.u32 @!p1 $0x4000, s19;
	s20 =	sor.u32 @!p1 s21, s20;
	s21 =	sand.u32 @!p1 $0x80, s22  }
0x43: {  	s22 =	sshll.u32 @!p1 s14, $0xA;
	s21 =	sor.u32 @!p1 s23, s21;
	s20 =	sshrl.u32 @!p1 s20, $0x3  }
0x44: {  	s22 =	sadd.s32 @!p1 s5, s22;
	s23 =	sand.u32 @!p1 $0x7, s12;
	s21 =	sshrl.u32 @!p1 s21, $0x3  }
0x45: {  	s20 =	sand.u32 @!p1 $0x3E0, s20;
	s21 =	sadd.s32 @!p1 s21, s22;
	s22 =	sshll.u32 @!p1 s23, $0x12  }
0x46: {  	s20 =	sadd.s32 @!p1 s20, s21;
	s21 =	sor.u32 @!p1 $0x80, s22;
	s22 =	simm.s32 @!p1 $0x2000  }
0x47: {  	[tilespmem:s19], [sflag:$0x1] =	stream.strided.gather @!p1 [hbm4b:s20+s21], $0x4000, s22, s21, $0x38;
	[tilespmem:$0x10100] =	vst v63  }
0x48: {  	p1 =	sge.u32 s31, s6  }
.Ltmp2:
0x49: {  	_ = 	snop;
	(pc) =	sbr.rel @p1 .LBB1_5-.Ltmp2, $1  }
0x4a: {  	_ =	sdelay $0x3  }
0x4b: {  	s19 =	simm.s32 $0x1  }
0x4c: {  	_ =	swait.ge [sflag:s4], $0x4000;
	s19 =	simm.s32 @!p0 $0x0  }
0x4d: {  	[sflag:s4] =	ssyncset.done $0x0;
	s20 =	sshll.u32 s19, $0xE  }
0x4e: {  	[sflag:s4] =	ssyncadd.s32 $0xFFFFC000;
	s20 =	sor.u32 $0x40, s20  }
0x4f: {  	s19 =	smul.u32 $0x10200, s19;
	v0 =	vld [tilespmem:s20+$0x30]  }
0x50: {  	v1 =	vld [tilespmem:s20+$0xFFFFFFD0]  }
0x51: {  	s19 =	sshrl.u32 s19, $0x2;
	v5 =	vld [tilespmem:s20+$0xFFFFFFE0]  }
0x52: {  	v6 =	vld [tilespmem:s20+$0xFFFFFFF0];
	s22 =	sor.u32 $0x8000, s19  }
0x53: {  	s31 =	sand.u32 $0x1, s15;
	v4 =	vld [tilespmem:s20+$0x0];
	s21 =	sadd.s32 $0x0, s22  }
0x54: {  	v3 =	vld [tilespmem:s20+$0x10];
	s19 =	smul.u32 $0x10200, s31;
	[tilespmem:s21+$0x3870 ss:$0x81] =	vst.msk $0xffff, v0  }
0x55: {  	v2 =	vld [tilespmem:s20+$0x20];
	[tilespmem:s21+$0x810 ss:$0x81] =	vst.msk $0xffff, v1  }
0x56: {  	s19 =	sshrl.u32 s19, $0x2;
	v1 =	vld [tilespmem:s20+$0xFFFFFFC0];
	[tilespmem:s21+$0x1020 ss:$0x81] =	vst.msk $0xffff, v5;
	s20 =	sadd.s32 $0x80, s20  }
0x57: {  	s23 =	simm.s32 $0x4;
	s24 =	simm.s32 $0x8;
	s19 =	sor.u32 $0x8000, s19;
	[tilespmem:s21+$0x1830 ss:$0x81] =	vst.msk $0xffff, v6;
	v0 =	vld [tilespmem:s20+$0x30]  }
.LBB1_3:
0x58: {  	p1 =	sne.s32 s24, $0x1FC;
	v5 =	vld [tilespmem:s20+$0xFFFFFFD0];
	[tilespmem:s21+$0x2040 ss:$0x81] =	vst.msk $0xffff, v4  }
0x59: {  	v6 =	vld [tilespmem:s20+$0xFFFFFFE0];
	[tilespmem:s21+$0x2850 ss:$0x81] =	vst.msk $0xffff, v3  }
0x5a: {  	s25 =	sshra.s32 s23, $0x2;
	s23 =	smov.u32 s24;
	v7 =	vld [tilespmem:s20+$0xFFFFFFF0];
	[tilespmem:s21+$0x3060 ss:$0x81] =	vst.msk $0xffff, v2  }
.Ltmp3:
0x5b: {  	v4 =	vld [tilespmem:s20+$0x0];
	[tilespmem:s21+$0x0 ss:$0x81] =	vst.msk $0xffff, v1;
	s21 =	sadd.s32 s25, s22;
	(pc) =	sbr.rel @p1 .LBB1_3-.Ltmp3, $4  }
0x5c: {  	v3 =	vld [tilespmem:s20+$0x10];
	[tilespmem:s21+$0x3870 ss:$0x81] =	vst.msk $0xffff, v0  }
0x5d: {  	[tilespmem:s21+$0x810 ss:$0x81] =	vst.msk $0xffff, v5;
	v2 =	vld [tilespmem:s20+$0x20]  }
0x5e: {  	v1 =	vld [tilespmem:s20+$0xFFFFFFC0];
	[tilespmem:s21+$0x1020 ss:$0x81] =	vst.msk $0xffff, v6;
	s20 =	sadd.s32 $0x80, s20  }
0x5f: {  	s24 =	sadd.s32 $0x4, s24;
	v0 =	vld [tilespmem:s20+$0x30];
	[tilespmem:s21+$0x1830 ss:$0x81] =	vst.msk $0xffff, v7  }
.Ltmp4:
0x60: {  	_ = 	snop;
	(pc) =	sbr.rel .LBB1_4-.Ltmp4, $1  }
0x61: {  	_ =	sdelay $0x3  }
.LBB1_6:
0x62: {  	_ =	sfence.sel $0x180000  }
0x63: {  	s2 =	simm.s32 $0x1;
	[bflag:$0x0] =	sbarrier.arrive $0xFFFF  }
0x64: {  	s31 =	simm.s32 $0x2;
	[sflag:s2] =	ssyncpa.u1 $0x1  }
0x65: {  	[sflag:s31] =	ssyncpa.u1 $0x1  }
0x66: {  	p0 =	sne.s32 s0, $0x0;
	_ =	strace $0x9000004A  }
0x67: {  	s0 =	sadd.s32 @!p0 $0x100000, s1;
	[bflag:$0x2] =	sbarrier.arrive $0xFFFF  }
0x68: {  	[sflag:s0] =	ssyncadd.tile.s32 @!p0 $0x1;
	_ =	shalt  }
.Lfunc_end1:
_tile_overlayer_lowered:
.L_overlay_start_2:
0x69: {  	(tag) =	ssettag $0x2  }
0x6a: {  	s0 =	rddreg [dreg:$0x0];
	s2 =	stileid.u32  }
0x6b: {  	s1 =	rddreg [dreg:$0x1];
	p0 =	sne.s32 s2, $0x0  }
0x6c: {  	s3 =	rddreg [dreg:$0x2];
	[bflag:$0x3] =	sbarrier.arrive $0xFFFF;
	s2 =	simm.s32 @!p0 $0x1C01  }
0x6d: {  	[timem:s3], [sflag:s2] =	dma.local @!p0 [hbm:s0], s1  }
0x6e: {  	s0 =	simm.s32 @!p0 $0x1  }
0x6f: {  	_ =	swait.ge @!p0 [sflag:s0], s1  }
0x70: {  	s1 =	ssub.s32 @!p0 $0x0, s1;
	[sflag:s0] =	ssyncset.done @!p0 $0x0  }
0x71: {  	[sflag:s0] =	ssyncadd.s32 @!p0 s1  }
0x72: {  	[bflag:$0x3] =	sbarrier.arrive $0xFFFF  }
0x73: {  	_ =	shalt  }

</sc_bundles>
